<compile_context>
chip_gen: v7x
topology: tpu7x:2x2x1
jax: 0.10.2.dev20260603
libtpu: 0.0.44.dev20260713+nightly
codegen_flags: <defaults>
</compile_context>

<pallas_src>
import functools

import jax
import jax.numpy as jnp
from jax import lax
from jax.experimental import pallas as pl
from jax.experimental.pallas import tpu as pltpu
from jax.experimental.pallas import tpu_sc as plsc

VOCAB = 100000
MAXLEN = 200
EMBED = 128
BATCH = 4096

NUM_CORES = 2
NUM_SUBCORES = 16
NW = NUM_CORES * NUM_SUBCORES
ROWS = BATCH * MAXLEN
ROWS_PER_W = ROWS // NW
CHUNKS_PER_W = ROWS_PER_W // MAXLEN
LANES = 16
D_VECS = EMBED // LANES

_mesh = plsc.VectorSubcoreMesh(core_axis_name="c", subcore_axis_name="s")


@functools.partial(
    pl.kernel,
    mesh=_mesh,
    out_type=jax.ShapeDtypeStruct((ROWS, EMBED), jnp.float32),
    scratch_types=[
        pltpu.VMEM((ROWS_PER_W,), jnp.int32),
        pltpu.VMEM((MAXLEN, EMBED), jnp.float32),
        pltpu.VMEM((MAXLEN, EMBED), jnp.float32),
        pltpu.VMEM((MAXLEN, EMBED), jnp.float32),
        pltpu.VMEM((MAXLEN, EMBED), jnp.float32),
        pltpu.SemaphoreType.DMA,
        pltpu.SemaphoreType.DMA,
        pltpu.SemaphoreType.DMA,
        pltpu.SemaphoreType.DMA,
        pltpu.SemaphoreType.DMA,
        pltpu.SemaphoreType.DMA,
    ],
)
def _emb_kernel(x_hbm, tok_hbm, pos_hbm, out_hbm, idx_v, pos_v,
                rows0, rows1, rows2, gsem0, gsem1, gsem2,
                wsem0, wsem1, wsem2):
    wid = lax.axis_index("s") * NUM_CORES + lax.axis_index("c")
    base = pl.multiple_of(wid * ROWS_PER_W, 8)

    rbuf = (rows0, rows1, rows2)
    gsem = (gsem0, gsem1, gsem2)
    wsem = (wsem0, wsem1, wsem2)

    pltpu.sync_copy(pos_hbm, pos_v)
    pltpu.sync_copy(x_hbm.at[pl.ds(base, ROWS_PER_W)], idx_v)

    _G_SPLITS = ((0, 128), (128, 72))

    def gather_start(g, buf, sem):
        off = pl.multiple_of(g * MAXLEN, 8)
        for o, n in _G_SPLITS:
            pltpu.async_copy(
                tok_hbm.at[idx_v.at[pl.ds(off + o, n)]],
                buf.at[pl.ds(o, n)], sem)

    def gather_wait(buf, sem):
        for o, n in _G_SPLITS:
            pltpu.make_async_copy(
                tok_hbm.at[idx_v.at[pl.ds(o, n)]], buf.at[pl.ds(o, n)], sem
            ).wait()

    def wb_start(g, buf, sem):
        off = pl.multiple_of(g * MAXLEN, 8)
        pltpu.async_copy(buf, out_hbm.at[pl.ds(base + off, MAXLEN)], sem)

    def wb_wait(buf, sem):
        pltpu.make_async_copy(buf, out_hbm.at[pl.ds(base, MAXLEN)], sem).wait()

    def add_pos(buf):
        def add_body(j, carry2):
            for u in range(4):
                t = j * 4 + u
                for d in range(D_VECS):
                    sl = pl.ds(d * LANES, LANES)
                    plsc.addupdate(buf.at[t, sl], pos_v[t, sl])
            return carry2

        lax.fori_loop(0, MAXLEN // 4, add_body, 0)

    def pipe_step(g, b):
        nb = (b + 1) % 3

        @pl.when(g + 1 < CHUNKS_PER_W)
        def _():
            @pl.when(g >= 2)
            def _():
                wb_wait(rbuf[nb], wsem[nb])

            gather_start(g + 1, rbuf[nb], gsem[nb])

        gather_wait(rbuf[b], gsem[b])
        add_pos(rbuf[b])
        wb_start(g, rbuf[b], wsem[b])

    gather_start(0, rbuf[0], gsem[0])

    def pipe_body(i, carry):
        for b in range(3):
            pipe_step(i * 3 + b, b)
        return carry

    n_main = (CHUNKS_PER_W // 3) * 3
    lax.fori_loop(0, CHUNKS_PER_W // 3, pipe_body, 0)
    for g in range(n_main, CHUNKS_PER_W):
        pipe_step(g, g % 3)
    for b in range(3):
        wb_wait(rbuf[b], wsem[b])


def kernel(x, token_table, pos_table):
    x_flat = x.reshape(-1).astype(jnp.int32)
    out = _emb_kernel(x_flat, token_table, pos_table)
    return out.reshape(BATCH, MAXLEN, EMBED)

# --- scband reference (transcript-rebuilt; emitter-appended) ---
"""Pipeline reference for scband-token-and-position-embedding-28587302322563 (READ-ONLY COPY).

The authoritative reference and input builder live on the scoring server;
editing this copy changes nothing except your own understanding.
"""

import jax, jax.numpy as jnp
import numpy as np

VOCAB = 100000
MAXLEN = 200
EMBED = 128
BATCH = 4096


def setup_inputs(seed: int = 0) -> dict:
    key = jax.random.key(seed)
    k1, k2, k3 = jax.random.split(key, 3)
    x = jax.random.randint(k1, (BATCH, MAXLEN), 0, VOCAB, dtype=jnp.int64 if jax.config.jax_enable_x64 else jnp.int32)
    token_table = jax.random.normal(k2, (VOCAB, EMBED), dtype=jnp.float32) * 0.05
    pos_table = jax.random.normal(k3, (MAXLEN, EMBED), dtype=jnp.float32) * 0.05
    return {"x": x, "token_table": token_table, "pos_table": pos_table}


def reference(x, token_table, pos_table):
    # positions = range(maxlen); pos_emb(positions)
    positions = jnp.arange(MAXLEN)
    pos = jnp.take(pos_table, positions, axis=0)          # [maxlen, embed]
    tok = jnp.take(token_table, x, axis=0)                # [batch, maxlen, embed]
    return tok + pos[None, :, :]

if __name__ == "__main__":
    import jax
    _d = setup_inputs()
    print(jax.jit(kernel)(*tuple(_d.values())))

</pallas_src>

<mosaic_0001>
#map = affine_map<(d0, d1) -> (0)>
#map1 = affine_map<(d0, d1) -> (0, 0)>
module attributes {stable_mosaic.version = 14 : i64} {
  func.func @_emb_kernel(%arg0: i32, %arg1: i32, %arg2: memref<819200xi32, #tpu.memory_space<hbm>>, %arg3: memref<100000x128xf32, #tpu.memory_space<hbm>>, %arg4: memref<200x128xf32, #tpu.memory_space<hbm>>, %arg5: memref<819200x128xf32, #tpu.memory_space<hbm>>, %arg6: memref<25600xi32, #tpu.memory_space<vmem>>, %arg7: memref<200x128xf32, #tpu.memory_space<vmem>>, %arg8: memref<200x128xf32, #tpu.memory_space<vmem>>, %arg9: memref<200x128xf32, #tpu.memory_space<vmem>>, %arg10: memref<200x128xf32, #tpu.memory_space<vmem>>, %arg11: memref<!tpu.dma_semaphore, #tpu.memory_space<semaphore_mem>>, %arg12: memref<!tpu.dma_semaphore, #tpu.memory_space<semaphore_mem>>, %arg13: memref<!tpu.dma_semaphore, #tpu.memory_space<semaphore_mem>>, %arg14: memref<!tpu.dma_semaphore, #tpu.memory_space<semaphore_mem>>, %arg15: memref<!tpu.dma_semaphore, #tpu.memory_space<semaphore_mem>>, %arg16: memref<!tpu.dma_semaphore, #tpu.memory_space<semaphore_mem>>) attributes {dimension_semantics = [#tpu.dimension_semantics<core_parallel>, #tpu.dimension_semantics<subcore_parallel>], iteration_bounds = array<i64: 2, 16>, scalar_prefetch = 0 : i64, scratch_operands = 11 : i64, tpu.core_type = #tpu.core_type<sc_vector_subcore>, window_params = [{transform_indices = #map}, {transform_indices = #map1}, {transform_indices = #map1}, {transform_indices = #map1}]} {
    %mul3A = arith.constant 2 : i32
    %mul3A_0 = arith.muli %arg1, %mul3A : i32
    %add3A = arith.addi %mul3A_0, %arg0 : i32
    %mul3A_1 = arith.constant 25600 : i32
    %mul3A_2 = arith.muli %add3A, %mul3A_1 : i32
    %multiple_of3A = tpu.assume_multiple %mul3A_2, 8 : i32
    "tpu.region"() ({
      %run_scoped3A = tpu.sem_alloc : memref<!tpu.dma_semaphore, #tpu.memory_space<semaphore_mem>>
      tpu.enqueue_dma source(%arg4 : memref<200x128xf32, #tpu.memory_space<hbm>>) target(%arg7 : memref<200x128xf32, #tpu.memory_space<vmem>>) target_semaphore(%run_scoped3A : memref<!tpu.dma_semaphore, #tpu.memory_space<semaphore_mem>>)
      tpu.wait_dma2 semaphore(%run_scoped3A : memref<!tpu.dma_semaphore, #tpu.memory_space<semaphore_mem>>) src(%arg4 : memref<200x128xf32, #tpu.memory_space<hbm>>) dst(%arg7 : memref<200x128xf32, #tpu.memory_space<vmem>>)
      tpu.yield
    }) : () -> ()
    "tpu.region"() ({
      %run_scoped3A = tpu.sem_alloc : memref<!tpu.dma_semaphore, #tpu.memory_space<semaphore_mem>>
      %dma_start3A_120 = tpu.memref_slice %arg2[%multiple_of3A] : memref<819200xi32, #tpu.memory_space<hbm>> -> memref<25600xi32, #tpu.memory_space<hbm>>
      %dma_start3A_121 = tpu.memref_slice %arg2[%multiple_of3A] : memref<819200xi32, #tpu.memory_space<hbm>> -> memref<25600xi32, #tpu.memory_space<hbm>>
      tpu.enqueue_dma source(%dma_start3A_121 : memref<25600xi32, #tpu.memory_space<hbm>>) target(%arg6 : memref<25600xi32, #tpu.memory_space<vmem>>) target_semaphore(%run_scoped3A : memref<!tpu.dma_semaphore, #tpu.memory_space<semaphore_mem>>)
      %dma_wait3A_122 = tpu.memref_slice %arg2[%multiple_of3A] : memref<819200xi32, #tpu.memory_space<hbm>> -> memref<25600xi32, #tpu.memory_space<hbm>>
      %dma_wait3A_123 = tpu.memref_slice %arg2[%multiple_of3A] : memref<819200xi32, #tpu.memory_space<hbm>> -> memref<25600xi32, #tpu.memory_space<hbm>>
      tpu.wait_dma2 semaphore(%run_scoped3A : memref<!tpu.dma_semaphore, #tpu.memory_space<semaphore_mem>>) src(%dma_wait3A_123 : memref<25600xi32, #tpu.memory_space<hbm>>) dst(%arg6 : memref<25600xi32, #tpu.memory_space<vmem>>)
      tpu.yield
    }) : () -> ()
    %multiple_of3A_3 = arith.constant 0 : i32
    %multiple_of3A_4 = tpu.assume_multiple %multiple_of3A_3, 8 : i32
    %add3A_5 = arith.constant 0 : i32
    %add3A_6 = arith.addi %multiple_of3A_4, %add3A_5 : i32
    %dma_start3A = arith.constant 0 : i32
    %dma_start3A_7 = arith.constant 0 : i32
    %dma_start3A_8 = tpu.memref_slice %arg8[%dma_start3A, %dma_start3A_7] : memref<200x128xf32, #tpu.memory_space<vmem>> -> memref<128x128xf32, #tpu.memory_space<vmem>>
    %dma_start3A_9 = tpu.memref_slice %arg6[%add3A_6] : memref<25600xi32, #tpu.memory_space<vmem>> -> memref<128xi32, #tpu.memory_space<vmem>>
    %dma_start3A_10 = arith.constant 0 : i32
    %dma_start3A_11 = arith.constant 0 : i32
    %dma_start3A_12 = tpu.memref_slice %arg3[%dma_start3A_10, %dma_start3A_11] : memref<100000x128xf32, #tpu.memory_space<hbm>> -> memref<100000x128xf32, #tpu.memory_space<hbm>>
    tpu.enqueue_indirect_dma source(%dma_start3A_12 : memref<100000x128xf32, #tpu.memory_space<hbm>>) target(%dma_start3A_8 : memref<128x128xf32, #tpu.memory_space<vmem>>) offsets(%dma_start3A_9 : memref<128xi32, #tpu.memory_space<vmem>>) semaphore(%arg11 : memref<!tpu.dma_semaphore, #tpu.memory_space<semaphore_mem>>)
    %add3A_13 = arith.constant 128 : i32
    %add3A_14 = arith.addi %multiple_of3A_4, %add3A_13 : i32
    %dma_start3A_15 = arith.constant 128 : i32
    %dma_start3A_16 = arith.constant 0 : i32
    %dma_start3A_17 = tpu.memref_slice %arg8[%dma_start3A_15, %dma_start3A_16] : memref<200x128xf32, #tpu.memory_space<vmem>> -> memref<72x128xf32, #tpu.memory_space<vmem>>
    %dma_start3A_18 = tpu.memref_slice %arg6[%add3A_14] : memref<25600xi32, #tpu.memory_space<vmem>> -> memref<72xi32, #tpu.memory_space<vmem>>
    %dma_start3A_19 = arith.constant 0 : i32
    %dma_start3A_20 = arith.constant 0 : i32
    %dma_start3A_21 = tpu.memref_slice %arg3[%dma_start3A_19, %dma_start3A_20] : memref<100000x128xf32, #tpu.memory_space<hbm>> -> memref<100000x128xf32, #tpu.memory_space<hbm>>
    tpu.enqueue_indirect_dma source(%dma_start3A_21 : memref<100000x128xf32, #tpu.memory_space<hbm>>) target(%dma_start3A_17 : memref<72x128xf32, #tpu.memory_space<vmem>>) offsets(%dma_start3A_18 : memref<72xi32, #tpu.memory_space<vmem>>) semaphore(%arg11 : memref<!tpu.dma_semaphore, #tpu.memory_space<semaphore_mem>>)
    %scan3A = arith.constant 0 : i32
    %scan3A_22 = arith.constant 0 : i32
    %scan3A_23 = arith.constant 42 : i32
    %scan3A_24 = arith.addi %scan3A_22, %scan3A_23 : i32
    %scan3A_25 = arith.constant 1 : i32
    scf.for %scan3A_120 = %scan3A_22 to %scan3A_24 step %scan3A_25  : i32 {
      %mul3A_121 = arith.constant 3 : i32
      %mul3A_122 = arith.muli %scan3A_120, %mul3A_121 : i32
      %add3A_123 = arith.constant 0 : i32
      %add3A_124 = arith.addi %mul3A_122, %add3A_123 : i32
      %add3A_125 = arith.constant 1 : i32
      %add3A_126 = arith.addi %add3A_124, %add3A_125 : i32
      %lt3A = arith.constant 128 : i32
      %lt3A_127 = arith.cmpi slt, %add3A_126, %lt3A : i32
      %convert_element_type3A = arith.extui %lt3A_127 : i1 to i32
      %cond3A = arith.constant 0 : i32
      %cond3A_128 = arith.cmpi ne, %convert_element_type3A, %cond3A : i32
      scf.if %cond3A_128 {
        %ge3A = arith.constant 2 : i32
        %ge3A_241 = arith.cmpi sge, %add3A_124, %ge3A : i32
        %convert_element_type3A_242 = arith.extui %ge3A_241 : i1 to i32
        %cond3A_243 = arith.constant 0 : i32
        %cond3A_244 = arith.cmpi ne, %convert_element_type3A_242, %cond3A_243 : i32
        scf.if %cond3A_244 {
          %dma_wait3A_268 = arith.constant 0 : i32
          %dma_wait3A_269 = tpu.memref_slice %arg5[%multiple_of3A, %dma_wait3A_268] : memref<819200x128xf32, #tpu.memory_space<hbm>> -> memref<200x128xf32, #tpu.memory_space<hbm>>
          %dma_wait3A_270 = arith.constant 0 : i32
          %dma_wait3A_271 = tpu.memref_slice %arg5[%multiple_of3A, %dma_wait3A_270] : memref<819200x128xf32, #tpu.memory_space<hbm>> -> memref<200x128xf32, #tpu.memory_space<hbm>>
          tpu.wait_dma2 semaphore(%arg15 : memref<!tpu.dma_semaphore, #tpu.memory_space<semaphore_mem>>) src(%arg9 : memref<200x128xf32, #tpu.memory_space<vmem>>) dst(%dma_wait3A_271 : memref<200x128xf32, #tpu.memory_space<hbm>>)
        } else {
        }
        %add3A_245 = arith.constant 1 : i32
        %add3A_246 = arith.addi %add3A_124, %add3A_245 : i32
        %mul3A_247 = arith.constant 200 : i32
        %mul3A_248 = arith.muli %add3A_246, %mul3A_247 : i32
        %multiple_of3A_249 = tpu.assume_multiple %mul3A_248, 8 : i32
        %add3A_250 = arith.constant 0 : i32
        %add3A_251 = arith.addi %multiple_of3A_249, %add3A_250 : i32
        %dma_start3A_252 = arith.constant 0 : i32
        %dma_start3A_253 = arith.constant 0 : i32
        %dma_start3A_254 = tpu.memref_slice %arg9[%dma_start3A_252, %dma_start3A_253] : memref<200x128xf32, #tpu.memory_space<vmem>> -> memref<128x128xf32, #tpu.memory_space<vmem>>
        %dma_start3A_255 = tpu.memref_slice %arg6[%add3A_251] : memref<25600xi32, #tpu.memory_space<vmem>> -> memref<128xi32, #tpu.memory_space<vmem>>
        %dma_start3A_256 = arith.constant 0 : i32
        %dma_start3A_257 = arith.constant 0 : i32
        %dma_start3A_258 = tpu.memref_slice %arg3[%dma_start3A_256, %dma_start3A_257] : memref<100000x128xf32, #tpu.memory_space<hbm>> -> memref<100000x128xf32, #tpu.memory_space<hbm>>
        tpu.enqueue_indirect_dma source(%dma_start3A_258 : memref<100000x128xf32, #tpu.memory_space<hbm>>) target(%dma_start3A_254 : memref<128x128xf32, #tpu.memory_space<vmem>>) offsets(%dma_start3A_255 : memref<128xi32, #tpu.memory_space<vmem>>) semaphore(%arg12 : memref<!tpu.dma_semaphore, #tpu.memory_space<semaphore_mem>>)
        %add3A_259 = arith.constant 128 : i32
        %add3A_260 = arith.addi %multiple_of3A_249, %add3A_259 : i32
        %dma_start3A_261 = arith.constant 128 : i32
        %dma_start3A_262 = arith.constant 0 : i32
        %dma_start3A_263 = tpu.memref_slice %arg9[%dma_start3A_261, %dma_start3A_262] : memref<200x128xf32, #tpu.memory_space<vmem>> -> memref<72x128xf32, #tpu.memory_space<vmem>>
        %dma_start3A_264 = tpu.memref_slice %arg6[%add3A_260] : memref<25600xi32, #tpu.memory_space<vmem>> -> memref<72xi32, #tpu.memory_space<vmem>>
        %dma_start3A_265 = arith.constant 0 : i32
        %dma_start3A_266 = arith.constant 0 : i32
        %dma_start3A_267 = tpu.memref_slice %arg3[%dma_start3A_265, %dma_start3A_266] : memref<100000x128xf32, #tpu.memory_space<hbm>> -> memref<100000x128xf32, #tpu.memory_space<hbm>>
        tpu.enqueue_indirect_dma source(%dma_start3A_267 : memref<100000x128xf32, #tpu.memory_space<hbm>>) target(%dma_start3A_263 : memref<72x128xf32, #tpu.memory_space<vmem>>) offsets(%dma_start3A_264 : memref<72xi32, #tpu.memory_space<vmem>>) semaphore(%arg12 : memref<!tpu.dma_semaphore, #tpu.memory_space<semaphore_mem>>)
      } else {
      }
      %dma_wait3A_129 = arith.constant 0 : i32
      %dma_wait3A_130 = arith.constant 0 : i32
      %dma_wait3A_131 = tpu.memref_slice %arg8[%dma_wait3A_129, %dma_wait3A_130] : memref<200x128xf32, #tpu.memory_space<vmem>> -> memref<128x128xf32, #tpu.memory_space<vmem>>
      %dma_wait3A_132 = arith.constant 0 : i32
      %dma_wait3A_133 = tpu.memref_slice %arg6[%dma_wait3A_132] : memref<25600xi32, #tpu.memory_space<vmem>> -> memref<128xi32, #tpu.memory_space<vmem>>
      %dma_wait3A_134 = arith.constant 0 : i32
      %dma_wait3A_135 = arith.constant 0 : i32
      %dma_wait3A_136 = tpu.memref_slice %arg3[%dma_wait3A_134, %dma_wait3A_135] : memref<100000x128xf32, #tpu.memory_space<hbm>> -> memref<100000x128xf32, #tpu.memory_space<hbm>>
      tpu.wait_indirect_dma semaphore(%arg11 : memref<!tpu.dma_semaphore, #tpu.memory_space<semaphore_mem>>) src(%dma_wait3A_136 : memref<100000x128xf32, #tpu.memory_space<hbm>>) dst(%dma_wait3A_131 : memref<128x128xf32, #tpu.memory_space<vmem>>)
      %dma_wait3A_137 = arith.constant 128 : i32
      %dma_wait3A_138 = arith.constant 0 : i32
      %dma_wait3A_139 = tpu.memref_slice %arg8[%dma_wait3A_137, %dma_wait3A_138] : memref<200x128xf32, #tpu.memory_space<vmem>> -> memref<72x128xf32, #tpu.memory_space<vmem>>
      %dma_wait3A_140 = arith.constant 128 : i32
      %dma_wait3A_141 = tpu.memref_slice %arg6[%dma_wait3A_140] : memref<25600xi32, #tpu.memory_space<vmem>> -> memref<72xi32, #tpu.memory_space<vmem>>
      %dma_wait3A_142 = arith.constant 0 : i32
      %dma_wait3A_143 = arith.constant 0 : i32
      %dma_wait3A_144 = tpu.memref_slice %arg3[%dma_wait3A_142, %dma_wait3A_143] : memref<100000x128xf32, #tpu.memory_space<hbm>> -> memref<100000x128xf32, #tpu.memory_space<hbm>>
      tpu.wait_indirect_dma semaphore(%arg11 : memref<!tpu.dma_semaphore, #tpu.memory_space<semaphore_mem>>) src(%dma_wait3A_144 : memref<100000x128xf32, #tpu.memory_space<hbm>>) dst(%dma_wait3A_139 : memref<72x128xf32, #tpu.memory_space<vmem>>)
      %scan3A_145 = arith.constant 0 : i32
      %scan3A_146 = arith.constant 0 : i32
      %scan3A_147 = arith.constant 50 : i32
      %scan3A_148 = arith.addi %scan3A_146, %scan3A_147 : i32
      %scan3A_149 = arith.constant 1 : i32
      scf.for %scan3A_241 = %scan3A_146 to %scan3A_148 step %scan3A_149  : i32 {
        %mul3A_242 = arith.constant 4 : i32
        %mul3A_243 = arith.muli %scan3A_241, %mul3A_242 : i32
        %add3A_244 = arith.constant 0 : i32
        %add3A_245 = arith.addi %mul3A_243, %add3A_244 : i32
        %get3A = arith.index_cast %add3A_245 : i32 to index
        %get3A_246 = arith.constant 0 : index
        %get3A_247 = tpu.vector_load %arg7[%get3A, %get3A_246] {strides = array<i32>} : memref<200x128xf32, #tpu.memory_space<vmem>>, vector<1x16xf32>,
        %get3A_248 = vector.shape_cast %get3A_247 : vector<1x16xf32> to vector<16xf32>
        %swap3A = arith.index_cast %add3A_245 : i32 to index
        %swap3A_249 = arith.constant 0 : index
        %swap3A_250 = tpu.vector_load %arg8[%swap3A, %swap3A_249] {strides = array<i32>} : memref<200x128xf32, #tpu.memory_space<vmem>>, vector<1x16xf32>,
        %swap3A_251 = vector.shape_cast %swap3A_250 : vector<1x16xf32> to vector<16xf32>
        %swap3A_252 = vector.shape_cast %get3A_248 : vector<16xf32> to vector<1x16xf32>
        tpu.vector_store %arg8[%swap3A, %swap3A_249], %swap3A_252 {add = true, strides = array<i32>} : memref<200x128xf32, #tpu.memory_space<vmem>>, vector<1x16xf32>,
        %get3A_253 = arith.index_cast %add3A_245 : i32 to index
        %get3A_254 = arith.constant 16 : index
        %get3A_255 = tpu.vector_load %arg7[%get3A_253, %get3A_254] {strides = array<i32>} : memref<200x128xf32, #tpu.memory_space<vmem>>, vector<1x16xf32>,
        %get3A_256 = vector.shape_cast %get3A_255 : vector<1x16xf32> to vector<16xf32>
        %swap3A_257 = arith.index_cast %add3A_245 : i32 to index
        %swap3A_258 = arith.constant 16 : index
        %swap3A_259 = tpu.vector_load %arg8[%swap3A_257, %swap3A_258] {strides = array<i32>} : memref<200x128xf32, #tpu.memory_space<vmem>>, vector<1x16xf32>,
        %swap3A_260 = vector.shape_cast %swap3A_259 : vector<1x16xf32> to vector<16xf32>
        %swap3A_261 = vector.shape_cast %get3A_256 : vector<16xf32> to vector<1x16xf32>
        tpu.vector_store %arg8[%swap3A_257, %swap3A_258], %swap3A_261 {add = true, strides = array<i32>} : memref<200x128xf32, #tpu.memory_space<vmem>>, vector<1x16xf32>,
        %get3A_262 = arith.index_cast %add3A_245 : i32 to index
        %get3A_263 = arith.constant 32 : index
        %get3A_264 = tpu.vector_load %arg7[%get3A_262, %get3A_263] {strides = array<i32>} : memref<200x128xf32, #tpu.memory_space<vmem>>, vector<1x16xf32>,
        %get3A_265 = vector.shape_cast %get3A_264 : vector<1x16xf32> to vector<16xf32>
        %swap3A_266 = arith.index_cast %add3A_245 : i32 to index
        %swap3A_267 = arith.constant 32 : index
        %swap3A_268 = tpu.vector_load %arg8[%swap3A_266, %swap3A_267] {strides = array<i32>} : memref<200x128xf32, #tpu.memory_space<vmem>>, vector<1x16xf32>,
        %swap3A_269 = vector.shape_cast %swap3A_268 : vector<1x16xf32> to vector<16xf32>
        %swap3A_270 = vector.shape_cast %get3A_265 : vector<16xf32> to vector<1x16xf32>
        tpu.vector_store %arg8[%swap3A_266, %swap3A_267], %swap3A_270 {add = true, strides = array<i32>} : memref<200x128xf32, #tpu.memory_space<vmem>>, vector<1x16xf32>,
        %get3A_271 = arith.index_cast %add3A_245 : i32 to index
        %get3A_272 = arith.constant 48 : index
        %get3A_273 = tpu.vector_load %arg7[%get3A_271, %get3A_272] {strides = array<i32>} : memref<200x128xf32, #tpu.memory_space<vmem>>, vector<1x16xf32>,
        %get3A_274 = vector.shape_cast %get3A_273 : vector<1x16xf32> to vector<16xf32>
        %swap3A_275 = arith.index_cast %add3A_245 : i32 to index
        %swap3A_276 = arith.constant 48 : index
        %swap3A_277 = tpu.vector_load %arg8[%swap3A_275, %swap3A_276] {strides = array<i32>} : memref<200x128xf32, #tpu.memory_space<vmem>>, vector<1x16xf32>,
        %swap3A_278 = vector.shape_cast %swap3A_277 : vector<1x16xf32> to vector<16xf32>
        %swap3A_279 = vector.shape_cast %get3A_274 : vector<16xf32> to vector<1x16xf32>
        tpu.vector_store %arg8[%swap3A_275, %swap3A_276], %swap3A_279 {add = true, strides = array<i32>} : memref<200x128xf32, #tpu.memory_space<vmem>>, vector<1x16xf32>,
        %get3A_280 = arith.index_cast %add3A_245 : i32 to index
        %get3A_281 = arith.constant 64 : index
        %get3A_282 = tpu.vector_load %arg7[%get3A_280, %get3A_281] {strides = array<i32>} : memref<200x128xf32, #tpu.memory_space<vmem>>, vector<1x16xf32>,
        %get3A_283 = vector.shape_cast %get3A_282 : vector<1x16xf32> to vector<16xf32>
        %swap3A_284 = arith.index_cast %add3A_245 : i32 to index
        %swap3A_285 = arith.constant 64 : index
        %swap3A_286 = tpu.vector_load %arg8[%swap3A_284, %swap3A_285] {strides = array<i32>} : memref<200x128xf32, #tpu.memory_space<vmem>>, vector<1x16xf32>,
        %swap3A_287 = vector.shape_cast %swap3A_286 : vector<1x16xf32> to vector<16xf32>
        %swap3A_288 = vector.shape_cast %get3A_283 : vector<16xf32> to vector<1x16xf32>
        tpu.vector_store %arg8[%swap3A_284, %swap3A_285], %swap3A_288 {add = true, strides = array<i32>} : memref<200x128xf32, #tpu.memory_space<vmem>>, vector<1x16xf32>,
        %get3A_289 = arith.index_cast %add3A_245 : i32 to index
        %get3A_290 = arith.constant 80 : index
        %get3A_291 = tpu.vector_load %arg7[%get3A_289, %get3A_290] {strides = array<i32>} : memref<200x128xf32, #tpu.memory_space<vmem>>, vector<1x16xf32>,
        %get3A_292 = vector.shape_cast %get3A_291 : vector<1x16xf32> to vector<16xf32>
        %swap3A_293 = arith.index_cast %add3A_245 : i32 to index
        %swap3A_294 = arith.constant 80 : index
        %swap3A_295 = tpu.vector_load %arg8[%swap3A_293, %swap3A_294] {strides = array<i32>} : memref<200x128xf32, #tpu.memory_space<vmem>>, vector<1x16xf32>,
        %swap3A_296 = vector.shape_cast %swap3A_295 : vector<1x16xf32> to vector<16xf32>
        %swap3A_297 = vector.shape_cast %get3A_292 : vector<16xf32> to vector<1x16xf32>
        tpu.vector_store %arg8[%swap3A_293, %swap3A_294], %swap3A_297 {add = true, strides = array<i32>} : memref<200x128xf32, #tpu.memory_space<vmem>>, vector<1x16xf32>,
        %get3A_298 = arith.index_cast %add3A_245 : i32 to index
        %get3A_299 = arith.constant 96 : index
        %get3A_300 = tpu.vector_load %arg7[%get3A_298, %get3A_299] {strides = array<i32>} : memref<200x128xf32, #tpu.memory_space<vmem>>, vector<1x16xf32>,
        %get3A_301 = vector.shape_cast %get3A_300 : vector<1x16xf32> to vector<16xf32>
        %swap3A_302 = arith.index_cast %add3A_245 : i32 to index
        %swap3A_303 = arith.constant 96 : index
        %swap3A_304 = tpu.vector_load %arg8[%swap3A_302, %swap3A_303] {strides = array<i32>} : memref<200x128xf32, #tpu.memory_space<vmem>>, vector<1x16xf32>,
        %swap3A_305 = vector.shape_cast %swap3A_304 : vector<1x16xf32> to vector<16xf32>
        %swap3A_306 = vector.shape_cast %get3A_301 : vector<16xf32> to vector<1x16xf32>
        tpu.vector_store %arg8[%swap3A_302, %swap3A_303], %swap3A_306 {add = true, strides = array<i32>} : memref<200x128xf32, #tpu.memory_space<vmem>>, vector<1x16xf32>,
        %get3A_307 = arith.index_cast %add3A_245 : i32 to index
        %get3A_308 = arith.constant 112 : index
        %get3A_309 = tpu.vector_load %arg7[%get3A_307, %get3A_308] {strides = array<i32>} : memref<200x128xf32, #tpu.memory_space<vmem>>, vector<1x16xf32>,
        %get3A_310 = vector.shape_cast %get3A_309 : vector<1x16xf32> to vector<16xf32>
        %swap3A_311 = arith.index_cast %add3A_245 : i32 to index
        %swap3A_312 = arith.constant 112 : index
        %swap3A_313 = tpu.vector_load %arg8[%swap3A_311, %swap3A_312] {strides = array<i32>} : memref<200x128xf32, #tpu.memory_space<vmem>>, vector<1x16xf32>,
        %swap3A_314 = vector.shape_cast %swap3A_313 : vector<1x16xf32> to vector<16xf32>
        %swap3A_315 = vector.shape_cast %get3A_310 : vector<16xf32> to vector<1x16xf32>
        tpu.vector_store %arg8[%swap3A_311, %swap3A_312], %swap3A_315 {add = true, strides = array<i32>} : memref<200x128xf32, #tpu.memory_space<vmem>>, vector<1x16xf32>,
        %mul3A_316 = arith.constant 4 : i32
        %mul3A_317 = arith.muli %scan3A_241, %mul3A_316 : i32
        %add3A_318 = arith.constant 1 : i32
        %add3A_319 = arith.addi %mul3A_317, %add3A_318 : i32
        %get3A_320 = arith.index_cast %add3A_319 : i32 to index
        %get3A_321 = arith.constant 0 : index
        %get3A_322 = tpu.vector_load %arg7[%get3A_320, %get3A_321] {strides = array<i32>} : memref<200x128xf32, #tpu.memory_space<vmem>>, vector<1x16xf32>,
        %get3A_323 = vector.shape_cast %get3A_322 : vector<1x16xf32> to vector<16xf32>
        %swap3A_324 = arith.index_cast %add3A_319 : i32 to index
        %swap3A_325 = arith.constant 0 : index
        %swap3A_326 = tpu.vector_load %arg8[%swap3A_324, %swap3A_325] {strides = array<i32>} : memref<200x128xf32, #tpu.memory_space<vmem>>, vector<1x16xf32>,
        %swap3A_327 = vector.shape_cast %swap3A_326 : vector<1x16xf32> to vector<16xf32>
        %swap3A_328 = vector.shape_cast %get3A_323 : vector<16xf32> to vector<1x16xf32>
        tpu.vector_store %arg8[%swap3A_324, %swap3A_325], %swap3A_328 {add = true, strides = array<i32>} : memref<200x128xf32, #tpu.memory_space<vmem>>, vector<1x16xf32>,
        %get3A_329 = arith.index_cast %add3A_319 : i32 to index
        %get3A_330 = arith.constant 16 : index
        %get3A_331 = tpu.vector_load %arg7[%get3A_329, %get3A_330] {strides = array<i32>} : memref<200x128xf32, #tpu.memory_space<vmem>>, vector<1x16xf32>,
        %get3A_332 = vector.shape_cast %get3A_331 : vector<1x16xf32> to vector<16xf32>
        %swap3A_333 = arith.index_cast %add3A_319 : i32 to index
        %swap3A_334 = arith.constant 16 : index
        %swap3A_335 = tpu.vector_load %arg8[%swap3A_333, %swap3A_334] {strides = array<i32>} : memref<200x128xf32, #tpu.memory_space<vmem>>, vector<1x16xf32>,
        %swap3A_336 = vector.shape_cast %swap3A_335 : vector<1x16xf32> to vector<16xf32>
        %swap3A_337 = vector.shape_cast %get3A_332 : vector<16xf32> to vector<1x16xf32>
        tpu.vector_store %arg8[%swap3A_333, %swap3A_334], %swap3A_337 {add = true, strides = array<i32>} : memref<200x128xf32, #tpu.memory_space<vmem>>, vector<1x16xf32>,
        %get3A_338 = arith.index_cast %add3A_319 : i32 to index
        %get3A_339 = arith.constant 32 : index
        %get3A_340 = tpu.vector_load %arg7[%get3A_338, %get3A_339] {strides = array<i32>} : memref<200x128xf32, #tpu.memory_space<vmem>>, vector<1x16xf32>,
        %get3A_341 = vector.shape_cast %get3A_340 : vector<1x16xf32> to vector<16xf32>
        %swap3A_342 = arith.index_cast %add3A_319 : i32 to index
        %swap3A_343 = arith.constant 32 : index
        %swap3A_344 = tpu.vector_load %arg8[%swap3A_342, %swap3A_343] {strides = array<i32>} : memref<200x128xf32, #tpu.memory_space<vmem>>, vector<1x16xf32>,
        %swap3A_345 = vector.shape_cast %swap3A_344 : vector<1x16xf32> to vector<16xf32>
        %swap3A_346 = vector.shape_cast %get3A_341 : vector<16xf32> to vector<1x16xf32>
        tpu.vector_store %arg8[%swap3A_342, %swap3A_343], %swap3A_346 {add = true, strides = array<i32>} : memref<200x128xf32, #tpu.memory_space<vmem>>, vector<1x16xf32>,
        %get3A_347 = arith.index_cast %add3A_319 : i32 to index
        %get3A_348 = arith.constant 48 : index
        %get3A_349 = tpu.vector_load %arg7[%get3A_347, %get3A_348] {strides = array<i32>} : memref<200x128xf32, #tpu.memory_space<vmem>>, vector<1x16xf32>,
        %get3A_350 = vector.shape_cast %get3A_349 : vector<1x16xf32> to vector<16xf32>
        %swap3A_351 = arith.index_cast %add3A_319 : i32 to index
        %swap3A_352 = arith.constant 48 : index
        %swap3A_353 = tpu.vector_load %arg8[%swap3A_351, %swap3A_352] {strides = array<i32>} : memref<200x128xf32, #tpu.memory_space<vmem>>, vector<1x16xf32>,
        %swap3A_354 = vector.shape_cast %swap3A_353 : vector<1x16xf32> to vector<16xf32>
        %swap3A_355 = vector.shape_cast %get3A_350 : vector<16xf32> to vector<1x16xf32>
        tpu.vector_store %arg8[%swap3A_351, %swap3A_352], %swap3A_355 {add = true, strides = array<i32>} : memref<200x128xf32, #tpu.memory_space<vmem>>, vector<1x16xf32>,
        %get3A_356 = arith.index_cast %add3A_319 : i32 to index
        %get3A_357 = arith.constant 64 : index
        %get3A_358 = tpu.vector_load %arg7[%get3A_356, %get3A_357] {strides = array<i32>} : memref<200x128xf32, #tpu.memory_space<vmem>>, vector<1x16xf32>,
        %get3A_359 = vector.shape_cast %get3A_358 : vector<1x16xf32> to vector<16xf32>
        %swap3A_360 = arith.index_cast %add3A_319 : i32 to index
        %swap3A_361 = arith.constant 64 : index
        %swap3A_362 = tpu.vector_load %arg8[%swap3A_360, %swap3A_361] {strides = array<i32>} : memref<200x128xf32, #tpu.memory_space<vmem>>, vector<1x16xf32>,
        %swap3A_363 = vector.shape_cast %swap3A_362 : vector<1x16xf32> to vector<16xf32>
        %swap3A_364 = vector.shape_cast %get3A_359 : vector<16xf32> to vector<1x16xf32>
        tpu.vector_store %arg8[%swap3A_360, %swap3A_361], %swap3A_364 {add = true, strides = array<i32>} : memref<200x128xf32, #tpu.memory_space<vmem>>, vector<1x16xf32>,
        %get3A_365 = arith.index_cast %add3A_319 : i32 to index
        %get3A_366 = arith.constant 80 : index
        %get3A_367 = tpu.vector_load %arg7[%get3A_365, %get3A_366] {strides = array<i32>} : memref<200x128xf32, #tpu.memory_space<vmem>>, vector<1x16xf32>,
        %get3A_368 = vector.shape_cast %get3A_367 : vector<1x16xf32> to vector<16xf32>
        %swap3A_369 = arith.index_cast %add3A_319 : i32 to index
        %swap3A_370 = arith.constant 80 : index
        %swap3A_371 = tpu.vector_load %arg8[%swap3A_369, %swap3A_370] {strides = array<i32>} : memref<200x128xf32, #tpu.memory_space<vmem>>, vector<1x16xf32>,
        %swap3A_372 = vector.shape_cast %swap3A_371 : vector<1x16xf32> to vector<16xf32>
        %swap3A_373 = vector.shape_cast %get3A_368 : vector<16xf32> to vector<1x16xf32>
        tpu.vector_store %arg8[%swap3A_369, %swap3A_370], %swap3A_373 {add = true, strides = array<i32>} : memref<200x128xf32, #tpu.memory_space<vmem>>, vector<1x16xf32>,
        %get3A_374 = arith.index_cast %add3A_319 : i32 to index
        %get3A_375 = arith.constant 96 : index
        %get3A_376 = tpu.vector_load %arg7[%get3A_374, %get3A_375] {strides = array<i32>} : memref<200x128xf32, #tpu.memory_space<vmem>>, vector<1x16xf32>,
        %get3A_377 = vector.shape_cast %get3A_376 : vector<1x16xf32> to vector<16xf32>
        %swap3A_378 = arith.index_cast %add3A_319 : i32 to index
        %swap3A_379 = arith.constant 96 : index
        %swap3A_380 = tpu.vector_load %arg8[%swap3A_378, %swap3A_379] {strides = array<i32>} : memref<200x128xf32, #tpu.memory_space<vmem>>, vector<1x16xf32>,
        %swap3A_381 = vector.shape_cast %swap3A_380 : vector<1x16xf32> to vector<16xf32>
        %swap3A_382 = vector.shape_cast %get3A_377 : vector<16xf32> to vector<1x16xf32>
        tpu.vector_store %arg8[%swap3A_378, %swap3A_379], %swap3A_382 {add = true, strides = array<i32>} : memref<200x128xf32, #tpu.memory_space<vmem>>, vector<1x16xf32>,
        %get3A_383 = arith.index_cast %add3A_319 : i32 to index
        %get3A_384 = arith.constant 112 : index
        %get3A_385 = tpu.vector_load %arg7[%get3A_383, %get3A_384] {strides = array<i32>} : memref<200x128xf32, #tpu.memory_space<vmem>>, vector<1x16xf32>,
        %get3A_386 = vector.shape_cast %get3A_385 : vector<1x16xf32> to vector<16xf32>
        %swap3A_387 = arith.index_cast %add3A_319 : i32 to index
        %swap3A_388 = arith.constant 112 : index
        %swap3A_389 = tpu.vector_load %arg8[%swap3A_387, %swap3A_388] {strides = array<i32>} : memref<200x128xf32, #tpu.memory_space<vmem>>, vector<1x16xf32>,
        %swap3A_390 = vector.shape_cast %swap3A_389 : vector<1x16xf32> to vector<16xf32>
        %swap3A_391 = vector.shape_cast %get3A_386 : vector<16xf32> to vector<1x16xf32>
        tpu.vector_store %arg8[%swap3A_387, %swap3A_388], %swap3A_391 {add = true, strides = array<i32>} : memref<200x128xf32, #tpu.memory_space<vmem>>, vector<1x16xf32>,
        %mul3A_392 = arith.constant 4 : i32
        %mul3A_393 = arith.muli %scan3A_241, %mul3A_392 : i32
        %add3A_394 = arith.constant 2 : i32
        %add3A_395 = arith.addi %mul3A_393, %add3A_394 : i32
        %get3A_396 = arith.index_cast %add3A_395 : i32 to index
        %get3A_397 = arith.constant 0 : index
        %get3A_398 = tpu.vector_load %arg7[%get3A_396, %get3A_397] {strides = array<i32>} : memref<200x128xf32, #tpu.memory_space<vmem>>, vector<1x16xf32>,
        %get3A_399 = vector.shape_cast %get3A_398 : vector<1x16xf32> to vector<16xf32>
        %swap3A_400 = arith.index_cast %add3A_395 : i32 to index
        %swap3A_401 = arith.constant 0 : index
        %swap3A_402 = tpu.vector_load %arg8[%swap3A_400, %swap3A_401] {strides = array<i32>} : memref<200x128xf32, #tpu.memory_space<vmem>>, vector<1x16xf32>,
        %swap3A_403 = vector.shape_cast %swap3A_402 : vector<1x16xf32> to vector<16xf32>
        %swap3A_404 = vector.shape_cast %get3A_399 : vector<16xf32> to vector<1x16xf32>
        tpu.vector_store %arg8[%swap3A_400, %swap3A_401], %swap3A_404 {add = true, strides = array<i32>} : memref<200x128xf32, #tpu.memory_space<vmem>>, vector<1x16xf32>,
        %get3A_405 = arith.index_cast %add3A_395 : i32 to index
        %get3A_406 = arith.constant 16 : index
        %get3A_407 = tpu.vector_load %arg7[%get3A_405, %get3A_406] {strides = array<i32>} : memref<200x128xf32, #tpu.memory_space<vmem>>, vector<1x16xf32>,
        %get3A_408 = vector.shape_cast %get3A_407 : vector<1x16xf32> to vector<16xf32>
        %swap3A_409 = arith.index_cast %add3A_395 : i32 to index
        %swap3A_410 = arith.constant 16 : index
        %swap3A_411 = tpu.vector_load %arg8[%swap3A_409, %swap3A_410] {strides = array<i32>} : memref<200x128xf32, #tpu.memory_space<vmem>>, vector<1x16xf32>,
        %swap3A_412 = vector.shape_cast %swap3A_411 : vector<1x16xf32> to vector<16xf32>
        %swap3A_413 = vector.shape_cast %get3A_408 : vector<16xf32> to vector<1x16xf32>
        tpu.vector_store %arg8[%swap3A_409, %swap3A_410], %swap3A_413 {add = true, strides = array<i32>} : memref<200x128xf32, #tpu.memory_space<vmem>>, vector<1x16xf32>,
        %get3A_414 = arith.index_cast %add3A_395 : i32 to index
        %get3A_415 = arith.constant 32 : index
        %get3A_416 = tpu.vector_load %arg7[%get3A_414, %get3A_415] {strides = array<i32>} : memref<200x128xf32, #tpu.memory_space<vmem>>, vector<1x16xf32>,
        %get3A_417 = vector.shape_cast %get3A_416 : vector<1x16xf32> to vector<16xf32>
        %swap3A_418 = arith.index_cast %add3A_395 : i32 to index
        %swap3A_419 = arith.constant 32 : index
        %swap3A_420 = tpu.vector_load %arg8[%swap3A_418, %swap3A_419] {strides = array<i32>} : memref<200x128xf32, #tpu.memory_space<vmem>>, vector<1x16xf32>,
        %swap3A_421 = vector.shape_cast %swap3A_420 : vector<1x16xf32> to vector<16xf32>
        %swap3A_422 = vector.shape_cast %get3A_417 : vector<16xf32> to vector<1x16xf32>
        tpu.vector_store %arg8[%swap3A_418, %swap3A_419], %swap3A_422 {add = true, strides = array<i32>} : memref<200x128xf32, #tpu.memory_space<vmem>>, vector<1x16xf32>,
        %get3A_423 = arith.index_cast %add3A_395 : i32 to index
        %get3A_424 = arith.constant 48 : index
        %get3A_425 = tpu.vector_load %arg7[%get3A_423, %get3A_424] {strides = array<i32>} : memref<200x128xf32, #tpu.memory_space<vmem>>, vector<1x16xf32>,
        %get3A_426 = vector.shape_cast %get3A_425 : vector<1x16xf32> to vector<16xf32>
        %swap3A_427 = arith.index_cast %add3A_395 : i32 to index
        %swap3A_428 = arith.constant 48 : index
        %swap3A_429 = tpu.vector_load %arg8[%swap3A_427, %swap3A_428] {strides = array<i32>} : memref<200x128xf32, #tpu.memory_space<vmem>>, vector<1x16xf32>,
        %swap3A_430 = vector.shape_cast %swap3A_429 : vector<1x16xf32> to vector<16xf32>
        %swap3A_431 = vector.shape_cast %get3A_426 : vector<16xf32> to vector<1x16xf32>
        tpu.vector_store %arg8[%swap3A_427, %swap3A_428], %swap3A_431 {add = true, strides = array<i32>} : memref<200x128xf32, #tpu.memory_space<vmem>>, vector<1x16xf32>,
        %get3A_432 = arith.index_cast %add3A_395 : i32 to index
        %get3A_433 = arith.constant 64 : index
        %get3A_434 = tpu.vector_load %arg7[%get3A_432, %get3A_433] {strides = array<i32>} : memref<200x128xf32, #tpu.memory_space<vmem>>, vector<1x16xf32>,
        %get3A_435 = vector.shape_cast %get3A_434 : vector<1x16xf32> to vector<16xf32>
        %swap3A_436 = arith.index_cast %add3A_395 : i32 to index
        %swap3A_437 = arith.constant 64 : index
        %swap3A_438 = tpu.vector_load %arg8[%swap3A_436, %swap3A_437] {strides = array<i32>} : memref<200x128xf32, #tpu.memory_space<vmem>>, vector<1x16xf32>,
        %swap3A_439 = vector.shape_cast %swap3A_438 : vector<1x16xf32> to vector<16xf32>
        %swap3A_440 = vector.shape_cast %get3A_435 : vector<16xf32> to vector<1x16xf32>
        tpu.vector_store %arg8[%swap3A_436, %swap3A_437], %swap3A_440 {add = true, strides = array<i32>} : memref<200x128xf32, #tpu.memory_space<vmem>>, vector<1x16xf32>,
        %get3A_441 = arith.index_cast %add3A_395 : i32 to index
        %get3A_442 = arith.constant 80 : index
        %get3A_443 = tpu.vector_load %arg7[%get3A_441, %get3A_442] {strides = array<i32>} : memref<200x128xf32, #tpu.memory_space<vmem>>, vector<1x16xf32>,
        %get3A_444 = vector.shape_cast %get3A_443 : vector<1x16xf32> to vector<16xf32>
        %swap3A_445 = arith.index_cast %add3A_395 : i32 to index
        %swap3A_446 = arith.constant 80 : index
        %swap3A_447 = tpu.vector_load %arg8[%swap3A_445, %swap3A_446] {strides = array<i32>} : memref<200x128xf32, #tpu.memory_space<vmem>>, vector<1x16xf32>,
        %swap3A_448 = vector.shape_cast %swap3A_447 : vector<1x16xf32> to vector<16xf32>
        %swap3A_449 = vector.shape_cast %get3A_444 : vector<16xf32> to vector<1x16xf32>
        tpu.vector_store %arg8[%swap3A_445, %swap3A_446], %swap3A_449 {add = true, strides = array<i32>} : memref<200x128xf32, #tpu.memory_space<vmem>>, vector<1x16xf32>,
        %get3A_450 = arith.index_cast %add3A_395 : i32 to index
        %get3A_451 = arith.constant 96 : index
        %get3A_452 = tpu.vector_load %arg7[%get3A_450, %get3A_451] {strides = array<i32>} : memref<200x128xf32, #tpu.memory_space<vmem>>, vector<1x16xf32>,
        %get3A_453 = vector.shape_cast %get3A_452 : vector<1x16xf32> to vector<16xf32>
        %swap3A_454 = arith.index_cast %add3A_395 : i32 to index
        %swap3A_455 = arith.constant 96 : index
        %swap3A_456 = tpu.vector_load %arg8[%swap3A_454, %swap3A_455] {strides = array<i32>} : memref<200x128xf32, #tpu.memory_space<vmem>>, vector<1x16xf32>,
        %swap3A_457 = vector.shape_cast %swap3A_456 : vector<1x16xf32> to vector<16xf32>
        %swap3A_458 = vector.shape_cast %get3A_453 : vector<16xf32> to vector<1x16xf32>
        tpu.vector_store %arg8[%swap3A_454, %swap3A_455], %swap3A_458 {add = true, strides = array<i32>} : memref<200x128xf32, #tpu.memory_space<vmem>>, vector<1x16xf32>,
        %get3A_459 = arith.index_cast %add3A_395 : i32 to index
        %get3A_460 = arith.constant 112 : index
        %get3A_461 = tpu.vector_load %arg7[%get3A_459, %get3A_460] {strides = array<i32>} : memref<200x128xf32, #tpu.memory_space<vmem>>, vector<1x16xf32>,
        %get3A_462 = vector.shape_cast %get3A_461 : vector<1x16xf32> to vector<16xf32>
        %swap3A_463 = arith.index_cast %add3A_395 : i32 to index
        %swap3A_464 = arith.constant 112 : index
        %swap3A_465 = tpu.vector_load %arg8[%swap3A_463, %swap3A_464] {strides = array<i32>} : memref<200x128xf32, #tpu.memory_space<vmem>>, vector<1x16xf32>,
        %swap3A_466 = vector.shape_cast %swap3A_465 : vector<1x16xf32> to vector<16xf32>
        %swap3A_467 = vector.shape_cast %get3A_462 : vector<16xf32> to vector<1x16xf32>
        tpu.vector_store %arg8[%swap3A_463, %swap3A_464], %swap3A_467 {add = true, strides = array<i32>} : memref<200x128xf32, #tpu.memory_space<vmem>>, vector<1x16xf32>,
        %mul3A_468 = arith.constant 4 : i32
        %mul3A_469 = arith.muli %scan3A_241, %mul3A_468 : i32
        %add3A_470 = arith.constant 3 : i32
        %add3A_471 = arith.addi %mul3A_469, %add3A_470 : i32
        %get3A_472 = arith.index_cast %add3A_471 : i32 to index
        %get3A_473 = arith.constant 0 : index
        %get3A_474 = tpu.vector_load %arg7[%get3A_472, %get3A_473] {strides = array<i32>} : memref<200x128xf32, #tpu.memory_space<vmem>>, vector<1x16xf32>,
        %get3A_475 = vector.shape_cast %get3A_474 : vector<1x16xf32> to vector<16xf32>
        %swap3A_476 = arith.index_cast %add3A_471 : i32 to index
        %swap3A_477 = arith.constant 0 : index
        %swap3A_478 = tpu.vector_load %arg8[%swap3A_476, %swap3A_477] {strides = array<i32>} : memref<200x128xf32, #tpu.memory_space<vmem>>, vector<1x16xf32>,
        %swap3A_479 = vector.shape_cast %swap3A_478 : vector<1x16xf32> to vector<16xf32>
        %swap3A_480 = vector.shape_cast %get3A_475 : vector<16xf32> to vector<1x16xf32>
        tpu.vector_store %arg8[%swap3A_476, %swap3A_477], %swap3A_480 {add = true, strides = array<i32>} : memref<200x128xf32, #tpu.memory_space<vmem>>, vector<1x16xf32>,
        %get3A_481 = arith.index_cast %add3A_471 : i32 to index
        %get3A_482 = arith.constant 16 : index
        %get3A_483 = tpu.vector_load %arg7[%get3A_481, %get3A_482] {strides = array<i32>} : memref<200x128xf32, #tpu.memory_space<vmem>>, vector<1x16xf32>,
        %get3A_484 = vector.shape_cast %get3A_483 : vector<1x16xf32> to vector<16xf32>
        %swap3A_485 = arith.index_cast %add3A_471 : i32 to index
        %swap3A_486 = arith.constant 16 : index
        %swap3A_487 = tpu.vector_load %arg8[%swap3A_485, %swap3A_486] {strides = array<i32>} : memref<200x128xf32, #tpu.memory_space<vmem>>, vector<1x16xf32>,
        %swap3A_488 = vector.shape_cast %swap3A_487 : vector<1x16xf32> to vector<16xf32>
        %swap3A_489 = vector.shape_cast %get3A_484 : vector<16xf32> to vector<1x16xf32>
        tpu.vector_store %arg8[%swap3A_485, %swap3A_486], %swap3A_489 {add = true, strides = array<i32>} : memref<200x128xf32, #tpu.memory_space<vmem>>, vector<1x16xf32>,
        %get3A_490 = arith.index_cast %add3A_471 : i32 to index
        %get3A_491 = arith.constant 32 : index
        %get3A_492 = tpu.vector_load %arg7[%get3A_490, %get3A_491] {strides = array<i32>} : memref<200x128xf32, #tpu.memory_space<vmem>>, vector<1x16xf32>,
        %get3A_493 = vector.shape_cast %get3A_492 : vector<1x16xf32> to vector<16xf32>
        %swap3A_494 = arith.index_cast %add3A_471 : i32 to index
        %swap3A_495 = arith.constant 32 : index
        %swap3A_496 = tpu.vector_load %arg8[%swap3A_494, %swap3A_495] {strides = array<i32>} : memref<200x128xf32, #tpu.memory_space<vmem>>, vector<1x16xf32>,
        %swap3A_497 = vector.shape_cast %swap3A_496 : vector<1x16xf32> to vector<16xf32>
        %swap3A_498 = vector.shape_cast %get3A_493 : vector<16xf32> to vector<1x16xf32>
        tpu.vector_store %arg8[%swap3A_494, %swap3A_495], %swap3A_498 {add = true, strides = array<i32>} : memref<200x128xf32, #tpu.memory_space<vmem>>, vector<1x16xf32>,
        %get3A_499 = arith.index_cast %add3A_471 : i32 to index
        %get3A_500 = arith.constant 48 : index
        %get3A_501 = tpu.vector_load %arg7[%get3A_499, %get3A_500] {strides = array<i32>} : memref<200x128xf32, #tpu.memory_space<vmem>>, vector<1x16xf32>,
        %get3A_502 = vector.shape_cast %get3A_501 : vector<1x16xf32> to vector<16xf32>
        %swap3A_503 = arith.index_cast %add3A_471 : i32 to index
        %swap3A_504 = arith.constant 48 : index
        %swap3A_505 = tpu.vector_load %arg8[%swap3A_503, %swap3A_504] {strides = array<i32>} : memref<200x128xf32, #tpu.memory_space<vmem>>, vector<1x16xf32>,
        %swap3A_506 = vector.shape_cast %swap3A_505 : vector<1x16xf32> to vector<16xf32>
        %swap3A_507 = vector.shape_cast %get3A_502 : vector<16xf32> to vector<1x16xf32>
        tpu.vector_store %arg8[%swap3A_503, %swap3A_504], %swap3A_507 {add = true, strides = array<i32>} : memref<200x128xf32, #tpu.memory_space<vmem>>, vector<1x16xf32>,
        %get3A_508 = arith.index_cast %add3A_471 : i32 to index
        %get3A_509 = arith.constant 64 : index
        %get3A_510 = tpu.vector_load %arg7[%get3A_508, %get3A_509] {strides = array<i32>} : memref<200x128xf32, #tpu.memory_space<vmem>>, vector<1x16xf32>,
        %get3A_511 = vector.shape_cast %get3A_510 : vector<1x16xf32> to vector<16xf32>
        %swap3A_512 = arith.index_cast %add3A_471 : i32 to index
        %swap3A_513 = arith.constant 64 : index
        %swap3A_514 = tpu.vector_load %arg8[%swap3A_512, %swap3A_513] {strides = array<i32>} : memref<200x128xf32, #tpu.memory_space<vmem>>, vector<1x16xf32>,
        %swap3A_515 = vector.shape_cast %swap3A_514 : vector<1x16xf32> to vector<16xf32>
        %swap3A_516 = vector.shape_cast %get3A_511 : vector<16xf32> to vector<1x16xf32>
        tpu.vector_store %arg8[%swap3A_512, %swap3A_513], %swap3A_516 {add = true, strides = array<i32>} : memref<200x128xf32, #tpu.memory_space<vmem>>, vector<1x16xf32>,
        %get3A_517 = arith.index_cast %add3A_471 : i32 to index
        %get3A_518 = arith.constant 80 : index
        %get3A_519 = tpu.vector_load %arg7[%get3A_517, %get3A_518] {strides = array<i32>} : memref<200x128xf32, #tpu.memory_space<vmem>>, vector<1x16xf32>,
        %get3A_520 = vector.shape_cast %get3A_519 : vector<1x16xf32> to vector<16xf32>
        %swap3A_521 = arith.index_cast %add3A_471 : i32 to index
        %swap3A_522 = arith.constant 80 : index
        %swap3A_523 = tpu.vector_load %arg8[%swap3A_521, %swap3A_522] {strides = array<i32>} : memref<200x128xf32, #tpu.memory_space<vmem>>, vector<1x16xf32>,
        %swap3A_524 = vector.shape_cast %swap3A_523 : vector<1x16xf32> to vector<16xf32>
        %swap3A_525 = vector.shape_cast %get3A_520 : vector<16xf32> to vector<1x16xf32>
        tpu.vector_store %arg8[%swap3A_521, %swap3A_522], %swap3A_525 {add = true, strides = array<i32>} : memref<200x128xf32, #tpu.memory_space<vmem>>, vector<1x16xf32>,
        %get3A_526 = arith.index_cast %add3A_471 : i32 to index
        %get3A_527 = arith.constant 96 : index
        %get3A_528 = tpu.vector_load %arg7[%get3A_526, %get3A_527] {strides = array<i32>} : memref<200x128xf32, #tpu.memory_space<vmem>>, vector<1x16xf32>,
        %get3A_529 = vector.shape_cast %get3A_528 : vector<1x16xf32> to vector<16xf32>
        %swap3A_530 = arith.index_cast %add3A_471 : i32 to index
        %swap3A_531 = arith.constant 96 : index
        %swap3A_532 = tpu.vector_load %arg8[%swap3A_530, %swap3A_531] {strides = array<i32>} : memref<200x128xf32, #tpu.memory_space<vmem>>, vector<1x16xf32>,
        %swap3A_533 = vector.shape_cast %swap3A_532 : vector<1x16xf32> to vector<16xf32>
        %swap3A_534 = vector.shape_cast %get3A_529 : vector<16xf32> to vector<1x16xf32>
        tpu.vector_store %arg8[%swap3A_530, %swap3A_531], %swap3A_534 {add = true, strides = array<i32>} : memref<200x128xf32, #tpu.memory_space<vmem>>, vector<1x16xf32>,
        %get3A_535 = arith.index_cast %add3A_471 : i32 to index
        %get3A_536 = arith.constant 112 : index
        %get3A_537 = tpu.vector_load %arg7[%get3A_535, %get3A_536] {strides = array<i32>} : memref<200x128xf32, #tpu.memory_space<vmem>>, vector<1x16xf32>,
        %get3A_538 = vector.shape_cast %get3A_537 : vector<1x16xf32> to vector<16xf32>
        %swap3A_539 = arith.index_cast %add3A_471 : i32 to index
        %swap3A_540 = arith.constant 112 : index
        %swap3A_541 = tpu.vector_load %arg8[%swap3A_539, %swap3A_540] {strides = array<i32>} : memref<200x128xf32, #tpu.memory_space<vmem>>, vector<1x16xf32>,
        %swap3A_542 = vector.shape_cast %swap3A_541 : vector<1x16xf32> to vector<16xf32>
        %swap3A_543 = vector.shape_cast %get3A_538 : vector<16xf32> to vector<1x16xf32>
        tpu.vector_store %arg8[%swap3A_539, %swap3A_540], %swap3A_543 {add = true, strides = array<i32>} : memref<200x128xf32, #tpu.memory_space<vmem>>, vector<1x16xf32>,
      }
      %scan3A_150 = arith.constant 50 : i32
      %mul3A_151 = arith.constant 200 : i32
      %mul3A_152 = arith.muli %add3A_124, %mul3A_151 : i32
      %multiple_of3A_153 = tpu.assume_multiple %mul3A_152, 8 : i32
      %add3A_154 = arith.addi %multiple_of3A, %multiple_of3A_153 : i32
      %dma_start3A_155 = arith.constant 0 : i32
      %dma_start3A_156 = tpu.memref_slice %arg5[%add3A_154, %dma_start3A_155] : memref<819200x128xf32, #tpu.memory_space<hbm>> -> memref<200x128xf32, #tpu.memory_space<hbm>>
      %dma_start3A_157 = arith.constant 0 : i32
      %dma_start3A_158 = tpu.memref_slice %arg5[%add3A_154, %dma_start3A_157] : memref<819200x128xf32, #tpu.memory_space<hbm>> -> memref<200x128xf32, #tpu.memory_space<hbm>>
      tpu.enqueue_dma source(%arg8 : memref<200x128xf32, #tpu.memory_space<vmem>>) target(%dma_start3A_158 : memref<200x128xf32, #tpu.memory_space<hbm>>) target_semaphore(%arg14 : memref<!tpu.dma_semaphore, #tpu.memory_space<semaphore_mem>>)
      %mul3A_159 = arith.constant 3 : i32
      %mul3A_160 = arith.muli %scan3A_120, %mul3A_159 : i32
      %add3A_161 = arith.constant 1 : i32
      %add3A_162 = arith.addi %mul3A_160, %add3A_161 : i32
      %add3A_163 = arith.constant 1 : i32
      %add3A_164 = arith.addi %add3A_162, %add3A_163 : i32
      %lt3A_165 = arith.constant 128 : i32
      %lt3A_166 = arith.cmpi slt, %add3A_164, %lt3A_165 : i32
      %convert_element_type3A_167 = arith.extui %lt3A_166 : i1 to i32
      %cond3A_168 = arith.constant 0 : i32
      %cond3A_169 = arith.cmpi ne, %convert_element_type3A_167, %cond3A_168 : i32
      scf.if %cond3A_169 {
        %ge3A = arith.constant 2 : i32
        %ge3A_241 = arith.cmpi sge, %add3A_162, %ge3A : i32
        %convert_element_type3A_242 = arith.extui %ge3A_241 : i1 to i32
        %cond3A_243 = arith.constant 0 : i32
        %cond3A_244 = arith.cmpi ne, %convert_element_type3A_242, %cond3A_243 : i32
        scf.if %cond3A_244 {
          %dma_wait3A_268 = arith.constant 0 : i32
          %dma_wait3A_269 = tpu.memref_slice %arg5[%multiple_of3A, %dma_wait3A_268] : memref<819200x128xf32, #tpu.memory_space<hbm>> -> memref<200x128xf32, #tpu.memory_space<hbm>>
          %dma_wait3A_270 = arith.constant 0 : i32
          %dma_wait3A_271 = tpu.memref_slice %arg5[%multiple_of3A, %dma_wait3A_270] : memref<819200x128xf32, #tpu.memory_space<hbm>> -> memref<200x128xf32, #tpu.memory_space<hbm>>
          tpu.wait_dma2 semaphore(%arg16 : memref<!tpu.dma_semaphore, #tpu.memory_space<semaphore_mem>>) src(%arg10 : memref<200x128xf32, #tpu.memory_space<vmem>>) dst(%dma_wait3A_271 : memref<200x128xf32, #tpu.memory_space<hbm>>)
        } else {
        }
        %add3A_245 = arith.constant 1 : i32
        %add3A_246 = arith.addi %add3A_162, %add3A_245 : i32
        %mul3A_247 = arith.constant 200 : i32
        %mul3A_248 = arith.muli %add3A_246, %mul3A_247 : i32
        %multiple_of3A_249 = tpu.assume_multiple %mul3A_248, 8 : i32
        %add3A_250 = arith.constant 0 : i32
        %add3A_251 = arith.addi %multiple_of3A_249, %add3A_250 : i32
        %dma_start3A_252 = arith.constant 0 : i32
        %dma_start3A_253 = arith.constant 0 : i32
        %dma_start3A_254 = tpu.memref_slice %arg10[%dma_start3A_252, %dma_start3A_253] : memref<200x128xf32, #tpu.memory_space<vmem>> -> memref<128x128xf32, #tpu.memory_space<vmem>>
        %dma_start3A_255 = tpu.memref_slice %arg6[%add3A_251] : memref<25600xi32, #tpu.memory_space<vmem>> -> memref<128xi32, #tpu.memory_space<vmem>>
        %dma_start3A_256 = arith.constant 0 : i32
        %dma_start3A_257 = arith.constant 0 : i32
        %dma_start3A_258 = tpu.memref_slice %arg3[%dma_start3A_256, %dma_start3A_257] : memref<100000x128xf32, #tpu.memory_space<hbm>> -> memref<100000x128xf32, #tpu.memory_space<hbm>>
        tpu.enqueue_indirect_dma source(%dma_start3A_258 : memref<100000x128xf32, #tpu.memory_space<hbm>>) target(%dma_start3A_254 : memref<128x128xf32, #tpu.memory_space<vmem>>) offsets(%dma_start3A_255 : memref<128xi32, #tpu.memory_space<vmem>>) semaphore(%arg13 : memref<!tpu.dma_semaphore, #tpu.memory_space<semaphore_mem>>)
        %add3A_259 = arith.constant 128 : i32
        %add3A_260 = arith.addi %multiple_of3A_249, %add3A_259 : i32
        %dma_start3A_261 = arith.constant 128 : i32
        %dma_start3A_262 = arith.constant 0 : i32
        %dma_start3A_263 = tpu.memref_slice %arg10[%dma_start3A_261, %dma_start3A_262] : memref<200x128xf32, #tpu.memory_space<vmem>> -> memref<72x128xf32, #tpu.memory_space<vmem>>
        %dma_start3A_264 = tpu.memref_slice %arg6[%add3A_260] : memref<25600xi32, #tpu.memory_space<vmem>> -> memref<72xi32, #tpu.memory_space<vmem>>
        %dma_start3A_265 = arith.constant 0 : i32
        %dma_start3A_266 = arith.constant 0 : i32
        %dma_start3A_267 = tpu.memref_slice %arg3[%dma_start3A_265, %dma_start3A_266] : memref<100000x128xf32, #tpu.memory_space<hbm>> -> memref<100000x128xf32, #tpu.memory_space<hbm>>
        tpu.enqueue_indirect_dma source(%dma_start3A_267 : memref<100000x128xf32, #tpu.memory_space<hbm>>) target(%dma_start3A_263 : memref<72x128xf32, #tpu.memory_space<vmem>>) offsets(%dma_start3A_264 : memref<72xi32, #tpu.memory_space<vmem>>) semaphore(%arg13 : memref<!tpu.dma_semaphore, #tpu.memory_space<semaphore_mem>>)
      } else {
      }
      %dma_wait3A_170 = arith.constant 0 : i32
      %dma_wait3A_171 = arith.constant 0 : i32
      %dma_wait3A_172 = tpu.memref_slice %arg9[%dma_wait3A_170, %dma_wait3A_171] : memref<200x128xf32, #tpu.memory_space<vmem>> -> memref<128x128xf32, #tpu.memory_space<vmem>>
      %dma_wait3A_173 = arith.constant 0 : i32
      %dma_wait3A_174 = tpu.memref_slice %arg6[%dma_wait3A_173] : memref<25600xi32, #tpu.memory_space<vmem>> -> memref<128xi32, #tpu.memory_space<vmem>>
      %dma_wait3A_175 = arith.constant 0 : i32
      %dma_wait3A_176 = arith.constant 0 : i32
      %dma_wait3A_177 = tpu.memref_slice %arg3[%dma_wait3A_175, %dma_wait3A_176] : memref<100000x128xf32, #tpu.memory_space<hbm>> -> memref<100000x128xf32, #tpu.memory_space<hbm>>
      tpu.wait_indirect_dma semaphore(%arg12 : memref<!tpu.dma_semaphore, #tpu.memory_space<semaphore_mem>>) src(%dma_wait3A_177 : memref<100000x128xf32, #tpu.memory_space<hbm>>) dst(%dma_wait3A_172 : memref<128x128xf32, #tpu.memory_space<vmem>>)
      %dma_wait3A_178 = arith.constant 128 : i32
      %dma_wait3A_179 = arith.constant 0 : i32
      %dma_wait3A_180 = tpu.memref_slice %arg9[%dma_wait3A_178, %dma_wait3A_179] : memref<200x128xf32, #tpu.memory_space<vmem>> -> memref<72x128xf32, #tpu.memory_space<vmem>>
      %dma_wait3A_181 = arith.constant 128 : i32
      %dma_wait3A_182 = tpu.memref_slice %arg6[%dma_wait3A_181] : memref<25600xi32, #tpu.memory_space<vmem>> -> memref<72xi32, #tpu.memory_space<vmem>>
      %dma_wait3A_183 = arith.constant 0 : i32
      %dma_wait3A_184 = arith.constant 0 : i32
      %dma_wait3A_185 = tpu.memref_slice %arg3[%dma_wait3A_183, %dma_wait3A_184] : memref<100000x128xf32, #tpu.memory_space<hbm>> -> memref<100000x128xf32, #tpu.memory_space<hbm>>
      tpu.wait_indirect_dma semaphore(%arg12 : memref<!tpu.dma_semaphore, #tpu.memory_space<semaphore_mem>>) src(%dma_wait3A_185 : memref<100000x128xf32, #tpu.memory_space<hbm>>) dst(%dma_wait3A_180 : memref<72x128xf32, #tpu.memory_space<vmem>>)
      %scan3A_186 = arith.constant 0 : i32
      %scan3A_187 = arith.constant 0 : i32
      %scan3A_188 = arith.constant 50 : i32
      %scan3A_189 = arith.addi %scan3A_187, %scan3A_188 : i32
      %scan3A_190 = arith.constant 1 : i32
      scf.for %scan3A_241 = %scan3A_187 to %scan3A_189 step %scan3A_190  : i32 {
        %mul3A_242 = arith.constant 4 : i32
        %mul3A_243 = arith.muli %scan3A_241, %mul3A_242 : i32
        %add3A_244 = arith.constant 0 : i32
        %add3A_245 = arith.addi %mul3A_243, %add3A_244 : i32
        %get3A = arith.index_cast %add3A_245 : i32 to index
        %get3A_246 = arith.constant 0 : index
        %get3A_247 = tpu.vector_load %arg7[%get3A, %get3A_246] {strides = array<i32>} : memref<200x128xf32, #tpu.memory_space<vmem>>, vector<1x16xf32>,
        %get3A_248 = vector.shape_cast %get3A_247 : vector<1x16xf32> to vector<16xf32>
        %swap3A = arith.index_cast %add3A_245 : i32 to index
        %swap3A_249 = arith.constant 0 : index
        %swap3A_250 = tpu.vector_load %arg9[%swap3A, %swap3A_249] {strides = array<i32>} : memref<200x128xf32, #tpu.memory_space<vmem>>, vector<1x16xf32>,
        %swap3A_251 = vector.shape_cast %swap3A_250 : vector<1x16xf32> to vector<16xf32>
        %swap3A_252 = vector.shape_cast %get3A_248 : vector<16xf32> to vector<1x16xf32>
        tpu.vector_store %arg9[%swap3A, %swap3A_249], %swap3A_252 {add = true, strides = array<i32>} : memref<200x128xf32, #tpu.memory_space<vmem>>, vector<1x16xf32>,
        %get3A_253 = arith.index_cast %add3A_245 : i32 to index
        %get3A_254 = arith.constant 16 : index
        %get3A_255 = tpu.vector_load %arg7[%get3A_253, %get3A_254] {strides = array<i32>} : memref<200x128xf32, #tpu.memory_space<vmem>>, vector<1x16xf32>,
        %get3A_256 = vector.shape_cast %get3A_255 : vector<1x16xf32> to vector<16xf32>
        %swap3A_257 = arith.index_cast %add3A_245 : i32 to index
        %swap3A_258 = arith.constant 16 : index
        %swap3A_259 = tpu.vector_load %arg9[%swap3A_257, %swap3A_258] {strides = array<i32>} : memref<200x128xf32, #tpu.memory_space<vmem>>, vector<1x16xf32>,
        %swap3A_260 = vector.shape_cast %swap3A_259 : vector<1x16xf32> to vector<16xf32>
        %swap3A_261 = vector.shape_cast %get3A_256 : vector<16xf32> to vector<1x16xf32>
        tpu.vector_store %arg9[%swap3A_257, %swap3A_258], %swap3A_261 {add = true, strides = array<i32>} : memref<200x128xf32, #tpu.memory_space<vmem>>, vector<1x16xf32>,
        %get3A_262 = arith.index_cast %add3A_245 : i32 to index
        %get3A_263 = arith.constant 32 : index
        %get3A_264 = tpu.vector_load %arg7[%get3A_262, %get3A_263] {strides = array<i32>} : memref<200x128xf32, #tpu.memory_space<vmem>>, vector<1x16xf32>,
        %get3A_265 = vector.shape_cast %get3A_264 : vector<1x16xf32> to vector<16xf32>
        %swap3A_266 = arith.index_cast %add3A_245 : i32 to index
        %swap3A_267 = arith.constant 32 : index
        %swap3A_268 = tpu.vector_load %arg9[%swap3A_266, %swap3A_267] {strides = array<i32>} : memref<200x128xf32, #tpu.memory_space<vmem>>, vector<1x16xf32>,
        %swap3A_269 = vector.shape_cast %swap3A_268 : vector<1x16xf32> to vector<16xf32>
        %swap3A_270 = vector.shape_cast %get3A_265 : vector<16xf32> to vector<1x16xf32>
        tpu.vector_store %arg9[%swap3A_266, %swap3A_267], %swap3A_270 {add = true, strides = array<i32>} : memref<200x128xf32, #tpu.memory_space<vmem>>, vector<1x16xf32>,
        %get3A_271 = arith.index_cast %add3A_245 : i32 to index
        %get3A_272 = arith.constant 48 : index
        %get3A_273 = tpu.vector_load %arg7[%get3A_271, %get3A_272] {strides = array<i32>} : memref<200x128xf32, #tpu.memory_space<vmem>>, vector<1x16xf32>,
        %get3A_274 = vector.shape_cast %get3A_273 : vector<1x16xf32> to vector<16xf32>
        %swap3A_275 = arith.index_cast %add3A_245 : i32 to index
        %swap3A_276 = arith.constant 48 : index
        %swap3A_277 = tpu.vector_load %arg9[%swap3A_275, %swap3A_276] {strides = array<i32>} : memref<200x128xf32, #tpu.memory_space<vmem>>, vector<1x16xf32>,
        %swap3A_278 = vector.shape_cast %swap3A_277 : vector<1x16xf32> to vector<16xf32>
        %swap3A_279 = vector.shape_cast %get3A_274 : vector<16xf32> to vector<1x16xf32>
        tpu.vector_store %arg9[%swap3A_275, %swap3A_276], %swap3A_279 {add = true, strides = array<i32>} : memref<200x128xf32, #tpu.memory_space<vmem>>, vector<1x16xf32>,
        %get3A_280 = arith.index_cast %add3A_245 : i32 to index
        %get3A_281 = arith.constant 64 : index
        %get3A_282 = tpu.vector_load %arg7[%get3A_280, %get3A_281] {strides = array<i32>} : memref<200x128xf32, #tpu.memory_space<vmem>>, vector<1x16xf32>,
        %get3A_283 = vector.shape_cast %get3A_282 : vector<1x16xf32> to vector<16xf32>
        %swap3A_284 = arith.index_cast %add3A_245 : i32 to index
        %swap3A_285 = arith.constant 64 : index
        %swap3A_286 = tpu.vector_load %arg9[%swap3A_284, %swap3A_285] {strides = array<i32>} : memref<200x128xf32, #tpu.memory_space<vmem>>, vector<1x16xf32>,
        %swap3A_287 = vector.shape_cast %swap3A_286 : vector<1x16xf32> to vector<16xf32>
        %swap3A_288 = vector.shape_cast %get3A_283 : vector<16xf32> to vector<1x16xf32>
        tpu.vector_store %arg9[%swap3A_284, %swap3A_285], %swap3A_288 {add = true, strides = array<i32>} : memref<200x128xf32, #tpu.memory_space<vmem>>, vector<1x16xf32>,
        %get3A_289 = arith.index_cast %add3A_245 : i32 to index
        %get3A_290 = arith.constant 80 : index
        %get3A_291 = tpu.vector_load %arg7[%get3A_289, %get3A_290] {strides = array<i32>} : memref<200x128xf32, #tpu.memory_space<vmem>>, vector<1x16xf32>,
        %get3A_292 = vector.shape_cast %get3A_291 : vector<1x16xf32> to vector<16xf32>
        %swap3A_293 = arith.index_cast %add3A_245 : i32 to index
        %swap3A_294 = arith.constant 80 : index
        %swap3A_295 = tpu.vector_load %arg9[%swap3A_293, %swap3A_294] {strides = array<i32>} : memref<200x128xf32, #tpu.memory_space<vmem>>, vector<1x16xf32>,
        %swap3A_296 = vector.shape_cast %swap3A_295 : vector<1x16xf32> to vector<16xf32>
        %swap3A_297 = vector.shape_cast %get3A_292 : vector<16xf32> to vector<1x16xf32>
        tpu.vector_store %arg9[%swap3A_293, %swap3A_294], %swap3A_297 {add = true, strides = array<i32>} : memref<200x128xf32, #tpu.memory_space<vmem>>, vector<1x16xf32>,
        %get3A_298 = arith.index_cast %add3A_245 : i32 to index
        %get3A_299 = arith.constant 96 : index
        %get3A_300 = tpu.vector_load %arg7[%get3A_298, %get3A_299] {strides = array<i32>} : memref<200x128xf32, #tpu.memory_space<vmem>>, vector<1x16xf32>,
        %get3A_301 = vector.shape_cast %get3A_300 : vector<1x16xf32> to vector<16xf32>
        %swap3A_302 = arith.index_cast %add3A_245 : i32 to index
        %swap3A_303 = arith.constant 96 : index
        %swap3A_304 = tpu.vector_load %arg9[%swap3A_302, %swap3A_303] {strides = array<i32>} : memref<200x128xf32, #tpu.memory_space<vmem>>, vector<1x16xf32>,
        %swap3A_305 = vector.shape_cast %swap3A_304 : vector<1x16xf32> to vector<16xf32>
        %swap3A_306 = vector.shape_cast %get3A_301 : vector<16xf32> to vector<1x16xf32>
        tpu.vector_store %arg9[%swap3A_302, %swap3A_303], %swap3A_306 {add = true, strides = array<i32>} : memref<200x128xf32, #tpu.memory_space<vmem>>, vector<1x16xf32>,
        %get3A_307 = arith.index_cast %add3A_245 : i32 to index
        %get3A_308 = arith.constant 112 : index
        %get3A_309 = tpu.vector_load %arg7[%get3A_307, %get3A_308] {strides = array<i32>} : memref<200x128xf32, #tpu.memory_space<vmem>>, vector<1x16xf32>,
        %get3A_310 = vector.shape_cast %get3A_309 : vector<1x16xf32> to vector<16xf32>
        %swap3A_311 = arith.index_cast %add3A_245 : i32 to index
        %swap3A_312 = arith.constant 112 : index
        %swap3A_313 = tpu.vector_load %arg9[%swap3A_311, %swap3A_312] {strides = array<i32>} : memref<200x128xf32, #tpu.memory_space<vmem>>, vector<1x16xf32>,
        %swap3A_314 = vector.shape_cast %swap3A_313 : vector<1x16xf32> to vector<16xf32>
        %swap3A_315 = vector.shape_cast %get3A_310 : vector<16xf32> to vector<1x16xf32>
        tpu.vector_store %arg9[%swap3A_311, %swap3A_312], %swap3A_315 {add = true, strides = array<i32>} : memref<200x128xf32, #tpu.memory_space<vmem>>, vector<1x16xf32>,
        %mul3A_316 = arith.constant 4 : i32
        %mul3A_317 = arith.muli %scan3A_241, %mul3A_316 : i32
        %add3A_318 = arith.constant 1 : i32
        %add3A_319 = arith.addi %mul3A_317, %add3A_318 : i32
        %get3A_320 = arith.index_cast %add3A_319 : i32 to index
        %get3A_321 = arith.constant 0 : index
        %get3A_322 = tpu.vector_load %arg7[%get3A_320, %get3A_321] {strides = array<i32>} : memref<200x128xf32, #tpu.memory_space<vmem>>, vector<1x16xf32>,
        %get3A_323 = vector.shape_cast %get3A_322 : vector<1x16xf32> to vector<16xf32>
        %swap3A_324 = arith.index_cast %add3A_319 : i32 to index
        %swap3A_325 = arith.constant 0 : index
        %swap3A_326 = tpu.vector_load %arg9[%swap3A_324, %swap3A_325] {strides = array<i32>} : memref<200x128xf32, #tpu.memory_space<vmem>>, vector<1x16xf32>,
        %swap3A_327 = vector.shape_cast %swap3A_326 : vector<1x16xf32> to vector<16xf32>
        %swap3A_328 = vector.shape_cast %get3A_323 : vector<16xf32> to vector<1x16xf32>
        tpu.vector_store %arg9[%swap3A_324, %swap3A_325], %swap3A_328 {add = true, strides = array<i32>} : memref<200x128xf32, #tpu.memory_space<vmem>>, vector<1x16xf32>,
        %get3A_329 = arith.index_cast %add3A_319 : i32 to index
        %get3A_330 = arith.constant 16 : index
        %get3A_331 = tpu.vector_load %arg7[%get3A_329, %get3A_330] {strides = array<i32>} : memref<200x128xf32, #tpu.memory_space<vmem>>, vector<1x16xf32>,
        %get3A_332 = vector.shape_cast %get3A_331 : vector<1x16xf32> to vector<16xf32>
        %swap3A_333 = arith.index_cast %add3A_319 : i32 to index
        %swap3A_334 = arith.constant 16 : index
        %swap3A_335 = tpu.vector_load %arg9[%swap3A_333, %swap3A_334] {strides = array<i32>} : memref<200x128xf32, #tpu.memory_space<vmem>>, vector<1x16xf32>,
        %swap3A_336 = vector.shape_cast %swap3A_335 : vector<1x16xf32> to vector<16xf32>
        %swap3A_337 = vector.shape_cast %get3A_332 : vector<16xf32> to vector<1x16xf32>
        tpu.vector_store %arg9[%swap3A_333, %swap3A_334], %swap3A_337 {add = true, strides = array<i32>} : memref<200x128xf32, #tpu.memory_space<vmem>>, vector<1x16xf32>,
        %get3A_338 = arith.index_cast %add3A_319 : i32 to index
        %get3A_339 = arith.constant 32 : index
        %get3A_340 = tpu.vector_load %arg7[%get3A_338, %get3A_339] {strides = array<i32>} : memref<200x128xf32, #tpu.memory_space<vmem>>, vector<1x16xf32>,
        %get3A_341 = vector.shape_cast %get3A_340 : vector<1x16xf32> to vector<16xf32>
        %swap3A_342 = arith.index_cast %add3A_319 : i32 to index
        %swap3A_343 = arith.constant 32 : index
        %swap3A_344 = tpu.vector_load %arg9[%swap3A_342, %swap3A_343] {strides = array<i32>} : memref<200x128xf32, #tpu.memory_space<vmem>>, vector<1x16xf32>,
        %swap3A_345 = vector.shape_cast %swap3A_344 : vector<1x16xf32> to vector<16xf32>
        %swap3A_346 = vector.shape_cast %get3A_341 : vector<16xf32> to vector<1x16xf32>
        tpu.vector_store %arg9[%swap3A_342, %swap3A_343], %swap3A_346 {add = true, strides = array<i32>} : memref<200x128xf32, #tpu.memory_space<vmem>>, vector<1x16xf32>,
        %get3A_347 = arith.index_cast %add3A_319 : i32 to index
        %get3A_348 = arith.constant 48 : index
        %get3A_349 = tpu.vector_load %arg7[%get3A_347, %get3A_348] {strides = array<i32>} : memref<200x128xf32, #tpu.memory_space<vmem>>, vector<1x16xf32>,
        %get3A_350 = vector.shape_cast %get3A_349 : vector<1x16xf32> to vector<16xf32>
        %swap3A_351 = arith.index_cast %add3A_319 : i32 to index
        %swap3A_352 = arith.constant 48 : index
        %swap3A_353 = tpu.vector_load %arg9[%swap3A_351, %swap3A_352] {strides = array<i32>} : memref<200x128xf32, #tpu.memory_space<vmem>>, vector<1x16xf32>,
        %swap3A_354 = vector.shape_cast %swap3A_353 : vector<1x16xf32> to vector<16xf32>
        %swap3A_355 = vector.shape_cast %get3A_350 : vector<16xf32> to vector<1x16xf32>
        tpu.vector_store %arg9[%swap3A_351, %swap3A_352], %swap3A_355 {add = true, strides = array<i32>} : memref<200x128xf32, #tpu.memory_space<vmem>>, vector<1x16xf32>,
        %get3A_356 = arith.index_cast %add3A_319 : i32 to index
        %get3A_357 = arith.constant 64 : index
        %get3A_358 = tpu.vector_load %arg7[%get3A_356, %get3A_357] {strides = array<i32>} : memref<200x128xf32, #tpu.memory_space<vmem>>, vector<1x16xf32>,
        %get3A_359 = vector.shape_cast %get3A_358 : vector<1x16xf32> to vector<16xf32>
        %swap3A_360 = arith.index_cast %add3A_319 : i32 to index
        %swap3A_361 = arith.constant 64 : index
        %swap3A_362 = tpu.vector_load %arg9[%swap3A_360, %swap3A_361] {strides = array<i32>} : memref<200x128xf32, #tpu.memory_space<vmem>>, vector<1x16xf32>,
        %swap3A_363 = vector.shape_cast %swap3A_362 : vector<1x16xf32> to vector<16xf32>
        %swap3A_364 = vector.shape_cast %get3A_359 : vector<16xf32> to vector<1x16xf32>
        tpu.vector_store %arg9[%swap3A_360, %swap3A_361], %swap3A_364 {add = true, strides = array<i32>} : memref<200x128xf32, #tpu.memory_space<vmem>>, vector<1x16xf32>,
        %get3A_365 = arith.index_cast %add3A_319 : i32 to index
        %get3A_366 = arith.constant 80 : index
        %get3A_367 = tpu.vector_load %arg7[%get3A_365, %get3A_366] {strides = array<i32>} : memref<200x128xf32, #tpu.memory_space<vmem>>, vector<1x16xf32>,
        %get3A_368 = vector.shape_cast %get3A_367 : vector<1x16xf32> to vector<16xf32>
        %swap3A_369 = arith.index_cast %add3A_319 : i32 to index
        %swap3A_370 = arith.constant 80 : index
        %swap3A_371 = tpu.vector_load %arg9[%swap3A_369, %swap3A_370] {strides = array<i32>} : memref<200x128xf32, #tpu.memory_space<vmem>>, vector<1x16xf32>,
        %swap3A_372 = vector.shape_cast %swap3A_371 : vector<1x16xf32> to vector<16xf32>
        %swap3A_373 = vector.shape_cast %get3A_368 : vector<16xf32> to vector<1x16xf32>
        tpu.vector_store %arg9[%swap3A_369, %swap3A_370], %swap3A_373 {add = true, strides = array<i32>} : memref<200x128xf32, #tpu.memory_space<vmem>>, vector<1x16xf32>,
        %get3A_374 = arith.index_cast %add3A_319 : i32 to index
        %get3A_375 = arith.constant 96 : index
        %get3A_376 = tpu.vector_load %arg7[%get3A_374, %get3A_375] {strides = array<i32>} : memref<200x128xf32, #tpu.memory_space<vmem>>, vector<1x16xf32>,
        %get3A_377 = vector.shape_cast %get3A_376 : vector<1x16xf32> to vector<16xf32>
        %swap3A_378 = arith.index_cast %add3A_319 : i32 to index
        %swap3A_379 = arith.constant 96 : index
        %swap3A_380 = tpu.vector_load %arg9[%swap3A_378, %swap3A_379] {strides = array<i32>} : memref<200x128xf32, #tpu.memory_space<vmem>>, vector<1x16xf32>,
        %swap3A_381 = vector.shape_cast %swap3A_380 : vector<1x16xf32> to vector<16xf32>
        %swap3A_382 = vector.shape_cast %get3A_377 : vector<16xf32> to vector<1x16xf32>
        tpu.vector_store %arg9[%swap3A_378, %swap3A_379], %swap3A_382 {add = true, strides = array<i32>} : memref<200x128xf32, #tpu.memory_space<vmem>>, vector<1x16xf32>,
        %get3A_383 = arith.index_cast %add3A_319 : i32 to index
        %get3A_384 = arith.constant 112 : index
        %get3A_385 = tpu.vector_load %arg7[%get3A_383, %get3A_384] {strides = array<i32>} : memref<200x128xf32, #tpu.memory_space<vmem>>, vector<1x16xf32>,
        %get3A_386 = vector.shape_cast %get3A_385 : vector<1x16xf32> to vector<16xf32>
        %swap3A_387 = arith.index_cast %add3A_319 : i32 to index
        %swap3A_388 = arith.constant 112 : index
        %swap3A_389 = tpu.vector_load %arg9[%swap3A_387, %swap3A_388] {strides = array<i32>} : memref<200x128xf32, #tpu.memory_space<vmem>>, vector<1x16xf32>,
        %swap3A_390 = vector.shape_cast %swap3A_389 : vector<1x16xf32> to vector<16xf32>
        %swap3A_391 = vector.shape_cast %get3A_386 : vector<16xf32> to vector<1x16xf32>
        tpu.vector_store %arg9[%swap3A_387, %swap3A_388], %swap3A_391 {add = true, strides = array<i32>} : memref<200x128xf32, #tpu.memory_space<vmem>>, vector<1x16xf32>,
        %mul3A_392 = arith.constant 4 : i32
        %mul3A_393 = arith.muli %scan3A_241, %mul3A_392 : i32
        %add3A_394 = arith.constant 2 : i32
        %add3A_395 = arith.addi %mul3A_393, %add3A_394 : i32
        %get3A_396 = arith.index_cast %add3A_395 : i32 to index
        %get3A_397 = arith.constant 0 : index
        %get3A_398 = tpu.vector_load %arg7[%get3A_396, %get3A_397] {strides = array<i32>} : memref<200x128xf32, #tpu.memory_space<vmem>>, vector<1x16xf32>,
        %get3A_399 = vector.shape_cast %get3A_398 : vector<1x16xf32> to vector<16xf32>
        %swap3A_400 = arith.index_cast %add3A_395 : i32 to index
        %swap3A_401 = arith.constant 0 : index
        %swap3A_402 = tpu.vector_load %arg9[%swap3A_400, %swap3A_401] {strides = array<i32>} : memref<200x128xf32, #tpu.memory_space<vmem>>, vector<1x16xf32>,
        %swap3A_403 = vector.shape_cast %swap3A_402 : vector<1x16xf32> to vector<16xf32>
        %swap3A_404 = vector.shape_cast %get3A_399 : vector<16xf32> to vector<1x16xf32>
        tpu.vector_store %arg9[%swap3A_400, %swap3A_401], %swap3A_404 {add = true, strides = array<i32>} : memref<200x128xf32, #tpu.memory_space<vmem>>, vector<1x16xf32>,
        %get3A_405 = arith.index_cast %add3A_395 : i32 to index
        %get3A_406 = arith.constant 16 : index
        %get3A_407 = tpu.vector_load %arg7[%get3A_405, %get3A_406] {strides = array<i32>} : memref<200x128xf32, #tpu.memory_space<vmem>>, vector<1x16xf32>,
        %get3A_408 = vector.shape_cast %get3A_407 : vector<1x16xf32> to vector<16xf32>
        %swap3A_409 = arith.index_cast %add3A_395 : i32 to index
        %swap3A_410 = arith.constant 16 : index
        %swap3A_411 = tpu.vector_load %arg9[%swap3A_409, %swap3A_410] {strides = array<i32>} : memref<200x128xf32, #tpu.memory_space<vmem>>, vector<1x16xf32>,
        %swap3A_412 = vector.shape_cast %swap3A_411 : vector<1x16xf32> to vector<16xf32>
        %swap3A_413 = vector.shape_cast %get3A_408 : vector<16xf32> to vector<1x16xf32>
        tpu.vector_store %arg9[%swap3A_409, %swap3A_410], %swap3A_413 {add = true, strides = array<i32>} : memref<200x128xf32, #tpu.memory_space<vmem>>, vector<1x16xf32>,
        %get3A_414 = arith.index_cast %add3A_395 : i32 to index
        %get3A_415 = arith.constant 32 : index
        %get3A_416 = tpu.vector_load %arg7[%get3A_414, %get3A_415] {strides = array<i32>} : memref<200x128xf32, #tpu.memory_space<vmem>>, vector<1x16xf32>,
        %get3A_417 = vector.shape_cast %get3A_416 : vector<1x16xf32> to vector<16xf32>
        %swap3A_418 = arith.index_cast %add3A_395 : i32 to index
        %swap3A_419 = arith.constant 32 : index
        %swap3A_420 = tpu.vector_load %arg9[%swap3A_418, %swap3A_419] {strides = array<i32>} : memref<200x128xf32, #tpu.memory_space<vmem>>, vector<1x16xf32>,
        %swap3A_421 = vector.shape_cast %swap3A_420 : vector<1x16xf32> to vector<16xf32>
        %swap3A_422 = vector.shape_cast %get3A_417 : vector<16xf32> to vector<1x16xf32>
        tpu.vector_store %arg9[%swap3A_418, %swap3A_419], %swap3A_422 {add = true, strides = array<i32>} : memref<200x128xf32, #tpu.memory_space<vmem>>, vector<1x16xf32>,
        %get3A_423 = arith.index_cast %add3A_395 : i32 to index
        %get3A_424 = arith.constant 48 : index
        %get3A_425 = tpu.vector_load %arg7[%get3A_423, %get3A_424] {strides = array<i32>} : memref<200x128xf32, #tpu.memory_space<vmem>>, vector<1x16xf32>,
        %get3A_426 = vector.shape_cast %get3A_425 : vector<1x16xf32> to vector<16xf32>
        %swap3A_427 = arith.index_cast %add3A_395 : i32 to index
        %swap3A_428 = arith.constant 48 : index
        %swap3A_429 = tpu.vector_load %arg9[%swap3A_427, %swap3A_428] {strides = array<i32>} : memref<200x128xf32, #tpu.memory_space<vmem>>, vector<1x16xf32>,
        %swap3A_430 = vector.shape_cast %swap3A_429 : vector<1x16xf32> to vector<16xf32>
        %swap3A_431 = vector.shape_cast %get3A_426 : vector<16xf32> to vector<1x16xf32>
        tpu.vector_store %arg9[%swap3A_427, %swap3A_428], %swap3A_431 {add = true, strides = array<i32>} : memref<200x128xf32, #tpu.memory_space<vmem>>, vector<1x16xf32>,
        %get3A_432 = arith.index_cast %add3A_395 : i32 to index
        %get3A_433 = arith.constant 64 : index
        %get3A_434 = tpu.vector_load %arg7[%get3A_432, %get3A_433] {strides = array<i32>} : memref<200x128xf32, #tpu.memory_space<vmem>>, vector<1x16xf32>,
        %get3A_435 = vector.shape_cast %get3A_434 : vector<1x16xf32> to vector<16xf32>
        %swap3A_436 = arith.index_cast %add3A_395 : i32 to index
        %swap3A_437 = arith.constant 64 : index
        %swap3A_438 = tpu.vector_load %arg9[%swap3A_436, %swap3A_437] {strides = array<i32>} : memref<200x128xf32, #tpu.memory_space<vmem>>, vector<1x16xf32>,
        %swap3A_439 = vector.shape_cast %swap3A_438 : vector<1x16xf32> to vector<16xf32>
        %swap3A_440 = vector.shape_cast %get3A_435 : vector<16xf32> to vector<1x16xf32>
        tpu.vector_store %arg9[%swap3A_436, %swap3A_437], %swap3A_440 {add = true, strides = array<i32>} : memref<200x128xf32, #tpu.memory_space<vmem>>, vector<1x16xf32>,
        %get3A_441 = arith.index_cast %add3A_395 : i32 to index
        %get3A_442 = arith.constant 80 : index
        %get3A_443 = tpu.vector_load %arg7[%get3A_441, %get3A_442] {strides = array<i32>} : memref<200x128xf32, #tpu.memory_space<vmem>>, vector<1x16xf32>,
        %get3A_444 = vector.shape_cast %get3A_443 : vector<1x16xf32> to vector<16xf32>
        %swap3A_445 = arith.index_cast %add3A_395 : i32 to index
        %swap3A_446 = arith.constant 80 : index
        %swap3A_447 = tpu.vector_load %arg9[%swap3A_445, %swap3A_446] {strides = array<i32>} : memref<200x128xf32, #tpu.memory_space<vmem>>, vector<1x16xf32>,
        %swap3A_448 = vector.shape_cast %swap3A_447 : vector<1x16xf32> to vector<16xf32>
        %swap3A_449 = vector.shape_cast %get3A_444 : vector<16xf32> to vector<1x16xf32>
        tpu.vector_store %arg9[%swap3A_445, %swap3A_446], %swap3A_449 {add = true, strides = array<i32>} : memref<200x128xf32, #tpu.memory_space<vmem>>, vector<1x16xf32>,
        %get3A_450 = arith.index_cast %add3A_395 : i32 to index
        %get3A_451 = arith.constant 96 : index
        %get3A_452 = tpu.vector_load %arg7[%get3A_450, %get3A_451] {strides = array<i32>} : memref<200x128xf32, #tpu.memory_space<vmem>>, vector<1x16xf32>,
        %get3A_453 = vector.shape_cast %get3A_452 : vector<1x16xf32> to vector<16xf32>
        %swap3A_454 = arith.index_cast %add3A_395 : i32 to index
        %swap3A_455 = arith.constant 96 : index
        %swap3A_456 = tpu.vector_load %arg9[%swap3A_454, %swap3A_455] {strides = array<i32>} : memref<200x128xf32, #tpu.memory_space<vmem>>, vector<1x16xf32>,
        %swap3A_457 = vector.shape_cast %swap3A_456 : vector<1x16xf32> to vector<16xf32>
        %swap3A_458 = vector.shape_cast %get3A_453 : vector<16xf32> to vector<1x16xf32>
        tpu.vector_store %arg9[%swap3A_454, %swap3A_455], %swap3A_458 {add = true, strides = array<i32>} : memref<200x128xf32, #tpu.memory_space<vmem>>, vector<1x16xf32>,
        %get3A_459 = arith.index_cast %add3A_395 : i32 to index
        %get3A_460 = arith.constant 112 : index
        %get3A_461 = tpu.vector_load %arg7[%get3A_459, %get3A_460] {strides = array<i32>} : memref<200x128xf32, #tpu.memory_space<vmem>>, vector<1x16xf32>,
        %get3A_462 = vector.shape_cast %get3A_461 : vector<1x16xf32> to vector<16xf32>
        %swap3A_463 = arith.index_cast %add3A_395 : i32 to index
        %swap3A_464 = arith.constant 112 : index
        %swap3A_465 = tpu.vector_load %arg9[%swap3A_463, %swap3A_464] {strides = array<i32>} : memref<200x128xf32, #tpu.memory_space<vmem>>, vector<1x16xf32>,
        %swap3A_466 = vector.shape_cast %swap3A_465 : vector<1x16xf32> to vector<16xf32>
        %swap3A_467 = vector.shape_cast %get3A_462 : vector<16xf32> to vector<1x16xf32>
        tpu.vector_store %arg9[%swap3A_463, %swap3A_464], %swap3A_467 {add = true, strides = array<i32>} : memref<200x128xf32, #tpu.memory_space<vmem>>, vector<1x16xf32>,
        %mul3A_468 = arith.constant 4 : i32
        %mul3A_469 = arith.muli %scan3A_241, %mul3A_468 : i32
        %add3A_470 = arith.constant 3 : i32
        %add3A_471 = arith.addi %mul3A_469, %add3A_470 : i32
        %get3A_472 = arith.index_cast %add3A_471 : i32 to index
        %get3A_473 = arith.constant 0 : index
        %get3A_474 = tpu.vector_load %arg7[%get3A_472, %get3A_473] {strides = array<i32>} : memref<200x128xf32, #tpu.memory_space<vmem>>, vector<1x16xf32>,
        %get3A_475 = vector.shape_cast %get3A_474 : vector<1x16xf32> to vector<16xf32>
        %swap3A_476 = arith.index_cast %add3A_471 : i32 to index
        %swap3A_477 = arith.constant 0 : index
        %swap3A_478 = tpu.vector_load %arg9[%swap3A_476, %swap3A_477] {strides = array<i32>} : memref<200x128xf32, #tpu.memory_space<vmem>>, vector<1x16xf32>,
        %swap3A_479 = vector.shape_cast %swap3A_478 : vector<1x16xf32> to vector<16xf32>
        %swap3A_480 = vector.shape_cast %get3A_475 : vector<16xf32> to vector<1x16xf32>
        tpu.vector_store %arg9[%swap3A_476, %swap3A_477], %swap3A_480 {add = true, strides = array<i32>} : memref<200x128xf32, #tpu.memory_space<vmem>>, vector<1x16xf32>,
        %get3A_481 = arith.index_cast %add3A_471 : i32 to index
        %get3A_482 = arith.constant 16 : index
        %get3A_483 = tpu.vector_load %arg7[%get3A_481, %get3A_482] {strides = array<i32>} : memref<200x128xf32, #tpu.memory_space<vmem>>, vector<1x16xf32>,
        %get3A_484 = vector.shape_cast %get3A_483 : vector<1x16xf32> to vector<16xf32>
        %swap3A_485 = arith.index_cast %add3A_471 : i32 to index
        %swap3A_486 = arith.constant 16 : index
        %swap3A_487 = tpu.vector_load %arg9[%swap3A_485, %swap3A_486] {strides = array<i32>} : memref<200x128xf32, #tpu.memory_space<vmem>>, vector<1x16xf32>,
        %swap3A_488 = vector.shape_cast %swap3A_487 : vector<1x16xf32> to vector<16xf32>
        %swap3A_489 = vector.shape_cast %get3A_484 : vector<16xf32> to vector<1x16xf32>
        tpu.vector_store %arg9[%swap3A_485, %swap3A_486], %swap3A_489 {add = true, strides = array<i32>} : memref<200x128xf32, #tpu.memory_space<vmem>>, vector<1x16xf32>,
        %get3A_490 = arith.index_cast %add3A_471 : i32 to index
        %get3A_491 = arith.constant 32 : index
        %get3A_492 = tpu.vector_load %arg7[%get3A_490, %get3A_491] {strides = array<i32>} : memref<200x128xf32, #tpu.memory_space<vmem>>, vector<1x16xf32>,
        %get3A_493 = vector.shape_cast %get3A_492 : vector<1x16xf32> to vector<16xf32>
        %swap3A_494 = arith.index_cast %add3A_471 : i32 to index
        %swap3A_495 = arith.constant 32 : index
        %swap3A_496 = tpu.vector_load %arg9[%swap3A_494, %swap3A_495] {strides = array<i32>} : memref<200x128xf32, #tpu.memory_space<vmem>>, vector<1x16xf32>,
        %swap3A_497 = vector.shape_cast %swap3A_496 : vector<1x16xf32> to vector<16xf32>
        %swap3A_498 = vector.shape_cast %get3A_493 : vector<16xf32> to vector<1x16xf32>
        tpu.vector_store %arg9[%swap3A_494, %swap3A_495], %swap3A_498 {add = true, strides = array<i32>} : memref<200x128xf32, #tpu.memory_space<vmem>>, vector<1x16xf32>,
        %get3A_499 = arith.index_cast %add3A_471 : i32 to index
        %get3A_500 = arith.constant 48 : index
        %get3A_501 = tpu.vector_load %arg7[%get3A_499, %get3A_500] {strides = array<i32>} : memref<200x128xf32, #tpu.memory_space<vmem>>, vector<1x16xf32>,
        %get3A_502 = vector.shape_cast %get3A_501 : vector<1x16xf32> to vector<16xf32>
        %swap3A_503 = arith.index_cast %add3A_471 : i32 to index
        %swap3A_504 = arith.constant 48 : index
        %swap3A_505 = tpu.vector_load %arg9[%swap3A_503, %swap3A_504] {strides = array<i32>} : memref<200x128xf32, #tpu.memory_space<vmem>>, vector<1x16xf32>,
        %swap3A_506 = vector.shape_cast %swap3A_505 : vector<1x16xf32> to vector<16xf32>
        %swap3A_507 = vector.shape_cast %get3A_502 : vector<16xf32> to vector<1x16xf32>
        tpu.vector_store %arg9[%swap3A_503, %swap3A_504], %swap3A_507 {add = true, strides = array<i32>} : memref<200x128xf32, #tpu.memory_space<vmem>>, vector<1x16xf32>,
        %get3A_508 = arith.index_cast %add3A_471 : i32 to index
        %get3A_509 = arith.constant 64 : index
        %get3A_510 = tpu.vector_load %arg7[%get3A_508, %get3A_509] {strides = array<i32>} : memref<200x128xf32, #tpu.memory_space<vmem>>, vector<1x16xf32>,
        %get3A_511 = vector.shape_cast %get3A_510 : vector<1x16xf32> to vector<16xf32>
        %swap3A_512 = arith.index_cast %add3A_471 : i32 to index
        %swap3A_513 = arith.constant 64 : index
        %swap3A_514 = tpu.vector_load %arg9[%swap3A_512, %swap3A_513] {strides = array<i32>} : memref<200x128xf32, #tpu.memory_space<vmem>>, vector<1x16xf32>,
        %swap3A_515 = vector.shape_cast %swap3A_514 : vector<1x16xf32> to vector<16xf32>
        %swap3A_516 = vector.shape_cast %get3A_511 : vector<16xf32> to vector<1x16xf32>
        tpu.vector_store %arg9[%swap3A_512, %swap3A_513], %swap3A_516 {add = true, strides = array<i32>} : memref<200x128xf32, #tpu.memory_space<vmem>>, vector<1x16xf32>,
        %get3A_517 = arith.index_cast %add3A_471 : i32 to index
        %get3A_518 = arith.constant 80 : index
        %get3A_519 = tpu.vector_load %arg7[%get3A_517, %get3A_518] {strides = array<i32>} : memref<200x128xf32, #tpu.memory_space<vmem>>, vector<1x16xf32>,
        %get3A_520 = vector.shape_cast %get3A_519 : vector<1x16xf32> to vector<16xf32>
        %swap3A_521 = arith.index_cast %add3A_471 : i32 to index
        %swap3A_522 = arith.constant 80 : index
        %swap3A_523 = tpu.vector_load %arg9[%swap3A_521, %swap3A_522] {strides = array<i32>} : memref<200x128xf32, #tpu.memory_space<vmem>>, vector<1x16xf32>,
        %swap3A_524 = vector.shape_cast %swap3A_523 : vector<1x16xf32> to vector<16xf32>
        %swap3A_525 = vector.shape_cast %get3A_520 : vector<16xf32> to vector<1x16xf32>
        tpu.vector_store %arg9[%swap3A_521, %swap3A_522], %swap3A_525 {add = true, strides = array<i32>} : memref<200x128xf32, #tpu.memory_space<vmem>>, vector<1x16xf32>,
        %get3A_526 = arith.index_cast %add3A_471 : i32 to index
        %get3A_527 = arith.constant 96 : index
        %get3A_528 = tpu.vector_load %arg7[%get3A_526, %get3A_527] {strides = array<i32>} : memref<200x128xf32, #tpu.memory_space<vmem>>, vector<1x16xf32>,
        %get3A_529 = vector.shape_cast %get3A_528 : vector<1x16xf32> to vector<16xf32>
        %swap3A_530 = arith.index_cast %add3A_471 : i32 to index
        %swap3A_531 = arith.constant 96 : index
        %swap3A_532 = tpu.vector_load %arg9[%swap3A_530, %swap3A_531] {strides = array<i32>} : memref<200x128xf32, #tpu.memory_space<vmem>>, vector<1x16xf32>,
        %swap3A_533 = vector.shape_cast %swap3A_532 : vector<1x16xf32> to vector<16xf32>
        %swap3A_534 = vector.shape_cast %get3A_529 : vector<16xf32> to vector<1x16xf32>
        tpu.vector_store %arg9[%swap3A_530, %swap3A_531], %swap3A_534 {add = true, strides = array<i32>} : memref<200x128xf32, #tpu.memory_space<vmem>>, vector<1x16xf32>,
        %get3A_535 = arith.index_cast %add3A_471 : i32 to index
        %get3A_536 = arith.constant 112 : index
        %get3A_537 = tpu.vector_load %arg7[%get3A_535, %get3A_536] {strides = array<i32>} : memref<200x128xf32, #tpu.memory_space<vmem>>, vector<1x16xf32>,
        %get3A_538 = vector.shape_cast %get3A_537 : vector<1x16xf32> to vector<16xf32>
        %swap3A_539 = arith.index_cast %add3A_471 : i32 to index
        %swap3A_540 = arith.constant 112 : index
        %swap3A_541 = tpu.vector_load %arg9[%swap3A_539, %swap3A_540] {strides = array<i32>} : memref<200x128xf32, #tpu.memory_space<vmem>>, vector<1x16xf32>,
        %swap3A_542 = vector.shape_cast %swap3A_541 : vector<1x16xf32> to vector<16xf32>
        %swap3A_543 = vector.shape_cast %get3A_538 : vector<16xf32> to vector<1x16xf32>
        tpu.vector_store %arg9[%swap3A_539, %swap3A_540], %swap3A_543 {add = true, strides = array<i32>} : memref<200x128xf32, #tpu.memory_space<vmem>>, vector<1x16xf32>,
      }
      %scan3A_191 = arith.constant 50 : i32
      %mul3A_192 = arith.constant 200 : i32
      %mul3A_193 = arith.muli %add3A_162, %mul3A_192 : i32
      %multiple_of3A_194 = tpu.assume_multiple %mul3A_193, 8 : i32
      %add3A_195 = arith.addi %multiple_of3A, %multiple_of3A_194 : i32
      %dma_start3A_196 = arith.constant 0 : i32
      %dma_start3A_197 = tpu.memref_slice %arg5[%add3A_195, %dma_start3A_196] : memref<819200x128xf32, #tpu.memory_space<hbm>> -> memref<200x128xf32, #tpu.memory_space<hbm>>
      %dma_start3A_198 = arith.constant 0 : i32
      %dma_start3A_199 = tpu.memref_slice %arg5[%add3A_195, %dma_start3A_198] : memref<819200x128xf32, #tpu.memory_space<hbm>> -> memref<200x128xf32, #tpu.memory_space<hbm>>
      tpu.enqueue_dma source(%arg9 : memref<200x128xf32, #tpu.memory_space<vmem>>) target(%dma_start3A_199 : memref<200x128xf32, #tpu.memory_space<hbm>>) target_semaphore(%arg15 : memref<!tpu.dma_semaphore, #tpu.memory_space<semaphore_mem>>)
      %mul3A_200 = arith.constant 3 : i32
      %mul3A_201 = arith.muli %scan3A_120, %mul3A_200 : i32
      %add3A_202 = arith.constant 2 : i32
      %add3A_203 = arith.addi %mul3A_201, %add3A_202 : i32
      %add3A_204 = arith.constant 1 : i32
      %add3A_205 = arith.addi %add3A_203, %add3A_204 : i32
      %lt3A_206 = arith.constant 128 : i32
      %lt3A_207 = arith.cmpi slt, %add3A_205, %lt3A_206 : i32
      %convert_element_type3A_208 = arith.extui %lt3A_207 : i1 to i32
      %cond3A_209 = arith.constant 0 : i32
      %cond3A_210 = arith.cmpi ne, %convert_element_type3A_208, %cond3A_209 : i32
      scf.if %cond3A_210 {
        %ge3A = arith.constant 2 : i32
        %ge3A_241 = arith.cmpi sge, %add3A_203, %ge3A : i32
        %convert_element_type3A_242 = arith.extui %ge3A_241 : i1 to i32
        %cond3A_243 = arith.constant 0 : i32
        %cond3A_244 = arith.cmpi ne, %convert_element_type3A_242, %cond3A_243 : i32
        scf.if %cond3A_244 {
          %dma_wait3A_268 = arith.constant 0 : i32
          %dma_wait3A_269 = tpu.memref_slice %arg5[%multiple_of3A, %dma_wait3A_268] : memref<819200x128xf32, #tpu.memory_space<hbm>> -> memref<200x128xf32, #tpu.memory_space<hbm>>
          %dma_wait3A_270 = arith.constant 0 : i32
          %dma_wait3A_271 = tpu.memref_slice %arg5[%multiple_of3A, %dma_wait3A_270] : memref<819200x128xf32, #tpu.memory_space<hbm>> -> memref<200x128xf32, #tpu.memory_space<hbm>>
          tpu.wait_dma2 semaphore(%arg14 : memref<!tpu.dma_semaphore, #tpu.memory_space<semaphore_mem>>) src(%arg8 : memref<200x128xf32, #tpu.memory_space<vmem>>) dst(%dma_wait3A_271 : memref<200x128xf32, #tpu.memory_space<hbm>>)
        } else {
        }
        %add3A_245 = arith.constant 1 : i32
        %add3A_246 = arith.addi %add3A_203, %add3A_245 : i32
        %mul3A_247 = arith.constant 200 : i32
        %mul3A_248 = arith.muli %add3A_246, %mul3A_247 : i32
        %multiple_of3A_249 = tpu.assume_multiple %mul3A_248, 8 : i32
        %add3A_250 = arith.constant 0 : i32
        %add3A_251 = arith.addi %multiple_of3A_249, %add3A_250 : i32
        %dma_start3A_252 = arith.constant 0 : i32
        %dma_start3A_253 = arith.constant 0 : i32
        %dma_start3A_254 = tpu.memref_slice %arg8[%dma_start3A_252, %dma_start3A_253] : memref<200x128xf32, #tpu.memory_space<vmem>> -> memref<128x128xf32, #tpu.memory_space<vmem>>
        %dma_start3A_255 = tpu.memref_slice %arg6[%add3A_251] : memref<25600xi32, #tpu.memory_space<vmem>> -> memref<128xi32, #tpu.memory_space<vmem>>
        %dma_start3A_256 = arith.constant 0 : i32
        %dma_start3A_257 = arith.constant 0 : i32
        %dma_start3A_258 = tpu.memref_slice %arg3[%dma_start3A_256, %dma_start3A_257] : memref<100000x128xf32, #tpu.memory_space<hbm>> -> memref<100000x128xf32, #tpu.memory_space<hbm>>
        tpu.enqueue_indirect_dma source(%dma_start3A_258 : memref<100000x128xf32, #tpu.memory_space<hbm>>) target(%dma_start3A_254 : memref<128x128xf32, #tpu.memory_space<vmem>>) offsets(%dma_start3A_255 : memref<128xi32, #tpu.memory_space<vmem>>) semaphore(%arg11 : memref<!tpu.dma_semaphore, #tpu.memory_space<semaphore_mem>>)
        %add3A_259 = arith.constant 128 : i32
        %add3A_260 = arith.addi %multiple_of3A_249, %add3A_259 : i32
        %dma_start3A_261 = arith.constant 128 : i32
        %dma_start3A_262 = arith.constant 0 : i32
        %dma_start3A_263 = tpu.memref_slice %arg8[%dma_start3A_261, %dma_start3A_262] : memref<200x128xf32, #tpu.memory_space<vmem>> -> memref<72x128xf32, #tpu.memory_space<vmem>>
        %dma_start3A_264 = tpu.memref_slice %arg6[%add3A_260] : memref<25600xi32, #tpu.memory_space<vmem>> -> memref<72xi32, #tpu.memory_space<vmem>>
        %dma_start3A_265 = arith.constant 0 : i32
        %dma_start3A_266 = arith.constant 0 : i32
        %dma_start3A_267 = tpu.memref_slice %arg3[%dma_start3A_265, %dma_start3A_266] : memref<100000x128xf32, #tpu.memory_space<hbm>> -> memref<100000x128xf32, #tpu.memory_space<hbm>>
        tpu.enqueue_indirect_dma source(%dma_start3A_267 : memref<100000x128xf32, #tpu.memory_space<hbm>>) target(%dma_start3A_263 : memref<72x128xf32, #tpu.memory_space<vmem>>) offsets(%dma_start3A_264 : memref<72xi32, #tpu.memory_space<vmem>>) semaphore(%arg11 : memref<!tpu.dma_semaphore, #tpu.memory_space<semaphore_mem>>)
      } else {
      }
      %dma_wait3A_211 = arith.constant 0 : i32
      %dma_wait3A_212 = arith.constant 0 : i32
      %dma_wait3A_213 = tpu.memref_slice %arg10[%dma_wait3A_211, %dma_wait3A_212] : memref<200x128xf32, #tpu.memory_space<vmem>> -> memref<128x128xf32, #tpu.memory_space<vmem>>
      %dma_wait3A_214 = arith.constant 0 : i32
      %dma_wait3A_215 = tpu.memref_slice %arg6[%dma_wait3A_214] : memref<25600xi32, #tpu.memory_space<vmem>> -> memref<128xi32, #tpu.memory_space<vmem>>
      %dma_wait3A_216 = arith.constant 0 : i32
      %dma_wait3A_217 = arith.constant 0 : i32
      %dma_wait3A_218 = tpu.memref_slice %arg3[%dma_wait3A_216, %dma_wait3A_217] : memref<100000x128xf32, #tpu.memory_space<hbm>> -> memref<100000x128xf32, #tpu.memory_space<hbm>>
      tpu.wait_indirect_dma semaphore(%arg13 : memref<!tpu.dma_semaphore, #tpu.memory_space<semaphore_mem>>) src(%dma_wait3A_218 : memref<100000x128xf32, #tpu.memory_space<hbm>>) dst(%dma_wait3A_213 : memref<128x128xf32, #tpu.memory_space<vmem>>)
      %dma_wait3A_219 = arith.constant 128 : i32
      %dma_wait3A_220 = arith.constant 0 : i32
      %dma_wait3A_221 = tpu.memref_slice %arg10[%dma_wait3A_219, %dma_wait3A_220] : memref<200x128xf32, #tpu.memory_space<vmem>> -> memref<72x128xf32, #tpu.memory_space<vmem>>
      %dma_wait3A_222 = arith.constant 128 : i32
      %dma_wait3A_223 = tpu.memref_slice %arg6[%dma_wait3A_222] : memref<25600xi32, #tpu.memory_space<vmem>> -> memref<72xi32, #tpu.memory_space<vmem>>
      %dma_wait3A_224 = arith.constant 0 : i32
      %dma_wait3A_225 = arith.constant 0 : i32
      %dma_wait3A_226 = tpu.memref_slice %arg3[%dma_wait3A_224, %dma_wait3A_225] : memref<100000x128xf32, #tpu.memory_space<hbm>> -> memref<100000x128xf32, #tpu.memory_space<hbm>>
      tpu.wait_indirect_dma semaphore(%arg13 : memref<!tpu.dma_semaphore, #tpu.memory_space<semaphore_mem>>) src(%dma_wait3A_226 : memref<100000x128xf32, #tpu.memory_space<hbm>>) dst(%dma_wait3A_221 : memref<72x128xf32, #tpu.memory_space<vmem>>)
      %scan3A_227 = arith.constant 0 : i32
      %scan3A_228 = arith.constant 0 : i32
      %scan3A_229 = arith.constant 50 : i32
      %scan3A_230 = arith.addi %scan3A_228, %scan3A_229 : i32
      %scan3A_231 = arith.constant 1 : i32
      scf.for %scan3A_241 = %scan3A_228 to %scan3A_230 step %scan3A_231  : i32 {
        %mul3A_242 = arith.constant 4 : i32
        %mul3A_243 = arith.muli %scan3A_241, %mul3A_242 : i32
        %add3A_244 = arith.constant 0 : i32
        %add3A_245 = arith.addi %mul3A_243, %add3A_244 : i32
        %get3A = arith.index_cast %add3A_245 : i32 to index
        %get3A_246 = arith.constant 0 : index
        %get3A_247 = tpu.vector_load %arg7[%get3A, %get3A_246] {strides = array<i32>} : memref<200x128xf32, #tpu.memory_space<vmem>>, vector<1x16xf32>,
        %get3A_248 = vector.shape_cast %get3A_247 : vector<1x16xf32> to vector<16xf32>
        %swap3A = arith.index_cast %add3A_245 : i32 to index
        %swap3A_249 = arith.constant 0 : index
        %swap3A_250 = tpu.vector_load %arg10[%swap3A, %swap3A_249] {strides = array<i32>} : memref<200x128xf32, #tpu.memory_space<vmem>>, vector<1x16xf32>,
        %swap3A_251 = vector.shape_cast %swap3A_250 : vector<1x16xf32> to vector<16xf32>
        %swap3A_252 = vector.shape_cast %get3A_248 : vector<16xf32> to vector<1x16xf32>
        tpu.vector_store %arg10[%swap3A, %swap3A_249], %swap3A_252 {add = true, strides = array<i32>} : memref<200x128xf32, #tpu.memory_space<vmem>>, vector<1x16xf32>,
        %get3A_253 = arith.index_cast %add3A_245 : i32 to index
        %get3A_254 = arith.constant 16 : index
        %get3A_255 = tpu.vector_load %arg7[%get3A_253, %get3A_254] {strides = array<i32>} : memref<200x128xf32, #tpu.memory_space<vmem>>, vector<1x16xf32>,
        %get3A_256 = vector.shape_cast %get3A_255 : vector<1x16xf32> to vector<16xf32>
        %swap3A_257 = arith.index_cast %add3A_245 : i32 to index
        %swap3A_258 = arith.constant 16 : index
        %swap3A_259 = tpu.vector_load %arg10[%swap3A_257, %swap3A_258] {strides = array<i32>} : memref<200x128xf32, #tpu.memory_space<vmem>>, vector<1x16xf32>,
        %swap3A_260 = vector.shape_cast %swap3A_259 : vector<1x16xf32> to vector<16xf32>
        %swap3A_261 = vector.shape_cast %get3A_256 : vector<16xf32> to vector<1x16xf32>
        tpu.vector_store %arg10[%swap3A_257, %swap3A_258], %swap3A_261 {add = true, strides = array<i32>} : memref<200x128xf32, #tpu.memory_space<vmem>>, vector<1x16xf32>,
        %get3A_262 = arith.index_cast %add3A_245 : i32 to index
        %get3A_263 = arith.constant 32 : index
        %get3A_264 = tpu.vector_load %arg7[%get3A_262, %get3A_263] {strides = array<i32>} : memref<200x128xf32, #tpu.memory_space<vmem>>, vector<1x16xf32>,
        %get3A_265 = vector.shape_cast %get3A_264 : vector<1x16xf32> to vector<16xf32>
        %swap3A_266 = arith.index_cast %add3A_245 : i32 to index
        %swap3A_267 = arith.constant 32 : index
        %swap3A_268 = tpu.vector_load %arg10[%swap3A_266, %swap3A_267] {strides = array<i32>} : memref<200x128xf32, #tpu.memory_space<vmem>>, vector<1x16xf32>,
        %swap3A_269 = vector.shape_cast %swap3A_268 : vector<1x16xf32> to vector<16xf32>
        %swap3A_270 = vector.shape_cast %get3A_265 : vector<16xf32> to vector<1x16xf32>
        tpu.vector_store %arg10[%swap3A_266, %swap3A_267], %swap3A_270 {add = true, strides = array<i32>} : memref<200x128xf32, #tpu.memory_space<vmem>>, vector<1x16xf32>,
        %get3A_271 = arith.index_cast %add3A_245 : i32 to index
        %get3A_272 = arith.constant 48 : index
        %get3A_273 = tpu.vector_load %arg7[%get3A_271, %get3A_272] {strides = array<i32>} : memref<200x128xf32, #tpu.memory_space<vmem>>, vector<1x16xf32>,
        %get3A_274 = vector.shape_cast %get3A_273 : vector<1x16xf32> to vector<16xf32>
        %swap3A_275 = arith.index_cast %add3A_245 : i32 to index
        %swap3A_276 = arith.constant 48 : index
        %swap3A_277 = tpu.vector_load %arg10[%swap3A_275, %swap3A_276] {strides = array<i32>} : memref<200x128xf32, #tpu.memory_space<vmem>>, vector<1x16xf32>,
        %swap3A_278 = vector.shape_cast %swap3A_277 : vector<1x16xf32> to vector<16xf32>
        %swap3A_279 = vector.shape_cast %get3A_274 : vector<16xf32> to vector<1x16xf32>
        tpu.vector_store %arg10[%swap3A_275, %swap3A_276], %swap3A_279 {add = true, strides = array<i32>} : memref<200x128xf32, #tpu.memory_space<vmem>>, vector<1x16xf32>,
        %get3A_280 = arith.index_cast %add3A_245 : i32 to index
        %get3A_281 = arith.constant 64 : index
        %get3A_282 = tpu.vector_load %arg7[%get3A_280, %get3A_281] {strides = array<i32>} : memref<200x128xf32, #tpu.memory_space<vmem>>, vector<1x16xf32>,
        %get3A_283 = vector.shape_cast %get3A_282 : vector<1x16xf32> to vector<16xf32>
        %swap3A_284 = arith.index_cast %add3A_245 : i32 to index
        %swap3A_285 = arith.constant 64 : index
        %swap3A_286 = tpu.vector_load %arg10[%swap3A_284, %swap3A_285] {strides = array<i32>} : memref<200x128xf32, #tpu.memory_space<vmem>>, vector<1x16xf32>,
        %swap3A_287 = vector.shape_cast %swap3A_286 : vector<1x16xf32> to vector<16xf32>
        %swap3A_288 = vector.shape_cast %get3A_283 : vector<16xf32> to vector<1x16xf32>
        tpu.vector_store %arg10[%swap3A_284, %swap3A_285], %swap3A_288 {add = true, strides = array<i32>} : memref<200x128xf32, #tpu.memory_space<vmem>>, vector<1x16xf32>,
        %get3A_289 = arith.index_cast %add3A_245 : i32 to index
        %get3A_290 = arith.constant 80 : index
        %get3A_291 = tpu.vector_load %arg7[%get3A_289, %get3A_290] {strides = array<i32>} : memref<200x128xf32, #tpu.memory_space<vmem>>, vector<1x16xf32>,
        %get3A_292 = vector.shape_cast %get3A_291 : vector<1x16xf32> to vector<16xf32>
        %swap3A_293 = arith.index_cast %add3A_245 : i32 to index
        %swap3A_294 = arith.constant 80 : index
        %swap3A_295 = tpu.vector_load %arg10[%swap3A_293, %swap3A_294] {strides = array<i32>} : memref<200x128xf32, #tpu.memory_space<vmem>>, vector<1x16xf32>,
        %swap3A_296 = vector.shape_cast %swap3A_295 : vector<1x16xf32> to vector<16xf32>
        %swap3A_297 = vector.shape_cast %get3A_292 : vector<16xf32> to vector<1x16xf32>
        tpu.vector_store %arg10[%swap3A_293, %swap3A_294], %swap3A_297 {add = true, strides = array<i32>} : memref<200x128xf32, #tpu.memory_space<vmem>>, vector<1x16xf32>,
        %get3A_298 = arith.index_cast %add3A_245 : i32 to index
        %get3A_299 = arith.constant 96 : index
        %get3A_300 = tpu.vector_load %arg7[%get3A_298, %get3A_299] {strides = array<i32>} : memref<200x128xf32, #tpu.memory_space<vmem>>, vector<1x16xf32>,
        %get3A_301 = vector.shape_cast %get3A_300 : vector<1x16xf32> to vector<16xf32>
        %swap3A_302 = arith.index_cast %add3A_245 : i32 to index
        %swap3A_303 = arith.constant 96 : index
        %swap3A_304 = tpu.vector_load %arg10[%swap3A_302, %swap3A_303] {strides = array<i32>} : memref<200x128xf32, #tpu.memory_space<vmem>>, vector<1x16xf32>,
        %swap3A_305 = vector.shape_cast %swap3A_304 : vector<1x16xf32> to vector<16xf32>
        %swap3A_306 = vector.shape_cast %get3A_301 : vector<16xf32> to vector<1x16xf32>
        tpu.vector_store %arg10[%swap3A_302, %swap3A_303], %swap3A_306 {add = true, strides = array<i32>} : memref<200x128xf32, #tpu.memory_space<vmem>>, vector<1x16xf32>,
        %get3A_307 = arith.index_cast %add3A_245 : i32 to index
        %get3A_308 = arith.constant 112 : index
        %get3A_309 = tpu.vector_load %arg7[%get3A_307, %get3A_308] {strides = array<i32>} : memref<200x128xf32, #tpu.memory_space<vmem>>, vector<1x16xf32>,
        %get3A_310 = vector.shape_cast %get3A_309 : vector<1x16xf32> to vector<16xf32>
        %swap3A_311 = arith.index_cast %add3A_245 : i32 to index
        %swap3A_312 = arith.constant 112 : index
        %swap3A_313 = tpu.vector_load %arg10[%swap3A_311, %swap3A_312] {strides = array<i32>} : memref<200x128xf32, #tpu.memory_space<vmem>>, vector<1x16xf32>,
        %swap3A_314 = vector.shape_cast %swap3A_313 : vector<1x16xf32> to vector<16xf32>
        %swap3A_315 = vector.shape_cast %get3A_310 : vector<16xf32> to vector<1x16xf32>
        tpu.vector_store %arg10[%swap3A_311, %swap3A_312], %swap3A_315 {add = true, strides = array<i32>} : memref<200x128xf32, #tpu.memory_space<vmem>>, vector<1x16xf32>,
        %mul3A_316 = arith.constant 4 : i32
        %mul3A_317 = arith.muli %scan3A_241, %mul3A_316 : i32
        %add3A_318 = arith.constant 1 : i32
        %add3A_319 = arith.addi %mul3A_317, %add3A_318 : i32
        %get3A_320 = arith.index_cast %add3A_319 : i32 to index
        %get3A_321 = arith.constant 0 : index
        %get3A_322 = tpu.vector_load %arg7[%get3A_320, %get3A_321] {strides = array<i32>} : memref<200x128xf32, #tpu.memory_space<vmem>>, vector<1x16xf32>,
        %get3A_323 = vector.shape_cast %get3A_322 : vector<1x16xf32> to vector<16xf32>
        %swap3A_324 = arith.index_cast %add3A_319 : i32 to index
        %swap3A_325 = arith.constant 0 : index
        %swap3A_326 = tpu.vector_load %arg10[%swap3A_324, %swap3A_325] {strides = array<i32>} : memref<200x128xf32, #tpu.memory_space<vmem>>, vector<1x16xf32>,
        %swap3A_327 = vector.shape_cast %swap3A_326 : vector<1x16xf32> to vector<16xf32>
        %swap3A_328 = vector.shape_cast %get3A_323 : vector<16xf32> to vector<1x16xf32>
        tpu.vector_store %arg10[%swap3A_324, %swap3A_325], %swap3A_328 {add = true, strides = array<i32>} : memref<200x128xf32, #tpu.memory_space<vmem>>, vector<1x16xf32>,
        %get3A_329 = arith.index_cast %add3A_319 : i32 to index
        %get3A_330 = arith.constant 16 : index
        %get3A_331 = tpu.vector_load %arg7[%get3A_329, %get3A_330] {strides = array<i32>} : memref<200x128xf32, #tpu.memory_space<vmem>>, vector<1x16xf32>,
        %get3A_332 = vector.shape_cast %get3A_331 : vector<1x16xf32> to vector<16xf32>
        %swap3A_333 = arith.index_cast %add3A_319 : i32 to index
        %swap3A_334 = arith.constant 16 : index
        %swap3A_335 = tpu.vector_load %arg10[%swap3A_333, %swap3A_334] {strides = array<i32>} : memref<200x128xf32, #tpu.memory_space<vmem>>, vector<1x16xf32>,
        %swap3A_336 = vector.shape_cast %swap3A_335 : vector<1x16xf32> to vector<16xf32>
        %swap3A_337 = vector.shape_cast %get3A_332 : vector<16xf32> to vector<1x16xf32>
        tpu.vector_store %arg10[%swap3A_333, %swap3A_334], %swap3A_337 {add = true, strides = array<i32>} : memref<200x128xf32, #tpu.memory_space<vmem>>, vector<1x16xf32>,
        %get3A_338 = arith.index_cast %add3A_319 : i32 to index
        %get3A_339 = arith.constant 32 : index
        %get3A_340 = tpu.vector_load %arg7[%get3A_338, %get3A_339] {strides = array<i32>} : memref<200x128xf32, #tpu.memory_space<vmem>>, vector<1x16xf32>,
        %get3A_341 = vector.shape_cast %get3A_340 : vector<1x16xf32> to vector<16xf32>
        %swap3A_342 = arith.index_cast %add3A_319 : i32 to index
        %swap3A_343 = arith.constant 32 : index
        %swap3A_344 = tpu.vector_load %arg10[%swap3A_342, %swap3A_343] {strides = array<i32>} : memref<200x128xf32, #tpu.memory_space<vmem>>, vector<1x16xf32>,
        %swap3A_345 = vector.shape_cast %swap3A_344 : vector<1x16xf32> to vector<16xf32>
        %swap3A_346 = vector.shape_cast %get3A_341 : vector<16xf32> to vector<1x16xf32>
        tpu.vector_store %arg10[%swap3A_342, %swap3A_343], %swap3A_346 {add = true, strides = array<i32>} : memref<200x128xf32, #tpu.memory_space<vmem>>, vector<1x16xf32>,
        %get3A_347 = arith.index_cast %add3A_319 : i32 to index
        %get3A_348 = arith.constant 48 : index
        %get3A_349 = tpu.vector_load %arg7[%get3A_347, %get3A_348] {strides = array<i32>} : memref<200x128xf32, #tpu.memory_space<vmem>>, vector<1x16xf32>,
        %get3A_350 = vector.shape_cast %get3A_349 : vector<1x16xf32> to vector<16xf32>
        %swap3A_351 = arith.index_cast %add3A_319 : i32 to index
        %swap3A_352 = arith.constant 48 : index
        %swap3A_353 = tpu.vector_load %arg10[%swap3A_351, %swap3A_352] {strides = array<i32>} : memref<200x128xf32, #tpu.memory_space<vmem>>, vector<1x16xf32>,
        %swap3A_354 = vector.shape_cast %swap3A_353 : vector<1x16xf32> to vector<16xf32>
        %swap3A_355 = vector.shape_cast %get3A_350 : vector<16xf32> to vector<1x16xf32>
        tpu.vector_store %arg10[%swap3A_351, %swap3A_352], %swap3A_355 {add = true, strides = array<i32>} : memref<200x128xf32, #tpu.memory_space<vmem>>, vector<1x16xf32>,
        %get3A_356 = arith.index_cast %add3A_319 : i32 to index
        %get3A_357 = arith.constant 64 : index
        %get3A_358 = tpu.vector_load %arg7[%get3A_356, %get3A_357] {strides = array<i32>} : memref<200x128xf32, #tpu.memory_space<vmem>>, vector<1x16xf32>,
        %get3A_359 = vector.shape_cast %get3A_358 : vector<1x16xf32> to vector<16xf32>
        %swap3A_360 = arith.index_cast %add3A_319 : i32 to index
        %swap3A_361 = arith.constant 64 : index
        %swap3A_362 = tpu.vector_load %arg10[%swap3A_360, %swap3A_361] {strides = array<i32>} : memref<200x128xf32, #tpu.memory_space<vmem>>, vector<1x16xf32>,
        %swap3A_363 = vector.shape_cast %swap3A_362 : vector<1x16xf32> to vector<16xf32>
        %swap3A_364 = vector.shape_cast %get3A_359 : vector<16xf32> to vector<1x16xf32>
        tpu.vector_store %arg10[%swap3A_360, %swap3A_361], %swap3A_364 {add = true, strides = array<i32>} : memref<200x128xf32, #tpu.memory_space<vmem>>, vector<1x16xf32>,
        %get3A_365 = arith.index_cast %add3A_319 : i32 to index
        %get3A_366 = arith.constant 80 : index
        %get3A_367 = tpu.vector_load %arg7[%get3A_365, %get3A_366] {strides = array<i32>} : memref<200x128xf32, #tpu.memory_space<vmem>>, vector<1x16xf32>,
        %get3A_368 = vector.shape_cast %get3A_367 : vector<1x16xf32> to vector<16xf32>
        %swap3A_369 = arith.index_cast %add3A_319 : i32 to index
        %swap3A_370 = arith.constant 80 : index
        %swap3A_371 = tpu.vector_load %arg10[%swap3A_369, %swap3A_370] {strides = array<i32>} : memref<200x128xf32, #tpu.memory_space<vmem>>, vector<1x16xf32>,
        %swap3A_372 = vector.shape_cast %swap3A_371 : vector<1x16xf32> to vector<16xf32>
        %swap3A_373 = vector.shape_cast %get3A_368 : vector<16xf32> to vector<1x16xf32>
        tpu.vector_store %arg10[%swap3A_369, %swap3A_370], %swap3A_373 {add = true, strides = array<i32>} : memref<200x128xf32, #tpu.memory_space<vmem>>, vector<1x16xf32>,
        %get3A_374 = arith.index_cast %add3A_319 : i32 to index
        %get3A_375 = arith.constant 96 : index
        %get3A_376 = tpu.vector_load %arg7[%get3A_374, %get3A_375] {strides = array<i32>} : memref<200x128xf32, #tpu.memory_space<vmem>>, vector<1x16xf32>,
        %get3A_377 = vector.shape_cast %get3A_376 : vector<1x16xf32> to vector<16xf32>
        %swap3A_378 = arith.index_cast %add3A_319 : i32 to index
        %swap3A_379 = arith.constant 96 : index
        %swap3A_380 = tpu.vector_load %arg10[%swap3A_378, %swap3A_379] {strides = array<i32>} : memref<200x128xf32, #tpu.memory_space<vmem>>, vector<1x16xf32>,
        %swap3A_381 = vector.shape_cast %swap3A_380 : vector<1x16xf32> to vector<16xf32>
        %swap3A_382 = vector.shape_cast %get3A_377 : vector<16xf32> to vector<1x16xf32>
        tpu.vector_store %arg10[%swap3A_378, %swap3A_379], %swap3A_382 {add = true, strides = array<i32>} : memref<200x128xf32, #tpu.memory_space<vmem>>, vector<1x16xf32>,
        %get3A_383 = arith.index_cast %add3A_319 : i32 to index
        %get3A_384 = arith.constant 112 : index
        %get3A_385 = tpu.vector_load %arg7[%get3A_383, %get3A_384] {strides = array<i32>} : memref<200x128xf32, #tpu.memory_space<vmem>>, vector<1x16xf32>,
        %get3A_386 = vector.shape_cast %get3A_385 : vector<1x16xf32> to vector<16xf32>
        %swap3A_387 = arith.index_cast %add3A_319 : i32 to index
        %swap3A_388 = arith.constant 112 : index
        %swap3A_389 = tpu.vector_load %arg10[%swap3A_387, %swap3A_388] {strides = array<i32>} : memref<200x128xf32, #tpu.memory_space<vmem>>, vector<1x16xf32>,
        %swap3A_390 = vector.shape_cast %swap3A_389 : vector<1x16xf32> to vector<16xf32>
        %swap3A_391 = vector.shape_cast %get3A_386 : vector<16xf32> to vector<1x16xf32>
        tpu.vector_store %arg10[%swap3A_387, %swap3A_388], %swap3A_391 {add = true, strides = array<i32>} : memref<200x128xf32, #tpu.memory_space<vmem>>, vector<1x16xf32>,
        %mul3A_392 = arith.constant 4 : i32
        %mul3A_393 = arith.muli %scan3A_241, %mul3A_392 : i32
        %add3A_394 = arith.constant 2 : i32
        %add3A_395 = arith.addi %mul3A_393, %add3A_394 : i32
        %get3A_396 = arith.index_cast %add3A_395 : i32 to index
        %get3A_397 = arith.constant 0 : index
        %get3A_398 = tpu.vector_load %arg7[%get3A_396, %get3A_397] {strides = array<i32>} : memref<200x128xf32, #tpu.memory_space<vmem>>, vector<1x16xf32>,
        %get3A_399 = vector.shape_cast %get3A_398 : vector<1x16xf32> to vector<16xf32>
        %swap3A_400 = arith.index_cast %add3A_395 : i32 to index
        %swap3A_401 = arith.constant 0 : index
        %swap3A_402 = tpu.vector_load %arg10[%swap3A_400, %swap3A_401] {strides = array<i32>} : memref<200x128xf32, #tpu.memory_space<vmem>>, vector<1x16xf32>,
        %swap3A_403 = vector.shape_cast %swap3A_402 : vector<1x16xf32> to vector<16xf32>
        %swap3A_404 = vector.shape_cast %get3A_399 : vector<16xf32> to vector<1x16xf32>
        tpu.vector_store %arg10[%swap3A_400, %swap3A_401], %swap3A_404 {add = true, strides = array<i32>} : memref<200x128xf32, #tpu.memory_space<vmem>>, vector<1x16xf32>,
        %get3A_405 = arith.index_cast %add3A_395 : i32 to index
        %get3A_406 = arith.constant 16 : index
        %get3A_407 = tpu.vector_load %arg7[%get3A_405, %get3A_406] {strides = array<i32>} : memref<200x128xf32, #tpu.memory_space<vmem>>, vector<1x16xf32>,
        %get3A_408 = vector.shape_cast %get3A_407 : vector<1x16xf32> to vector<16xf32>
        %swap3A_409 = arith.index_cast %add3A_395 : i32 to index
        %swap3A_410 = arith.constant 16 : index
        %swap3A_411 = tpu.vector_load %arg10[%swap3A_409, %swap3A_410] {strides = array<i32>} : memref<200x128xf32, #tpu.memory_space<vmem>>, vector<1x16xf32>,
        %swap3A_412 = vector.shape_cast %swap3A_411 : vector<1x16xf32> to vector<16xf32>
        %swap3A_413 = vector.shape_cast %get3A_408 : vector<16xf32> to vector<1x16xf32>
        tpu.vector_store %arg10[%swap3A_409, %swap3A_410], %swap3A_413 {add = true, strides = array<i32>} : memref<200x128xf32, #tpu.memory_space<vmem>>, vector<1x16xf32>,
        %get3A_414 = arith.index_cast %add3A_395 : i32 to index
        %get3A_415 = arith.constant 32 : index
        %get3A_416 = tpu.vector_load %arg7[%get3A_414, %get3A_415] {strides = array<i32>} : memref<200x128xf32, #tpu.memory_space<vmem>>, vector<1x16xf32>,
        %get3A_417 = vector.shape_cast %get3A_416 : vector<1x16xf32> to vector<16xf32>
        %swap3A_418 = arith.index_cast %add3A_395 : i32 to index
        %swap3A_419 = arith.constant 32 : index
        %swap3A_420 = tpu.vector_load %arg10[%swap3A_418, %swap3A_419] {strides = array<i32>} : memref<200x128xf32, #tpu.memory_space<vmem>>, vector<1x16xf32>,
        %swap3A_421 = vector.shape_cast %swap3A_420 : vector<1x16xf32> to vector<16xf32>
        %swap3A_422 = vector.shape_cast %get3A_417 : vector<16xf32> to vector<1x16xf32>
        tpu.vector_store %arg10[%swap3A_418, %swap3A_419], %swap3A_422 {add = true, strides = array<i32>} : memref<200x128xf32, #tpu.memory_space<vmem>>, vector<1x16xf32>,
        %get3A_423 = arith.index_cast %add3A_395 : i32 to index
        %get3A_424 = arith.constant 48 : index
        %get3A_425 = tpu.vector_load %arg7[%get3A_423, %get3A_424] {strides = array<i32>} : memref<200x128xf32, #tpu.memory_space<vmem>>, vector<1x16xf32>,
        %get3A_426 = vector.shape_cast %get3A_425 : vector<1x16xf32> to vector<16xf32>
        %swap3A_427 = arith.index_cast %add3A_395 : i32 to index
        %swap3A_428 = arith.constant 48 : index
        %swap3A_429 = tpu.vector_load %arg10[%swap3A_427, %swap3A_428] {strides = array<i32>} : memref<200x128xf32, #tpu.memory_space<vmem>>, vector<1x16xf32>,
        %swap3A_430 = vector.shape_cast %swap3A_429 : vector<1x16xf32> to vector<16xf32>
        %swap3A_431 = vector.shape_cast %get3A_426 : vector<16xf32> to vector<1x16xf32>
        tpu.vector_store %arg10[%swap3A_427, %swap3A_428], %swap3A_431 {add = true, strides = array<i32>} : memref<200x128xf32, #tpu.memory_space<vmem>>, vector<1x16xf32>,
        %get3A_432 = arith.index_cast %add3A_395 : i32 to index
        %get3A_433 = arith.constant 64 : index
        %get3A_434 = tpu.vector_load %arg7[%get3A_432, %get3A_433] {strides = array<i32>} : memref<200x128xf32, #tpu.memory_space<vmem>>, vector<1x16xf32>,
        %get3A_435 = vector.shape_cast %get3A_434 : vector<1x16xf32> to vector<16xf32>
        %swap3A_436 = arith.index_cast %add3A_395 : i32 to index
        %swap3A_437 = arith.constant 64 : index
        %swap3A_438 = tpu.vector_load %arg10[%swap3A_436, %swap3A_437] {strides = array<i32>} : memref<200x128xf32, #tpu.memory_space<vmem>>, vector<1x16xf32>,
        %swap3A_439 = vector.shape_cast %swap3A_438 : vector<1x16xf32> to vector<16xf32>
        %swap3A_440 = vector.shape_cast %get3A_435 : vector<16xf32> to vector<1x16xf32>
        tpu.vector_store %arg10[%swap3A_436, %swap3A_437], %swap3A_440 {add = true, strides = array<i32>} : memref<200x128xf32, #tpu.memory_space<vmem>>, vector<1x16xf32>,
        %get3A_441 = arith.index_cast %add3A_395 : i32 to index
        %get3A_442 = arith.constant 80 : index
        %get3A_443 = tpu.vector_load %arg7[%get3A_441, %get3A_442] {strides = array<i32>} : memref<200x128xf32, #tpu.memory_space<vmem>>, vector<1x16xf32>,
        %get3A_444 = vector.shape_cast %get3A_443 : vector<1x16xf32> to vector<16xf32>
        %swap3A_445 = arith.index_cast %add3A_395 : i32 to index
        %swap3A_446 = arith.constant 80 : index
        %swap3A_447 = tpu.vector_load %arg10[%swap3A_445, %swap3A_446] {strides = array<i32>} : memref<200x128xf32, #tpu.memory_space<vmem>>, vector<1x16xf32>,
        %swap3A_448 = vector.shape_cast %swap3A_447 : vector<1x16xf32> to vector<16xf32>
        %swap3A_449 = vector.shape_cast %get3A_444 : vector<16xf32> to vector<1x16xf32>
        tpu.vector_store %arg10[%swap3A_445, %swap3A_446], %swap3A_449 {add = true, strides = array<i32>} : memref<200x128xf32, #tpu.memory_space<vmem>>, vector<1x16xf32>,
        %get3A_450 = arith.index_cast %add3A_395 : i32 to index
        %get3A_451 = arith.constant 96 : index
        %get3A_452 = tpu.vector_load %arg7[%get3A_450, %get3A_451] {strides = array<i32>} : memref<200x128xf32, #tpu.memory_space<vmem>>, vector<1x16xf32>,
        %get3A_453 = vector.shape_cast %get3A_452 : vector<1x16xf32> to vector<16xf32>
        %swap3A_454 = arith.index_cast %add3A_395 : i32 to index
        %swap3A_455 = arith.constant 96 : index
        %swap3A_456 = tpu.vector_load %arg10[%swap3A_454, %swap3A_455] {strides = array<i32>} : memref<200x128xf32, #tpu.memory_space<vmem>>, vector<1x16xf32>,
        %swap3A_457 = vector.shape_cast %swap3A_456 : vector<1x16xf32> to vector<16xf32>
        %swap3A_458 = vector.shape_cast %get3A_453 : vector<16xf32> to vector<1x16xf32>
        tpu.vector_store %arg10[%swap3A_454, %swap3A_455], %swap3A_458 {add = true, strides = array<i32>} : memref<200x128xf32, #tpu.memory_space<vmem>>, vector<1x16xf32>,
        %get3A_459 = arith.index_cast %add3A_395 : i32 to index
        %get3A_460 = arith.constant 112 : index
        %get3A_461 = tpu.vector_load %arg7[%get3A_459, %get3A_460] {strides = array<i32>} : memref<200x128xf32, #tpu.memory_space<vmem>>, vector<1x16xf32>,
        %get3A_462 = vector.shape_cast %get3A_461 : vector<1x16xf32> to vector<16xf32>
        %swap3A_463 = arith.index_cast %add3A_395 : i32 to index
        %swap3A_464 = arith.constant 112 : index
        %swap3A_465 = tpu.vector_load %arg10[%swap3A_463, %swap3A_464] {strides = array<i32>} : memref<200x128xf32, #tpu.memory_space<vmem>>, vector<1x16xf32>,
        %swap3A_466 = vector.shape_cast %swap3A_465 : vector<1x16xf32> to vector<16xf32>
        %swap3A_467 = vector.shape_cast %get3A_462 : vector<16xf32> to vector<1x16xf32>
        tpu.vector_store %arg10[%swap3A_463, %swap3A_464], %swap3A_467 {add = true, strides = array<i32>} : memref<200x128xf32, #tpu.memory_space<vmem>>, vector<1x16xf32>,
        %mul3A_468 = arith.constant 4 : i32
        %mul3A_469 = arith.muli %scan3A_241, %mul3A_468 : i32
        %add3A_470 = arith.constant 3 : i32
        %add3A_471 = arith.addi %mul3A_469, %add3A_470 : i32
        %get3A_472 = arith.index_cast %add3A_471 : i32 to index
        %get3A_473 = arith.constant 0 : index
        %get3A_474 = tpu.vector_load %arg7[%get3A_472, %get3A_473] {strides = array<i32>} : memref<200x128xf32, #tpu.memory_space<vmem>>, vector<1x16xf32>,
        %get3A_475 = vector.shape_cast %get3A_474 : vector<1x16xf32> to vector<16xf32>
        %swap3A_476 = arith.index_cast %add3A_471 : i32 to index
        %swap3A_477 = arith.constant 0 : index
        %swap3A_478 = tpu.vector_load %arg10[%swap3A_476, %swap3A_477] {strides = array<i32>} : memref<200x128xf32, #tpu.memory_space<vmem>>, vector<1x16xf32>,
        %swap3A_479 = vector.shape_cast %swap3A_478 : vector<1x16xf32> to vector<16xf32>
        %swap3A_480 = vector.shape_cast %get3A_475 : vector<16xf32> to vector<1x16xf32>
        tpu.vector_store %arg10[%swap3A_476, %swap3A_477], %swap3A_480 {add = true, strides = array<i32>} : memref<200x128xf32, #tpu.memory_space<vmem>>, vector<1x16xf32>,
        %get3A_481 = arith.index_cast %add3A_471 : i32 to index
        %get3A_482 = arith.constant 16 : index
        %get3A_483 = tpu.vector_load %arg7[%get3A_481, %get3A_482] {strides = array<i32>} : memref<200x128xf32, #tpu.memory_space<vmem>>, vector<1x16xf32>,
        %get3A_484 = vector.shape_cast %get3A_483 : vector<1x16xf32> to vector<16xf32>
        %swap3A_485 = arith.index_cast %add3A_471 : i32 to index
        %swap3A_486 = arith.constant 16 : index
        %swap3A_487 = tpu.vector_load %arg10[%swap3A_485, %swap3A_486] {strides = array<i32>} : memref<200x128xf32, #tpu.memory_space<vmem>>, vector<1x16xf32>,
        %swap3A_488 = vector.shape_cast %swap3A_487 : vector<1x16xf32> to vector<16xf32>
        %swap3A_489 = vector.shape_cast %get3A_484 : vector<16xf32> to vector<1x16xf32>
        tpu.vector_store %arg10[%swap3A_485, %swap3A_486], %swap3A_489 {add = true, strides = array<i32>} : memref<200x128xf32, #tpu.memory_space<vmem>>, vector<1x16xf32>,
        %get3A_490 = arith.index_cast %add3A_471 : i32 to index
        %get3A_491 = arith.constant 32 : index
        %get3A_492 = tpu.vector_load %arg7[%get3A_490, %get3A_491] {strides = array<i32>} : memref<200x128xf32, #tpu.memory_space<vmem>>, vector<1x16xf32>,
        %get3A_493 = vector.shape_cast %get3A_492 : vector<1x16xf32> to vector<16xf32>
        %swap3A_494 = arith.index_cast %add3A_471 : i32 to index
        %swap3A_495 = arith.constant 32 : index
        %swap3A_496 = tpu.vector_load %arg10[%swap3A_494, %swap3A_495] {strides = array<i32>} : memref<200x128xf32, #tpu.memory_space<vmem>>, vector<1x16xf32>,
        %swap3A_497 = vector.shape_cast %swap3A_496 : vector<1x16xf32> to vector<16xf32>
        %swap3A_498 = vector.shape_cast %get3A_493 : vector<16xf32> to vector<1x16xf32>
        tpu.vector_store %arg10[%swap3A_494, %swap3A_495], %swap3A_498 {add = true, strides = array<i32>} : memref<200x128xf32, #tpu.memory_space<vmem>>, vector<1x16xf32>,
        %get3A_499 = arith.index_cast %add3A_471 : i32 to index
        %get3A_500 = arith.constant 48 : index
        %get3A_501 = tpu.vector_load %arg7[%get3A_499, %get3A_500] {strides = array<i32>} : memref<200x128xf32, #tpu.memory_space<vmem>>, vector<1x16xf32>,
        %get3A_502 = vector.shape_cast %get3A_501 : vector<1x16xf32> to vector<16xf32>
        %swap3A_503 = arith.index_cast %add3A_471 : i32 to index
        %swap3A_504 = arith.constant 48 : index
        %swap3A_505 = tpu.vector_load %arg10[%swap3A_503, %swap3A_504] {strides = array<i32>} : memref<200x128xf32, #tpu.memory_space<vmem>>, vector<1x16xf32>,
        %swap3A_506 = vector.shape_cast %swap3A_505 : vector<1x16xf32> to vector<16xf32>
        %swap3A_507 = vector.shape_cast %get3A_502 : vector<16xf32> to vector<1x16xf32>
        tpu.vector_store %arg10[%swap3A_503, %swap3A_504], %swap3A_507 {add = true, strides = array<i32>} : memref<200x128xf32, #tpu.memory_space<vmem>>, vector<1x16xf32>,
        %get3A_508 = arith.index_cast %add3A_471 : i32 to index
        %get3A_509 = arith.constant 64 : index
        %get3A_510 = tpu.vector_load %arg7[%get3A_508, %get3A_509] {strides = array<i32>} : memref<200x128xf32, #tpu.memory_space<vmem>>, vector<1x16xf32>,
        %get3A_511 = vector.shape_cast %get3A_510 : vector<1x16xf32> to vector<16xf32>
        %swap3A_512 = arith.index_cast %add3A_471 : i32 to index
        %swap3A_513 = arith.constant 64 : index
        %swap3A_514 = tpu.vector_load %arg10[%swap3A_512, %swap3A_513] {strides = array<i32>} : memref<200x128xf32, #tpu.memory_space<vmem>>, vector<1x16xf32>,
        %swap3A_515 = vector.shape_cast %swap3A_514 : vector<1x16xf32> to vector<16xf32>
        %swap3A_516 = vector.shape_cast %get3A_511 : vector<16xf32> to vector<1x16xf32>
        tpu.vector_store %arg10[%swap3A_512, %swap3A_513], %swap3A_516 {add = true, strides = array<i32>} : memref<200x128xf32, #tpu.memory_space<vmem>>, vector<1x16xf32>,
        %get3A_517 = arith.index_cast %add3A_471 : i32 to index
        %get3A_518 = arith.constant 80 : index
        %get3A_519 = tpu.vector_load %arg7[%get3A_517, %get3A_518] {strides = array<i32>} : memref<200x128xf32, #tpu.memory_space<vmem>>, vector<1x16xf32>,
        %get3A_520 = vector.shape_cast %get3A_519 : vector<1x16xf32> to vector<16xf32>
        %swap3A_521 = arith.index_cast %add3A_471 : i32 to index
        %swap3A_522 = arith.constant 80 : index
        %swap3A_523 = tpu.vector_load %arg10[%swap3A_521, %swap3A_522] {strides = array<i32>} : memref<200x128xf32, #tpu.memory_space<vmem>>, vector<1x16xf32>,
        %swap3A_524 = vector.shape_cast %swap3A_523 : vector<1x16xf32> to vector<16xf32>
        %swap3A_525 = vector.shape_cast %get3A_520 : vector<16xf32> to vector<1x16xf32>
        tpu.vector_store %arg10[%swap3A_521, %swap3A_522], %swap3A_525 {add = true, strides = array<i32>} : memref<200x128xf32, #tpu.memory_space<vmem>>, vector<1x16xf32>,
        %get3A_526 = arith.index_cast %add3A_471 : i32 to index
        %get3A_527 = arith.constant 96 : index
        %get3A_528 = tpu.vector_load %arg7[%get3A_526, %get3A_527] {strides = array<i32>} : memref<200x128xf32, #tpu.memory_space<vmem>>, vector<1x16xf32>,
        %get3A_529 = vector.shape_cast %get3A_528 : vector<1x16xf32> to vector<16xf32>
        %swap3A_530 = arith.index_cast %add3A_471 : i32 to index
        %swap3A_531 = arith.constant 96 : index
        %swap3A_532 = tpu.vector_load %arg10[%swap3A_530, %swap3A_531] {strides = array<i32>} : memref<200x128xf32, #tpu.memory_space<vmem>>, vector<1x16xf32>,
        %swap3A_533 = vector.shape_cast %swap3A_532 : vector<1x16xf32> to vector<16xf32>
        %swap3A_534 = vector.shape_cast %get3A_529 : vector<16xf32> to vector<1x16xf32>
        tpu.vector_store %arg10[%swap3A_530, %swap3A_531], %swap3A_534 {add = true, strides = array<i32>} : memref<200x128xf32, #tpu.memory_space<vmem>>, vector<1x16xf32>,
        %get3A_535 = arith.index_cast %add3A_471 : i32 to index
        %get3A_536 = arith.constant 112 : index
        %get3A_537 = tpu.vector_load %arg7[%get3A_535, %get3A_536] {strides = array<i32>} : memref<200x128xf32, #tpu.memory_space<vmem>>, vector<1x16xf32>,
        %get3A_538 = vector.shape_cast %get3A_537 : vector<1x16xf32> to vector<16xf32>
        %swap3A_539 = arith.index_cast %add3A_471 : i32 to index
        %swap3A_540 = arith.constant 112 : index
        %swap3A_541 = tpu.vector_load %arg10[%swap3A_539, %swap3A_540] {strides = array<i32>} : memref<200x128xf32, #tpu.memory_space<vmem>>, vector<1x16xf32>,
        %swap3A_542 = vector.shape_cast %swap3A_541 : vector<1x16xf32> to vector<16xf32>
        %swap3A_543 = vector.shape_cast %get3A_538 : vector<16xf32> to vector<1x16xf32>
        tpu.vector_store %arg10[%swap3A_539, %swap3A_540], %swap3A_543 {add = true, strides = array<i32>} : memref<200x128xf32, #tpu.memory_space<vmem>>, vector<1x16xf32>,
      }
      %scan3A_232 = arith.constant 50 : i32
      %mul3A_233 = arith.constant 200 : i32
      %mul3A_234 = arith.muli %add3A_203, %mul3A_233 : i32
      %multiple_of3A_235 = tpu.assume_multiple %mul3A_234, 8 : i32
      %add3A_236 = arith.addi %multiple_of3A, %multiple_of3A_235 : i32
      %dma_start3A_237 = arith.constant 0 : i32
      %dma_start3A_238 = tpu.memref_slice %arg5[%add3A_236, %dma_start3A_237] : memref<819200x128xf32, #tpu.memory_space<hbm>> -> memref<200x128xf32, #tpu.memory_space<hbm>>
      %dma_start3A_239 = arith.constant 0 : i32
      %dma_start3A_240 = tpu.memref_slice %arg5[%add3A_236, %dma_start3A_239] : memref<819200x128xf32, #tpu.memory_space<hbm>> -> memref<200x128xf32, #tpu.memory_space<hbm>>
      tpu.enqueue_dma source(%arg10 : memref<200x128xf32, #tpu.memory_space<vmem>>) target(%dma_start3A_240 : memref<200x128xf32, #tpu.memory_space<hbm>>) target_semaphore(%arg16 : memref<!tpu.dma_semaphore, #tpu.memory_space<semaphore_mem>>)
    }
    %scan3A_26 = arith.constant 42 : i32
    %dma_wait3A = arith.constant 0 : i32
    %dma_wait3A_27 = tpu.memref_slice %arg5[%multiple_of3A, %dma_wait3A] : memref<819200x128xf32, #tpu.memory_space<hbm>> -> memref<200x128xf32, #tpu.memory_space<hbm>>
    %dma_wait3A_28 = arith.constant 0 : i32
    %dma_wait3A_29 = tpu.memref_slice %arg5[%multiple_of3A, %dma_wait3A_28] : memref<819200x128xf32, #tpu.memory_space<hbm>> -> memref<200x128xf32, #tpu.memory_space<hbm>>
    tpu.wait_dma2 semaphore(%arg15 : memref<!tpu.dma_semaphore, #tpu.memory_space<semaphore_mem>>) src(%arg9 : memref<200x128xf32, #tpu.memory_space<vmem>>) dst(%dma_wait3A_29 : memref<200x128xf32, #tpu.memory_space<hbm>>)
    %multiple_of3A_30 = arith.constant 25400 : i32
    %multiple_of3A_31 = tpu.assume_multiple %multiple_of3A_30, 8 : i32
    %add3A_32 = arith.constant 0 : i32
    %add3A_33 = arith.addi %multiple_of3A_31, %add3A_32 : i32
    %dma_start3A_34 = arith.constant 0 : i32
    %dma_start3A_35 = arith.constant 0 : i32
    %dma_start3A_36 = tpu.memref_slice %arg9[%dma_start3A_34, %dma_start3A_35] : memref<200x128xf32, #tpu.memory_space<vmem>> -> memref<128x128xf32, #tpu.memory_space<vmem>>
    %dma_start3A_37 = tpu.memref_slice %arg6[%add3A_33] : memref<25600xi32, #tpu.memory_space<vmem>> -> memref<128xi32, #tpu.memory_space<vmem>>
    %dma_start3A_38 = arith.constant 0 : i32
    %dma_start3A_39 = arith.constant 0 : i32
    %dma_start3A_40 = tpu.memref_slice %arg3[%dma_start3A_38, %dma_start3A_39] : memref<100000x128xf32, #tpu.memory_space<hbm>> -> memref<100000x128xf32, #tpu.memory_space<hbm>>
    tpu.enqueue_indirect_dma source(%dma_start3A_40 : memref<100000x128xf32, #tpu.memory_space<hbm>>) target(%dma_start3A_36 : memref<128x128xf32, #tpu.memory_space<vmem>>) offsets(%dma_start3A_37 : memref<128xi32, #tpu.memory_space<vmem>>) semaphore(%arg12 : memref<!tpu.dma_semaphore, #tpu.memory_space<semaphore_mem>>)
    %add3A_41 = arith.constant 128 : i32
    %add3A_42 = arith.addi %multiple_of3A_31, %add3A_41 : i32
    %dma_start3A_43 = arith.constant 128 : i32
    %dma_start3A_44 = arith.constant 0 : i32
    %dma_start3A_45 = tpu.memref_slice %arg9[%dma_start3A_43, %dma_start3A_44] : memref<200x128xf32, #tpu.memory_space<vmem>> -> memref<72x128xf32, #tpu.memory_space<vmem>>
    %dma_start3A_46 = tpu.memref_slice %arg6[%add3A_42] : memref<25600xi32, #tpu.memory_space<vmem>> -> memref<72xi32, #tpu.memory_space<vmem>>
    %dma_start3A_47 = arith.constant 0 : i32
    %dma_start3A_48 = arith.constant 0 : i32
    %dma_start3A_49 = tpu.memref_slice %arg3[%dma_start3A_47, %dma_start3A_48] : memref<100000x128xf32, #tpu.memory_space<hbm>> -> memref<100000x128xf32, #tpu.memory_space<hbm>>
    tpu.enqueue_indirect_dma source(%dma_start3A_49 : memref<100000x128xf32, #tpu.memory_space<hbm>>) target(%dma_start3A_45 : memref<72x128xf32, #tpu.memory_space<vmem>>) offsets(%dma_start3A_46 : memref<72xi32, #tpu.memory_space<vmem>>) semaphore(%arg12 : memref<!tpu.dma_semaphore, #tpu.memory_space<semaphore_mem>>)
    %dma_wait3A_50 = arith.constant 0 : i32
    %dma_wait3A_51 = arith.constant 0 : i32
    %dma_wait3A_52 = tpu.memref_slice %arg8[%dma_wait3A_50, %dma_wait3A_51] : memref<200x128xf32, #tpu.memory_space<vmem>> -> memref<128x128xf32, #tpu.memory_space<vmem>>
    %dma_wait3A_53 = arith.constant 0 : i32
    %dma_wait3A_54 = tpu.memref_slice %arg6[%dma_wait3A_53] : memref<25600xi32, #tpu.memory_space<vmem>> -> memref<128xi32, #tpu.memory_space<vmem>>
    %dma_wait3A_55 = arith.constant 0 : i32
    %dma_wait3A_56 = arith.constant 0 : i32
    %dma_wait3A_57 = tpu.memref_slice %arg3[%dma_wait3A_55, %dma_wait3A_56] : memref<100000x128xf32, #tpu.memory_space<hbm>> -> memref<100000x128xf32, #tpu.memory_space<hbm>>
    tpu.wait_indirect_dma semaphore(%arg11 : memref<!tpu.dma_semaphore, #tpu.memory_space<semaphore_mem>>) src(%dma_wait3A_57 : memref<100000x128xf32, #tpu.memory_space<hbm>>) dst(%dma_wait3A_52 : memref<128x128xf32, #tpu.memory_space<vmem>>)
    %dma_wait3A_58 = arith.constant 128 : i32
    %dma_wait3A_59 = arith.constant 0 : i32
    %dma_wait3A_60 = tpu.memref_slice %arg8[%dma_wait3A_58, %dma_wait3A_59] : memref<200x128xf32, #tpu.memory_space<vmem>> -> memref<72x128xf32, #tpu.memory_space<vmem>>
    %dma_wait3A_61 = arith.constant 128 : i32
    %dma_wait3A_62 = tpu.memref_slice %arg6[%dma_wait3A_61] : memref<25600xi32, #tpu.memory_space<vmem>> -> memref<72xi32, #tpu.memory_space<vmem>>
    %dma_wait3A_63 = arith.constant 0 : i32
    %dma_wait3A_64 = arith.constant 0 : i32
    %dma_wait3A_65 = tpu.memref_slice %arg3[%dma_wait3A_63, %dma_wait3A_64] : memref<100000x128xf32, #tpu.memory_space<hbm>> -> memref<100000x128xf32, #tpu.memory_space<hbm>>
    tpu.wait_indirect_dma semaphore(%arg11 : memref<!tpu.dma_semaphore, #tpu.memory_space<semaphore_mem>>) src(%dma_wait3A_65 : memref<100000x128xf32, #tpu.memory_space<hbm>>) dst(%dma_wait3A_60 : memref<72x128xf32, #tpu.memory_space<vmem>>)
    %scan3A_66 = arith.constant 0 : i32
    %scan3A_67 = arith.constant 0 : i32
    %scan3A_68 = arith.constant 50 : i32
    %scan3A_69 = arith.addi %scan3A_67, %scan3A_68 : i32
    %scan3A_70 = arith.constant 1 : i32
    scf.for %scan3A_120 = %scan3A_67 to %scan3A_69 step %scan3A_70  : i32 {
      %mul3A_121 = arith.constant 4 : i32
      %mul3A_122 = arith.muli %scan3A_120, %mul3A_121 : i32
      %add3A_123 = arith.constant 0 : i32
      %add3A_124 = arith.addi %mul3A_122, %add3A_123 : i32
      %get3A = arith.index_cast %add3A_124 : i32 to index
      %get3A_125 = arith.constant 0 : index
      %get3A_126 = tpu.vector_load %arg7[%get3A, %get3A_125] {strides = array<i32>} : memref<200x128xf32, #tpu.memory_space<vmem>>, vector<1x16xf32>,
      %get3A_127 = vector.shape_cast %get3A_126 : vector<1x16xf32> to vector<16xf32>
      %swap3A = arith.index_cast %add3A_124 : i32 to index
      %swap3A_128 = arith.constant 0 : index
      %swap3A_129 = tpu.vector_load %arg8[%swap3A, %swap3A_128] {strides = array<i32>} : memref<200x128xf32, #tpu.memory_space<vmem>>, vector<1x16xf32>,
      %swap3A_130 = vector.shape_cast %swap3A_129 : vector<1x16xf32> to vector<16xf32>
      %swap3A_131 = vector.shape_cast %get3A_127 : vector<16xf32> to vector<1x16xf32>
      tpu.vector_store %arg8[%swap3A, %swap3A_128], %swap3A_131 {add = true, strides = array<i32>} : memref<200x128xf32, #tpu.memory_space<vmem>>, vector<1x16xf32>,
      %get3A_132 = arith.index_cast %add3A_124 : i32 to index
      %get3A_133 = arith.constant 16 : index
      %get3A_134 = tpu.vector_load %arg7[%get3A_132, %get3A_133] {strides = array<i32>} : memref<200x128xf32, #tpu.memory_space<vmem>>, vector<1x16xf32>,
      %get3A_135 = vector.shape_cast %get3A_134 : vector<1x16xf32> to vector<16xf32>
      %swap3A_136 = arith.index_cast %add3A_124 : i32 to index
      %swap3A_137 = arith.constant 16 : index
      %swap3A_138 = tpu.vector_load %arg8[%swap3A_136, %swap3A_137] {strides = array<i32>} : memref<200x128xf32, #tpu.memory_space<vmem>>, vector<1x16xf32>,
      %swap3A_139 = vector.shape_cast %swap3A_138 : vector<1x16xf32> to vector<16xf32>
      %swap3A_140 = vector.shape_cast %get3A_135 : vector<16xf32> to vector<1x16xf32>
      tpu.vector_store %arg8[%swap3A_136, %swap3A_137], %swap3A_140 {add = true, strides = array<i32>} : memref<200x128xf32, #tpu.memory_space<vmem>>, vector<1x16xf32>,
      %get3A_141 = arith.index_cast %add3A_124 : i32 to index
      %get3A_142 = arith.constant 32 : index
      %get3A_143 = tpu.vector_load %arg7[%get3A_141, %get3A_142] {strides = array<i32>} : memref<200x128xf32, #tpu.memory_space<vmem>>, vector<1x16xf32>,
      %get3A_144 = vector.shape_cast %get3A_143 : vector<1x16xf32> to vector<16xf32>
      %swap3A_145 = arith.index_cast %add3A_124 : i32 to index
      %swap3A_146 = arith.constant 32 : index
      %swap3A_147 = tpu.vector_load %arg8[%swap3A_145, %swap3A_146] {strides = array<i32>} : memref<200x128xf32, #tpu.memory_space<vmem>>, vector<1x16xf32>,
      %swap3A_148 = vector.shape_cast %swap3A_147 : vector<1x16xf32> to vector<16xf32>
      %swap3A_149 = vector.shape_cast %get3A_144 : vector<16xf32> to vector<1x16xf32>
      tpu.vector_store %arg8[%swap3A_145, %swap3A_146], %swap3A_149 {add = true, strides = array<i32>} : memref<200x128xf32, #tpu.memory_space<vmem>>, vector<1x16xf32>,
      %get3A_150 = arith.index_cast %add3A_124 : i32 to index
      %get3A_151 = arith.constant 48 : index
      %get3A_152 = tpu.vector_load %arg7[%get3A_150, %get3A_151] {strides = array<i32>} : memref<200x128xf32, #tpu.memory_space<vmem>>, vector<1x16xf32>,
      %get3A_153 = vector.shape_cast %get3A_152 : vector<1x16xf32> to vector<16xf32>
      %swap3A_154 = arith.index_cast %add3A_124 : i32 to index
      %swap3A_155 = arith.constant 48 : index
      %swap3A_156 = tpu.vector_load %arg8[%swap3A_154, %swap3A_155] {strides = array<i32>} : memref<200x128xf32, #tpu.memory_space<vmem>>, vector<1x16xf32>,
      %swap3A_157 = vector.shape_cast %swap3A_156 : vector<1x16xf32> to vector<16xf32>
      %swap3A_158 = vector.shape_cast %get3A_153 : vector<16xf32> to vector<1x16xf32>
      tpu.vector_store %arg8[%swap3A_154, %swap3A_155], %swap3A_158 {add = true, strides = array<i32>} : memref<200x128xf32, #tpu.memory_space<vmem>>, vector<1x16xf32>,
      %get3A_159 = arith.index_cast %add3A_124 : i32 to index
      %get3A_160 = arith.constant 64 : index
      %get3A_161 = tpu.vector_load %arg7[%get3A_159, %get3A_160] {strides = array<i32>} : memref<200x128xf32, #tpu.memory_space<vmem>>, vector<1x16xf32>,
      %get3A_162 = vector.shape_cast %get3A_161 : vector<1x16xf32> to vector<16xf32>
      %swap3A_163 = arith.index_cast %add3A_124 : i32 to index
      %swap3A_164 = arith.constant 64 : index
      %swap3A_165 = tpu.vector_load %arg8[%swap3A_163, %swap3A_164] {strides = array<i32>} : memref<200x128xf32, #tpu.memory_space<vmem>>, vector<1x16xf32>,
      %swap3A_166 = vector.shape_cast %swap3A_165 : vector<1x16xf32> to vector<16xf32>
      %swap3A_167 = vector.shape_cast %get3A_162 : vector<16xf32> to vector<1x16xf32>
      tpu.vector_store %arg8[%swap3A_163, %swap3A_164], %swap3A_167 {add = true, strides = array<i32>} : memref<200x128xf32, #tpu.memory_space<vmem>>, vector<1x16xf32>,
      %get3A_168 = arith.index_cast %add3A_124 : i32 to index
      %get3A_169 = arith.constant 80 : index
      %get3A_170 = tpu.vector_load %arg7[%get3A_168, %get3A_169] {strides = array<i32>} : memref<200x128xf32, #tpu.memory_space<vmem>>, vector<1x16xf32>,
      %get3A_171 = vector.shape_cast %get3A_170 : vector<1x16xf32> to vector<16xf32>
      %swap3A_172 = arith.index_cast %add3A_124 : i32 to index
      %swap3A_173 = arith.constant 80 : index
      %swap3A_174 = tpu.vector_load %arg8[%swap3A_172, %swap3A_173] {strides = array<i32>} : memref<200x128xf32, #tpu.memory_space<vmem>>, vector<1x16xf32>,
      %swap3A_175 = vector.shape_cast %swap3A_174 : vector<1x16xf32> to vector<16xf32>
      %swap3A_176 = vector.shape_cast %get3A_171 : vector<16xf32> to vector<1x16xf32>
      tpu.vector_store %arg8[%swap3A_172, %swap3A_173], %swap3A_176 {add = true, strides = array<i32>} : memref<200x128xf32, #tpu.memory_space<vmem>>, vector<1x16xf32>,
      %get3A_177 = arith.index_cast %add3A_124 : i32 to index
      %get3A_178 = arith.constant 96 : index
      %get3A_179 = tpu.vector_load %arg7[%get3A_177, %get3A_178] {strides = array<i32>} : memref<200x128xf32, #tpu.memory_space<vmem>>, vector<1x16xf32>,
      %get3A_180 = vector.shape_cast %get3A_179 : vector<1x16xf32> to vector<16xf32>
      %swap3A_181 = arith.index_cast %add3A_124 : i32 to index
      %swap3A_182 = arith.constant 96 : index
      %swap3A_183 = tpu.vector_load %arg8[%swap3A_181, %swap3A_182] {strides = array<i32>} : memref<200x128xf32, #tpu.memory_space<vmem>>, vector<1x16xf32>,
      %swap3A_184 = vector.shape_cast %swap3A_183 : vector<1x16xf32> to vector<16xf32>
      %swap3A_185 = vector.shape_cast %get3A_180 : vector<16xf32> to vector<1x16xf32>
      tpu.vector_store %arg8[%swap3A_181, %swap3A_182], %swap3A_185 {add = true, strides = array<i32>} : memref<200x128xf32, #tpu.memory_space<vmem>>, vector<1x16xf32>,
      %get3A_186 = arith.index_cast %add3A_124 : i32 to index
      %get3A_187 = arith.constant 112 : index
      %get3A_188 = tpu.vector_load %arg7[%get3A_186, %get3A_187] {strides = array<i32>} : memref<200x128xf32, #tpu.memory_space<vmem>>, vector<1x16xf32>,
      %get3A_189 = vector.shape_cast %get3A_188 : vector<1x16xf32> to vector<16xf32>
      %swap3A_190 = arith.index_cast %add3A_124 : i32 to index
      %swap3A_191 = arith.constant 112 : index
      %swap3A_192 = tpu.vector_load %arg8[%swap3A_190, %swap3A_191] {strides = array<i32>} : memref<200x128xf32, #tpu.memory_space<vmem>>, vector<1x16xf32>,
      %swap3A_193 = vector.shape_cast %swap3A_192 : vector<1x16xf32> to vector<16xf32>
      %swap3A_194 = vector.shape_cast %get3A_189 : vector<16xf32> to vector<1x16xf32>
      tpu.vector_store %arg8[%swap3A_190, %swap3A_191], %swap3A_194 {add = true, strides = array<i32>} : memref<200x128xf32, #tpu.memory_space<vmem>>, vector<1x16xf32>,
      %mul3A_195 = arith.constant 4 : i32
      %mul3A_196 = arith.muli %scan3A_120, %mul3A_195 : i32
      %add3A_197 = arith.constant 1 : i32
      %add3A_198 = arith.addi %mul3A_196, %add3A_197 : i32
      %get3A_199 = arith.index_cast %add3A_198 : i32 to index
      %get3A_200 = arith.constant 0 : index
      %get3A_201 = tpu.vector_load %arg7[%get3A_199, %get3A_200] {strides = array<i32>} : memref<200x128xf32, #tpu.memory_space<vmem>>, vector<1x16xf32>,
      %get3A_202 = vector.shape_cast %get3A_201 : vector<1x16xf32> to vector<16xf32>
      %swap3A_203 = arith.index_cast %add3A_198 : i32 to index
      %swap3A_204 = arith.constant 0 : index
      %swap3A_205 = tpu.vector_load %arg8[%swap3A_203, %swap3A_204] {strides = array<i32>} : memref<200x128xf32, #tpu.memory_space<vmem>>, vector<1x16xf32>,
      %swap3A_206 = vector.shape_cast %swap3A_205 : vector<1x16xf32> to vector<16xf32>
      %swap3A_207 = vector.shape_cast %get3A_202 : vector<16xf32> to vector<1x16xf32>
      tpu.vector_store %arg8[%swap3A_203, %swap3A_204], %swap3A_207 {add = true, strides = array<i32>} : memref<200x128xf32, #tpu.memory_space<vmem>>, vector<1x16xf32>,
      %get3A_208 = arith.index_cast %add3A_198 : i32 to index
      %get3A_209 = arith.constant 16 : index
      %get3A_210 = tpu.vector_load %arg7[%get3A_208, %get3A_209] {strides = array<i32>} : memref<200x128xf32, #tpu.memory_space<vmem>>, vector<1x16xf32>,
      %get3A_211 = vector.shape_cast %get3A_210 : vector<1x16xf32> to vector<16xf32>
      %swap3A_212 = arith.index_cast %add3A_198 : i32 to index
      %swap3A_213 = arith.constant 16 : index
      %swap3A_214 = tpu.vector_load %arg8[%swap3A_212, %swap3A_213] {strides = array<i32>} : memref<200x128xf32, #tpu.memory_space<vmem>>, vector<1x16xf32>,
      %swap3A_215 = vector.shape_cast %swap3A_214 : vector<1x16xf32> to vector<16xf32>
      %swap3A_216 = vector.shape_cast %get3A_211 : vector<16xf32> to vector<1x16xf32>
      tpu.vector_store %arg8[%swap3A_212, %swap3A_213], %swap3A_216 {add = true, strides = array<i32>} : memref<200x128xf32, #tpu.memory_space<vmem>>, vector<1x16xf32>,
      %get3A_217 = arith.index_cast %add3A_198 : i32 to index
      %get3A_218 = arith.constant 32 : index
      %get3A_219 = tpu.vector_load %arg7[%get3A_217, %get3A_218] {strides = array<i32>} : memref<200x128xf32, #tpu.memory_space<vmem>>, vector<1x16xf32>,
      %get3A_220 = vector.shape_cast %get3A_219 : vector<1x16xf32> to vector<16xf32>
      %swap3A_221 = arith.index_cast %add3A_198 : i32 to index
      %swap3A_222 = arith.constant 32 : index
      %swap3A_223 = tpu.vector_load %arg8[%swap3A_221, %swap3A_222] {strides = array<i32>} : memref<200x128xf32, #tpu.memory_space<vmem>>, vector<1x16xf32>,
      %swap3A_224 = vector.shape_cast %swap3A_223 : vector<1x16xf32> to vector<16xf32>
      %swap3A_225 = vector.shape_cast %get3A_220 : vector<16xf32> to vector<1x16xf32>
      tpu.vector_store %arg8[%swap3A_221, %swap3A_222], %swap3A_225 {add = true, strides = array<i32>} : memref<200x128xf32, #tpu.memory_space<vmem>>, vector<1x16xf32>,
      %get3A_226 = arith.index_cast %add3A_198 : i32 to index
      %get3A_227 = arith.constant 48 : index
      %get3A_228 = tpu.vector_load %arg7[%get3A_226, %get3A_227] {strides = array<i32>} : memref<200x128xf32, #tpu.memory_space<vmem>>, vector<1x16xf32>,
      %get3A_229 = vector.shape_cast %get3A_228 : vector<1x16xf32> to vector<16xf32>
      %swap3A_230 = arith.index_cast %add3A_198 : i32 to index
      %swap3A_231 = arith.constant 48 : index
      %swap3A_232 = tpu.vector_load %arg8[%swap3A_230, %swap3A_231] {strides = array<i32>} : memref<200x128xf32, #tpu.memory_space<vmem>>, vector<1x16xf32>,
      %swap3A_233 = vector.shape_cast %swap3A_232 : vector<1x16xf32> to vector<16xf32>
      %swap3A_234 = vector.shape_cast %get3A_229 : vector<16xf32> to vector<1x16xf32>
      tpu.vector_store %arg8[%swap3A_230, %swap3A_231], %swap3A_234 {add = true, strides = array<i32>} : memref<200x128xf32, #tpu.memory_space<vmem>>, vector<1x16xf32>,
      %get3A_235 = arith.index_cast %add3A_198 : i32 to index
      %get3A_236 = arith.constant 64 : index
      %get3A_237 = tpu.vector_load %arg7[%get3A_235, %get3A_236] {strides = array<i32>} : memref<200x128xf32, #tpu.memory_space<vmem>>, vector<1x16xf32>,
      %get3A_238 = vector.shape_cast %get3A_237 : vector<1x16xf32> to vector<16xf32>
      %swap3A_239 = arith.index_cast %add3A_198 : i32 to index
      %swap3A_240 = arith.constant 64 : index
      %swap3A_241 = tpu.vector_load %arg8[%swap3A_239, %swap3A_240] {strides = array<i32>} : memref<200x128xf32, #tpu.memory_space<vmem>>, vector<1x16xf32>,
      %swap3A_242 = vector.shape_cast %swap3A_241 : vector<1x16xf32> to vector<16xf32>
      %swap3A_243 = vector.shape_cast %get3A_238 : vector<16xf32> to vector<1x16xf32>
      tpu.vector_store %arg8[%swap3A_239, %swap3A_240], %swap3A_243 {add = true, strides = array<i32>} : memref<200x128xf32, #tpu.memory_space<vmem>>, vector<1x16xf32>,
      %get3A_244 = arith.index_cast %add3A_198 : i32 to index
      %get3A_245 = arith.constant 80 : index
      %get3A_246 = tpu.vector_load %arg7[%get3A_244, %get3A_245] {strides = array<i32>} : memref<200x128xf32, #tpu.memory_space<vmem>>, vector<1x16xf32>,
      %get3A_247 = vector.shape_cast %get3A_246 : vector<1x16xf32> to vector<16xf32>
      %swap3A_248 = arith.index_cast %add3A_198 : i32 to index
      %swap3A_249 = arith.constant 80 : index
      %swap3A_250 = tpu.vector_load %arg8[%swap3A_248, %swap3A_249] {strides = array<i32>} : memref<200x128xf32, #tpu.memory_space<vmem>>, vector<1x16xf32>,
      %swap3A_251 = vector.shape_cast %swap3A_250 : vector<1x16xf32> to vector<16xf32>
      %swap3A_252 = vector.shape_cast %get3A_247 : vector<16xf32> to vector<1x16xf32>
      tpu.vector_store %arg8[%swap3A_248, %swap3A_249], %swap3A_252 {add = true, strides = array<i32>} : memref<200x128xf32, #tpu.memory_space<vmem>>, vector<1x16xf32>,
      %get3A_253 = arith.index_cast %add3A_198 : i32 to index
      %get3A_254 = arith.constant 96 : index
      %get3A_255 = tpu.vector_load %arg7[%get3A_253, %get3A_254] {strides = array<i32>} : memref<200x128xf32, #tpu.memory_space<vmem>>, vector<1x16xf32>,
      %get3A_256 = vector.shape_cast %get3A_255 : vector<1x16xf32> to vector<16xf32>
      %swap3A_257 = arith.index_cast %add3A_198 : i32 to index
      %swap3A_258 = arith.constant 96 : index
      %swap3A_259 = tpu.vector_load %arg8[%swap3A_257, %swap3A_258] {strides = array<i32>} : memref<200x128xf32, #tpu.memory_space<vmem>>, vector<1x16xf32>,
      %swap3A_260 = vector.shape_cast %swap3A_259 : vector<1x16xf32> to vector<16xf32>
      %swap3A_261 = vector.shape_cast %get3A_256 : vector<16xf32> to vector<1x16xf32>
      tpu.vector_store %arg8[%swap3A_257, %swap3A_258], %swap3A_261 {add = true, strides = array<i32>} : memref<200x128xf32, #tpu.memory_space<vmem>>, vector<1x16xf32>,
      %get3A_262 = arith.index_cast %add3A_198 : i32 to index
      %get3A_263 = arith.constant 112 : index
      %get3A_264 = tpu.vector_load %arg7[%get3A_262, %get3A_263] {strides = array<i32>} : memref<200x128xf32, #tpu.memory_space<vmem>>, vector<1x16xf32>,
      %get3A_265 = vector.shape_cast %get3A_264 : vector<1x16xf32> to vector<16xf32>
      %swap3A_266 = arith.index_cast %add3A_198 : i32 to index
      %swap3A_267 = arith.constant 112 : index
      %swap3A_268 = tpu.vector_load %arg8[%swap3A_266, %swap3A_267] {strides = array<i32>} : memref<200x128xf32, #tpu.memory_space<vmem>>, vector<1x16xf32>,
      %swap3A_269 = vector.shape_cast %swap3A_268 : vector<1x16xf32> to vector<16xf32>
      %swap3A_270 = vector.shape_cast %get3A_265 : vector<16xf32> to vector<1x16xf32>
      tpu.vector_store %arg8[%swap3A_266, %swap3A_267], %swap3A_270 {add = true, strides = array<i32>} : memref<200x128xf32, #tpu.memory_space<vmem>>, vector<1x16xf32>,
      %mul3A_271 = arith.constant 4 : i32
      %mul3A_272 = arith.muli %scan3A_120, %mul3A_271 : i32
      %add3A_273 = arith.constant 2 : i32
      %add3A_274 = arith.addi %mul3A_272, %add3A_273 : i32
      %get3A_275 = arith.index_cast %add3A_274 : i32 to index
      %get3A_276 = arith.constant 0 : index
      %get3A_277 = tpu.vector_load %arg7[%get3A_275, %get3A_276] {strides = array<i32>} : memref<200x128xf32, #tpu.memory_space<vmem>>, vector<1x16xf32>,
      %get3A_278 = vector.shape_cast %get3A_277 : vector<1x16xf32> to vector<16xf32>
      %swap3A_279 = arith.index_cast %add3A_274 : i32 to index
      %swap3A_280 = arith.constant 0 : index
      %swap3A_281 = tpu.vector_load %arg8[%swap3A_279, %swap3A_280] {strides = array<i32>} : memref<200x128xf32, #tpu.memory_space<vmem>>, vector<1x16xf32>,
      %swap3A_282 = vector.shape_cast %swap3A_281 : vector<1x16xf32> to vector<16xf32>
      %swap3A_283 = vector.shape_cast %get3A_278 : vector<16xf32> to vector<1x16xf32>
      tpu.vector_store %arg8[%swap3A_279, %swap3A_280], %swap3A_283 {add = true, strides = array<i32>} : memref<200x128xf32, #tpu.memory_space<vmem>>, vector<1x16xf32>,
      %get3A_284 = arith.index_cast %add3A_274 : i32 to index
      %get3A_285 = arith.constant 16 : index
      %get3A_286 = tpu.vector_load %arg7[%get3A_284, %get3A_285] {strides = array<i32>} : memref<200x128xf32, #tpu.memory_space<vmem>>, vector<1x16xf32>,
      %get3A_287 = vector.shape_cast %get3A_286 : vector<1x16xf32> to vector<16xf32>
      %swap3A_288 = arith.index_cast %add3A_274 : i32 to index
      %swap3A_289 = arith.constant 16 : index
      %swap3A_290 = tpu.vector_load %arg8[%swap3A_288, %swap3A_289] {strides = array<i32>} : memref<200x128xf32, #tpu.memory_space<vmem>>, vector<1x16xf32>,
      %swap3A_291 = vector.shape_cast %swap3A_290 : vector<1x16xf32> to vector<16xf32>
      %swap3A_292 = vector.shape_cast %get3A_287 : vector<16xf32> to vector<1x16xf32>
      tpu.vector_store %arg8[%swap3A_288, %swap3A_289], %swap3A_292 {add = true, strides = array<i32>} : memref<200x128xf32, #tpu.memory_space<vmem>>, vector<1x16xf32>,
      %get3A_293 = arith.index_cast %add3A_274 : i32 to index
      %get3A_294 = arith.constant 32 : index
      %get3A_295 = tpu.vector_load %arg7[%get3A_293, %get3A_294] {strides = array<i32>} : memref<200x128xf32, #tpu.memory_space<vmem>>, vector<1x16xf32>,
      %get3A_296 = vector.shape_cast %get3A_295 : vector<1x16xf32> to vector<16xf32>
      %swap3A_297 = arith.index_cast %add3A_274 : i32 to index
      %swap3A_298 = arith.constant 32 : index
      %swap3A_299 = tpu.vector_load %arg8[%swap3A_297, %swap3A_298] {strides = array<i32>} : memref<200x128xf32, #tpu.memory_space<vmem>>, vector<1x16xf32>,
      %swap3A_300 = vector.shape_cast %swap3A_299 : vector<1x16xf32> to vector<16xf32>
      %swap3A_301 = vector.shape_cast %get3A_296 : vector<16xf32> to vector<1x16xf32>
      tpu.vector_store %arg8[%swap3A_297, %swap3A_298], %swap3A_301 {add = true, strides = array<i32>} : memref<200x128xf32, #tpu.memory_space<vmem>>, vector<1x16xf32>,
      %get3A_302 = arith.index_cast %add3A_274 : i32 to index
      %get3A_303 = arith.constant 48 : index
      %get3A_304 = tpu.vector_load %arg7[%get3A_302, %get3A_303] {strides = array<i32>} : memref<200x128xf32, #tpu.memory_space<vmem>>, vector<1x16xf32>,
      %get3A_305 = vector.shape_cast %get3A_304 : vector<1x16xf32> to vector<16xf32>
      %swap3A_306 = arith.index_cast %add3A_274 : i32 to index
      %swap3A_307 = arith.constant 48 : index
      %swap3A_308 = tpu.vector_load %arg8[%swap3A_306, %swap3A_307] {strides = array<i32>} : memref<200x128xf32, #tpu.memory_space<vmem>>, vector<1x16xf32>,
      %swap3A_309 = vector.shape_cast %swap3A_308 : vector<1x16xf32> to vector<16xf32>
      %swap3A_310 = vector.shape_cast %get3A_305 : vector<16xf32> to vector<1x16xf32>
      tpu.vector_store %arg8[%swap3A_306, %swap3A_307], %swap3A_310 {add = true, strides = array<i32>} : memref<200x128xf32, #tpu.memory_space<vmem>>, vector<1x16xf32>,
      %get3A_311 = arith.index_cast %add3A_274 : i32 to index
      %get3A_312 = arith.constant 64 : index
      %get3A_313 = tpu.vector_load %arg7[%get3A_311, %get3A_312] {strides = array<i32>} : memref<200x128xf32, #tpu.memory_space<vmem>>, vector<1x16xf32>,
      %get3A_314 = vector.shape_cast %get3A_313 : vector<1x16xf32> to vector<16xf32>
      %swap3A_315 = arith.index_cast %add3A_274 : i32 to index
      %swap3A_316 = arith.constant 64 : index
      %swap3A_317 = tpu.vector_load %arg8[%swap3A_315, %swap3A_316] {strides = array<i32>} : memref<200x128xf32, #tpu.memory_space<vmem>>, vector<1x16xf32>,
      %swap3A_318 = vector.shape_cast %swap3A_317 : vector<1x16xf32> to vector<16xf32>
      %swap3A_319 = vector.shape_cast %get3A_314 : vector<16xf32> to vector<1x16xf32>
      tpu.vector_store %arg8[%swap3A_315, %swap3A_316], %swap3A_319 {add = true, strides = array<i32>} : memref<200x128xf32, #tpu.memory_space<vmem>>, vector<1x16xf32>,
      %get3A_320 = arith.index_cast %add3A_274 : i32 to index
      %get3A_321 = arith.constant 80 : index
      %get3A_322 = tpu.vector_load %arg7[%get3A_320, %get3A_321] {strides = array<i32>} : memref<200x128xf32, #tpu.memory_space<vmem>>, vector<1x16xf32>,
      %get3A_323 = vector.shape_cast %get3A_322 : vector<1x16xf32> to vector<16xf32>
      %swap3A_324 = arith.index_cast %add3A_274 : i32 to index
      %swap3A_325 = arith.constant 80 : index
      %swap3A_326 = tpu.vector_load %arg8[%swap3A_324, %swap3A_325] {strides = array<i32>} : memref<200x128xf32, #tpu.memory_space<vmem>>, vector<1x16xf32>,
      %swap3A_327 = vector.shape_cast %swap3A_326 : vector<1x16xf32> to vector<16xf32>
      %swap3A_328 = vector.shape_cast %get3A_323 : vector<16xf32> to vector<1x16xf32>
      tpu.vector_store %arg8[%swap3A_324, %swap3A_325], %swap3A_328 {add = true, strides = array<i32>} : memref<200x128xf32, #tpu.memory_space<vmem>>, vector<1x16xf32>,
      %get3A_329 = arith.index_cast %add3A_274 : i32 to index
      %get3A_330 = arith.constant 96 : index
      %get3A_331 = tpu.vector_load %arg7[%get3A_329, %get3A_330] {strides = array<i32>} : memref<200x128xf32, #tpu.memory_space<vmem>>, vector<1x16xf32>,
      %get3A_332 = vector.shape_cast %get3A_331 : vector<1x16xf32> to vector<16xf32>
      %swap3A_333 = arith.index_cast %add3A_274 : i32 to index
      %swap3A_334 = arith.constant 96 : index
      %swap3A_335 = tpu.vector_load %arg8[%swap3A_333, %swap3A_334] {strides = array<i32>} : memref<200x128xf32, #tpu.memory_space<vmem>>, vector<1x16xf32>,
      %swap3A_336 = vector.shape_cast %swap3A_335 : vector<1x16xf32> to vector<16xf32>
      %swap3A_337 = vector.shape_cast %get3A_332 : vector<16xf32> to vector<1x16xf32>
      tpu.vector_store %arg8[%swap3A_333, %swap3A_334], %swap3A_337 {add = true, strides = array<i32>} : memref<200x128xf32, #tpu.memory_space<vmem>>, vector<1x16xf32>,
      %get3A_338 = arith.index_cast %add3A_274 : i32 to index
      %get3A_339 = arith.constant 112 : index
      %get3A_340 = tpu.vector_load %arg7[%get3A_338, %get3A_339] {strides = array<i32>} : memref<200x128xf32, #tpu.memory_space<vmem>>, vector<1x16xf32>,
      %get3A_341 = vector.shape_cast %get3A_340 : vector<1x16xf32> to vector<16xf32>
      %swap3A_342 = arith.index_cast %add3A_274 : i32 to index
      %swap3A_343 = arith.constant 112 : index
      %swap3A_344 = tpu.vector_load %arg8[%swap3A_342, %swap3A_343] {strides = array<i32>} : memref<200x128xf32, #tpu.memory_space<vmem>>, vector<1x16xf32>,
      %swap3A_345 = vector.shape_cast %swap3A_344 : vector<1x16xf32> to vector<16xf32>
      %swap3A_346 = vector.shape_cast %get3A_341 : vector<16xf32> to vector<1x16xf32>
      tpu.vector_store %arg8[%swap3A_342, %swap3A_343], %swap3A_346 {add = true, strides = array<i32>} : memref<200x128xf32, #tpu.memory_space<vmem>>, vector<1x16xf32>,
      %mul3A_347 = arith.constant 4 : i32
      %mul3A_348 = arith.muli %scan3A_120, %mul3A_347 : i32
      %add3A_349 = arith.constant 3 : i32
      %add3A_350 = arith.addi %mul3A_348, %add3A_349 : i32
      %get3A_351 = arith.index_cast %add3A_350 : i32 to index
      %get3A_352 = arith.constant 0 : index
      %get3A_353 = tpu.vector_load %arg7[%get3A_351, %get3A_352] {strides = array<i32>} : memref<200x128xf32, #tpu.memory_space<vmem>>, vector<1x16xf32>,
      %get3A_354 = vector.shape_cast %get3A_353 : vector<1x16xf32> to vector<16xf32>
      %swap3A_355 = arith.index_cast %add3A_350 : i32 to index
      %swap3A_356 = arith.constant 0 : index
      %swap3A_357 = tpu.vector_load %arg8[%swap3A_355, %swap3A_356] {strides = array<i32>} : memref<200x128xf32, #tpu.memory_space<vmem>>, vector<1x16xf32>,
      %swap3A_358 = vector.shape_cast %swap3A_357 : vector<1x16xf32> to vector<16xf32>
      %swap3A_359 = vector.shape_cast %get3A_354 : vector<16xf32> to vector<1x16xf32>
      tpu.vector_store %arg8[%swap3A_355, %swap3A_356], %swap3A_359 {add = true, strides = array<i32>} : memref<200x128xf32, #tpu.memory_space<vmem>>, vector<1x16xf32>,
      %get3A_360 = arith.index_cast %add3A_350 : i32 to index
      %get3A_361 = arith.constant 16 : index
      %get3A_362 = tpu.vector_load %arg7[%get3A_360, %get3A_361] {strides = array<i32>} : memref<200x128xf32, #tpu.memory_space<vmem>>, vector<1x16xf32>,
      %get3A_363 = vector.shape_cast %get3A_362 : vector<1x16xf32> to vector<16xf32>
      %swap3A_364 = arith.index_cast %add3A_350 : i32 to index
      %swap3A_365 = arith.constant 16 : index
      %swap3A_366 = tpu.vector_load %arg8[%swap3A_364, %swap3A_365] {strides = array<i32>} : memref<200x128xf32, #tpu.memory_space<vmem>>, vector<1x16xf32>,
      %swap3A_367 = vector.shape_cast %swap3A_366 : vector<1x16xf32> to vector<16xf32>
      %swap3A_368 = vector.shape_cast %get3A_363 : vector<16xf32> to vector<1x16xf32>
      tpu.vector_store %arg8[%swap3A_364, %swap3A_365], %swap3A_368 {add = true, strides = array<i32>} : memref<200x128xf32, #tpu.memory_space<vmem>>, vector<1x16xf32>,
      %get3A_369 = arith.index_cast %add3A_350 : i32 to index
      %get3A_370 = arith.constant 32 : index
      %get3A_371 = tpu.vector_load %arg7[%get3A_369, %get3A_370] {strides = array<i32>} : memref<200x128xf32, #tpu.memory_space<vmem>>, vector<1x16xf32>,
      %get3A_372 = vector.shape_cast %get3A_371 : vector<1x16xf32> to vector<16xf32>
      %swap3A_373 = arith.index_cast %add3A_350 : i32 to index
      %swap3A_374 = arith.constant 32 : index
      %swap3A_375 = tpu.vector_load %arg8[%swap3A_373, %swap3A_374] {strides = array<i32>} : memref<200x128xf32, #tpu.memory_space<vmem>>, vector<1x16xf32>,
      %swap3A_376 = vector.shape_cast %swap3A_375 : vector<1x16xf32> to vector<16xf32>
      %swap3A_377 = vector.shape_cast %get3A_372 : vector<16xf32> to vector<1x16xf32>
      tpu.vector_store %arg8[%swap3A_373, %swap3A_374], %swap3A_377 {add = true, strides = array<i32>} : memref<200x128xf32, #tpu.memory_space<vmem>>, vector<1x16xf32>,
      %get3A_378 = arith.index_cast %add3A_350 : i32 to index
      %get3A_379 = arith.constant 48 : index
      %get3A_380 = tpu.vector_load %arg7[%get3A_378, %get3A_379] {strides = array<i32>} : memref<200x128xf32, #tpu.memory_space<vmem>>, vector<1x16xf32>,
      %get3A_381 = vector.shape_cast %get3A_380 : vector<1x16xf32> to vector<16xf32>
      %swap3A_382 = arith.index_cast %add3A_350 : i32 to index
      %swap3A_383 = arith.constant 48 : index
      %swap3A_384 = tpu.vector_load %arg8[%swap3A_382, %swap3A_383] {strides = array<i32>} : memref<200x128xf32, #tpu.memory_space<vmem>>, vector<1x16xf32>,
      %swap3A_385 = vector.shape_cast %swap3A_384 : vector<1x16xf32> to vector<16xf32>
      %swap3A_386 = vector.shape_cast %get3A_381 : vector<16xf32> to vector<1x16xf32>
      tpu.vector_store %arg8[%swap3A_382, %swap3A_383], %swap3A_386 {add = true, strides = array<i32>} : memref<200x128xf32, #tpu.memory_space<vmem>>, vector<1x16xf32>,
      %get3A_387 = arith.index_cast %add3A_350 : i32 to index
      %get3A_388 = arith.constant 64 : index
      %get3A_389 = tpu.vector_load %arg7[%get3A_387, %get3A_388] {strides = array<i32>} : memref<200x128xf32, #tpu.memory_space<vmem>>, vector<1x16xf32>,
      %get3A_390 = vector.shape_cast %get3A_389 : vector<1x16xf32> to vector<16xf32>
      %swap3A_391 = arith.index_cast %add3A_350 : i32 to index
      %swap3A_392 = arith.constant 64 : index
      %swap3A_393 = tpu.vector_load %arg8[%swap3A_391, %swap3A_392] {strides = array<i32>} : memref<200x128xf32, #tpu.memory_space<vmem>>, vector<1x16xf32>,
      %swap3A_394 = vector.shape_cast %swap3A_393 : vector<1x16xf32> to vector<16xf32>
      %swap3A_395 = vector.shape_cast %get3A_390 : vector<16xf32> to vector<1x16xf32>
      tpu.vector_store %arg8[%swap3A_391, %swap3A_392], %swap3A_395 {add = true, strides = array<i32>} : memref<200x128xf32, #tpu.memory_space<vmem>>, vector<1x16xf32>,
      %get3A_396 = arith.index_cast %add3A_350 : i32 to index
      %get3A_397 = arith.constant 80 : index
      %get3A_398 = tpu.vector_load %arg7[%get3A_396, %get3A_397] {strides = array<i32>} : memref<200x128xf32, #tpu.memory_space<vmem>>, vector<1x16xf32>,
      %get3A_399 = vector.shape_cast %get3A_398 : vector<1x16xf32> to vector<16xf32>
      %swap3A_400 = arith.index_cast %add3A_350 : i32 to index
      %swap3A_401 = arith.constant 80 : index
      %swap3A_402 = tpu.vector_load %arg8[%swap3A_400, %swap3A_401] {strides = array<i32>} : memref<200x128xf32, #tpu.memory_space<vmem>>, vector<1x16xf32>,
      %swap3A_403 = vector.shape_cast %swap3A_402 : vector<1x16xf32> to vector<16xf32>
      %swap3A_404 = vector.shape_cast %get3A_399 : vector<16xf32> to vector<1x16xf32>
      tpu.vector_store %arg8[%swap3A_400, %swap3A_401], %swap3A_404 {add = true, strides = array<i32>} : memref<200x128xf32, #tpu.memory_space<vmem>>, vector<1x16xf32>,
      %get3A_405 = arith.index_cast %add3A_350 : i32 to index
      %get3A_406 = arith.constant 96 : index
      %get3A_407 = tpu.vector_load %arg7[%get3A_405, %get3A_406] {strides = array<i32>} : memref<200x128xf32, #tpu.memory_space<vmem>>, vector<1x16xf32>,
      %get3A_408 = vector.shape_cast %get3A_407 : vector<1x16xf32> to vector<16xf32>
      %swap3A_409 = arith.index_cast %add3A_350 : i32 to index
      %swap3A_410 = arith.constant 96 : index
      %swap3A_411 = tpu.vector_load %arg8[%swap3A_409, %swap3A_410] {strides = array<i32>} : memref<200x128xf32, #tpu.memory_space<vmem>>, vector<1x16xf32>,
      %swap3A_412 = vector.shape_cast %swap3A_411 : vector<1x16xf32> to vector<16xf32>
      %swap3A_413 = vector.shape_cast %get3A_408 : vector<16xf32> to vector<1x16xf32>
      tpu.vector_store %arg8[%swap3A_409, %swap3A_410], %swap3A_413 {add = true, strides = array<i32>} : memref<200x128xf32, #tpu.memory_space<vmem>>, vector<1x16xf32>,
      %get3A_414 = arith.index_cast %add3A_350 : i32 to index
      %get3A_415 = arith.constant 112 : index
      %get3A_416 = tpu.vector_load %arg7[%get3A_414, %get3A_415] {strides = array<i32>} : memref<200x128xf32, #tpu.memory_space<vmem>>, vector<1x16xf32>,
      %get3A_417 = vector.shape_cast %get3A_416 : vector<1x16xf32> to vector<16xf32>
      %swap3A_418 = arith.index_cast %add3A_350 : i32 to index
      %swap3A_419 = arith.constant 112 : index
      %swap3A_420 = tpu.vector_load %arg8[%swap3A_418, %swap3A_419] {strides = array<i32>} : memref<200x128xf32, #tpu.memory_space<vmem>>, vector<1x16xf32>,
      %swap3A_421 = vector.shape_cast %swap3A_420 : vector<1x16xf32> to vector<16xf32>
      %swap3A_422 = vector.shape_cast %get3A_417 : vector<16xf32> to vector<1x16xf32>
      tpu.vector_store %arg8[%swap3A_418, %swap3A_419], %swap3A_422 {add = true, strides = array<i32>} : memref<200x128xf32, #tpu.memory_space<vmem>>, vector<1x16xf32>,
    }
    %scan3A_71 = arith.constant 50 : i32
    %multiple_of3A_72 = arith.constant 25200 : i32
    %multiple_of3A_73 = tpu.assume_multiple %multiple_of3A_72, 8 : i32
    %add3A_74 = arith.addi %multiple_of3A, %multiple_of3A_73 : i32
    %dma_start3A_75 = arith.constant 0 : i32
    %dma_start3A_76 = tpu.memref_slice %arg5[%add3A_74, %dma_start3A_75] : memref<819200x128xf32, #tpu.memory_space<hbm>> -> memref<200x128xf32, #tpu.memory_space<hbm>>
    %dma_start3A_77 = arith.constant 0 : i32
    %dma_start3A_78 = tpu.memref_slice %arg5[%add3A_74, %dma_start3A_77] : memref<819200x128xf32, #tpu.memory_space<hbm>> -> memref<200x128xf32, #tpu.memory_space<hbm>>
    tpu.enqueue_dma source(%arg8 : memref<200x128xf32, #tpu.memory_space<vmem>>) target(%dma_start3A_78 : memref<200x128xf32, #tpu.memory_space<hbm>>) target_semaphore(%arg14 : memref<!tpu.dma_semaphore, #tpu.memory_space<semaphore_mem>>)
    %dma_wait3A_79 = arith.constant 0 : i32
    %dma_wait3A_80 = arith.constant 0 : i32
    %dma_wait3A_81 = tpu.memref_slice %arg9[%dma_wait3A_79, %dma_wait3A_80] : memref<200x128xf32, #tpu.memory_space<vmem>> -> memref<128x128xf32, #tpu.memory_space<vmem>>
    %dma_wait3A_82 = arith.constant 0 : i32
    %dma_wait3A_83 = tpu.memref_slice %arg6[%dma_wait3A_82] : memref<25600xi32, #tpu.memory_space<vmem>> -> memref<128xi32, #tpu.memory_space<vmem>>
    %dma_wait3A_84 = arith.constant 0 : i32
    %dma_wait3A_85 = arith.constant 0 : i32
    %dma_wait3A_86 = tpu.memref_slice %arg3[%dma_wait3A_84, %dma_wait3A_85] : memref<100000x128xf32, #tpu.memory_space<hbm>> -> memref<100000x128xf32, #tpu.memory_space<hbm>>
    tpu.wait_indirect_dma semaphore(%arg12 : memref<!tpu.dma_semaphore, #tpu.memory_space<semaphore_mem>>) src(%dma_wait3A_86 : memref<100000x128xf32, #tpu.memory_space<hbm>>) dst(%dma_wait3A_81 : memref<128x128xf32, #tpu.memory_space<vmem>>)
    %dma_wait3A_87 = arith.constant 128 : i32
    %dma_wait3A_88 = arith.constant 0 : i32
    %dma_wait3A_89 = tpu.memref_slice %arg9[%dma_wait3A_87, %dma_wait3A_88] : memref<200x128xf32, #tpu.memory_space<vmem>> -> memref<72x128xf32, #tpu.memory_space<vmem>>
    %dma_wait3A_90 = arith.constant 128 : i32
    %dma_wait3A_91 = tpu.memref_slice %arg6[%dma_wait3A_90] : memref<25600xi32, #tpu.memory_space<vmem>> -> memref<72xi32, #tpu.memory_space<vmem>>
    %dma_wait3A_92 = arith.constant 0 : i32
    %dma_wait3A_93 = arith.constant 0 : i32
    %dma_wait3A_94 = tpu.memref_slice %arg3[%dma_wait3A_92, %dma_wait3A_93] : memref<100000x128xf32, #tpu.memory_space<hbm>> -> memref<100000x128xf32, #tpu.memory_space<hbm>>
    tpu.wait_indirect_dma semaphore(%arg12 : memref<!tpu.dma_semaphore, #tpu.memory_space<semaphore_mem>>) src(%dma_wait3A_94 : memref<100000x128xf32, #tpu.memory_space<hbm>>) dst(%dma_wait3A_89 : memref<72x128xf32, #tpu.memory_space<vmem>>)
    %scan3A_95 = arith.constant 0 : i32
    %scan3A_96 = arith.constant 0 : i32
    %scan3A_97 = arith.constant 50 : i32
    %scan3A_98 = arith.addi %scan3A_96, %scan3A_97 : i32
    %scan3A_99 = arith.constant 1 : i32
    scf.for %scan3A_120 = %scan3A_96 to %scan3A_98 step %scan3A_99  : i32 {
      %mul3A_121 = arith.constant 4 : i32
      %mul3A_122 = arith.muli %scan3A_120, %mul3A_121 : i32
      %add3A_123 = arith.constant 0 : i32
      %add3A_124 = arith.addi %mul3A_122, %add3A_123 : i32
      %get3A = arith.index_cast %add3A_124 : i32 to index
      %get3A_125 = arith.constant 0 : index
      %get3A_126 = tpu.vector_load %arg7[%get3A, %get3A_125] {strides = array<i32>} : memref<200x128xf32, #tpu.memory_space<vmem>>, vector<1x16xf32>,
      %get3A_127 = vector.shape_cast %get3A_126 : vector<1x16xf32> to vector<16xf32>
      %swap3A = arith.index_cast %add3A_124 : i32 to index
      %swap3A_128 = arith.constant 0 : index
      %swap3A_129 = tpu.vector_load %arg9[%swap3A, %swap3A_128] {strides = array<i32>} : memref<200x128xf32, #tpu.memory_space<vmem>>, vector<1x16xf32>,
      %swap3A_130 = vector.shape_cast %swap3A_129 : vector<1x16xf32> to vector<16xf32>
      %swap3A_131 = vector.shape_cast %get3A_127 : vector<16xf32> to vector<1x16xf32>
      tpu.vector_store %arg9[%swap3A, %swap3A_128], %swap3A_131 {add = true, strides = array<i32>} : memref<200x128xf32, #tpu.memory_space<vmem>>, vector<1x16xf32>,
      %get3A_132 = arith.index_cast %add3A_124 : i32 to index
      %get3A_133 = arith.constant 16 : index
      %get3A_134 = tpu.vector_load %arg7[%get3A_132, %get3A_133] {strides = array<i32>} : memref<200x128xf32, #tpu.memory_space<vmem>>, vector<1x16xf32>,
      %get3A_135 = vector.shape_cast %get3A_134 : vector<1x16xf32> to vector<16xf32>
      %swap3A_136 = arith.index_cast %add3A_124 : i32 to index
      %swap3A_137 = arith.constant 16 : index
      %swap3A_138 = tpu.vector_load %arg9[%swap3A_136, %swap3A_137] {strides = array<i32>} : memref<200x128xf32, #tpu.memory_space<vmem>>, vector<1x16xf32>,
      %swap3A_139 = vector.shape_cast %swap3A_138 : vector<1x16xf32> to vector<16xf32>
      %swap3A_140 = vector.shape_cast %get3A_135 : vector<16xf32> to vector<1x16xf32>
      tpu.vector_store %arg9[%swap3A_136, %swap3A_137], %swap3A_140 {add = true, strides = array<i32>} : memref<200x128xf32, #tpu.memory_space<vmem>>, vector<1x16xf32>,
      %get3A_141 = arith.index_cast %add3A_124 : i32 to index
      %get3A_142 = arith.constant 32 : index
      %get3A_143 = tpu.vector_load %arg7[%get3A_141, %get3A_142] {strides = array<i32>} : memref<200x128xf32, #tpu.memory_space<vmem>>, vector<1x16xf32>,
      %get3A_144 = vector.shape_cast %get3A_143 : vector<1x16xf32> to vector<16xf32>
      %swap3A_145 = arith.index_cast %add3A_124 : i32 to index
      %swap3A_146 = arith.constant 32 : index
      %swap3A_147 = tpu.vector_load %arg9[%swap3A_145, %swap3A_146] {strides = array<i32>} : memref<200x128xf32, #tpu.memory_space<vmem>>, vector<1x16xf32>,
      %swap3A_148 = vector.shape_cast %swap3A_147 : vector<1x16xf32> to vector<16xf32>
      %swap3A_149 = vector.shape_cast %get3A_144 : vector<16xf32> to vector<1x16xf32>
      tpu.vector_store %arg9[%swap3A_145, %swap3A_146], %swap3A_149 {add = true, strides = array<i32>} : memref<200x128xf32, #tpu.memory_space<vmem>>, vector<1x16xf32>,
      %get3A_150 = arith.index_cast %add3A_124 : i32 to index
      %get3A_151 = arith.constant 48 : index
      %get3A_152 = tpu.vector_load %arg7[%get3A_150, %get3A_151] {strides = array<i32>} : memref<200x128xf32, #tpu.memory_space<vmem>>, vector<1x16xf32>,
      %get3A_153 = vector.shape_cast %get3A_152 : vector<1x16xf32> to vector<16xf32>
      %swap3A_154 = arith.index_cast %add3A_124 : i32 to index
      %swap3A_155 = arith.constant 48 : index
      %swap3A_156 = tpu.vector_load %arg9[%swap3A_154, %swap3A_155] {strides = array<i32>} : memref<200x128xf32, #tpu.memory_space<vmem>>, vector<1x16xf32>,
      %swap3A_157 = vector.shape_cast %swap3A_156 : vector<1x16xf32> to vector<16xf32>
      %swap3A_158 = vector.shape_cast %get3A_153 : vector<16xf32> to vector<1x16xf32>
      tpu.vector_store %arg9[%swap3A_154, %swap3A_155], %swap3A_158 {add = true, strides = array<i32>} : memref<200x128xf32, #tpu.memory_space<vmem>>, vector<1x16xf32>,
      %get3A_159 = arith.index_cast %add3A_124 : i32 to index
      %get3A_160 = arith.constant 64 : index
      %get3A_161 = tpu.vector_load %arg7[%get3A_159, %get3A_160] {strides = array<i32>} : memref<200x128xf32, #tpu.memory_space<vmem>>, vector<1x16xf32>,
      %get3A_162 = vector.shape_cast %get3A_161 : vector<1x16xf32> to vector<16xf32>
      %swap3A_163 = arith.index_cast %add3A_124 : i32 to index
      %swap3A_164 = arith.constant 64 : index
      %swap3A_165 = tpu.vector_load %arg9[%swap3A_163, %swap3A_164] {strides = array<i32>} : memref<200x128xf32, #tpu.memory_space<vmem>>, vector<1x16xf32>,
      %swap3A_166 = vector.shape_cast %swap3A_165 : vector<1x16xf32> to vector<16xf32>
      %swap3A_167 = vector.shape_cast %get3A_162 : vector<16xf32> to vector<1x16xf32>
      tpu.vector_store %arg9[%swap3A_163, %swap3A_164], %swap3A_167 {add = true, strides = array<i32>} : memref<200x128xf32, #tpu.memory_space<vmem>>, vector<1x16xf32>,
      %get3A_168 = arith.index_cast %add3A_124 : i32 to index
      %get3A_169 = arith.constant 80 : index
      %get3A_170 = tpu.vector_load %arg7[%get3A_168, %get3A_169] {strides = array<i32>} : memref<200x128xf32, #tpu.memory_space<vmem>>, vector<1x16xf32>,
      %get3A_171 = vector.shape_cast %get3A_170 : vector<1x16xf32> to vector<16xf32>
      %swap3A_172 = arith.index_cast %add3A_124 : i32 to index
      %swap3A_173 = arith.constant 80 : index
      %swap3A_174 = tpu.vector_load %arg9[%swap3A_172, %swap3A_173] {strides = array<i32>} : memref<200x128xf32, #tpu.memory_space<vmem>>, vector<1x16xf32>,
      %swap3A_175 = vector.shape_cast %swap3A_174 : vector<1x16xf32> to vector<16xf32>
      %swap3A_176 = vector.shape_cast %get3A_171 : vector<16xf32> to vector<1x16xf32>
      tpu.vector_store %arg9[%swap3A_172, %swap3A_173], %swap3A_176 {add = true, strides = array<i32>} : memref<200x128xf32, #tpu.memory_space<vmem>>, vector<1x16xf32>,
      %get3A_177 = arith.index_cast %add3A_124 : i32 to index
      %get3A_178 = arith.constant 96 : index
      %get3A_179 = tpu.vector_load %arg7[%get3A_177, %get3A_178] {strides = array<i32>} : memref<200x128xf32, #tpu.memory_space<vmem>>, vector<1x16xf32>,
      %get3A_180 = vector.shape_cast %get3A_179 : vector<1x16xf32> to vector<16xf32>
      %swap3A_181 = arith.index_cast %add3A_124 : i32 to index
      %swap3A_182 = arith.constant 96 : index
      %swap3A_183 = tpu.vector_load %arg9[%swap3A_181, %swap3A_182] {strides = array<i32>} : memref<200x128xf32, #tpu.memory_space<vmem>>, vector<1x16xf32>,
      %swap3A_184 = vector.shape_cast %swap3A_183 : vector<1x16xf32> to vector<16xf32>
      %swap3A_185 = vector.shape_cast %get3A_180 : vector<16xf32> to vector<1x16xf32>
      tpu.vector_store %arg9[%swap3A_181, %swap3A_182], %swap3A_185 {add = true, strides = array<i32>} : memref<200x128xf32, #tpu.memory_space<vmem>>, vector<1x16xf32>,
      %get3A_186 = arith.index_cast %add3A_124 : i32 to index
      %get3A_187 = arith.constant 112 : index
      %get3A_188 = tpu.vector_load %arg7[%get3A_186, %get3A_187] {strides = array<i32>} : memref<200x128xf32, #tpu.memory_space<vmem>>, vector<1x16xf32>,
      %get3A_189 = vector.shape_cast %get3A_188 : vector<1x16xf32> to vector<16xf32>
      %swap3A_190 = arith.index_cast %add3A_124 : i32 to index
      %swap3A_191 = arith.constant 112 : index
      %swap3A_192 = tpu.vector_load %arg9[%swap3A_190, %swap3A_191] {strides = array<i32>} : memref<200x128xf32, #tpu.memory_space<vmem>>, vector<1x16xf32>,
      %swap3A_193 = vector.shape_cast %swap3A_192 : vector<1x16xf32> to vector<16xf32>
      %swap3A_194 = vector.shape_cast %get3A_189 : vector<16xf32> to vector<1x16xf32>
      tpu.vector_store %arg9[%swap3A_190, %swap3A_191], %swap3A_194 {add = true, strides = array<i32>} : memref<200x128xf32, #tpu.memory_space<vmem>>, vector<1x16xf32>,
      %mul3A_195 = arith.constant 4 : i32
      %mul3A_196 = arith.muli %scan3A_120, %mul3A_195 : i32
      %add3A_197 = arith.constant 1 : i32
      %add3A_198 = arith.addi %mul3A_196, %add3A_197 : i32
      %get3A_199 = arith.index_cast %add3A_198 : i32 to index
      %get3A_200 = arith.constant 0 : index
      %get3A_201 = tpu.vector_load %arg7[%get3A_199, %get3A_200] {strides = array<i32>} : memref<200x128xf32, #tpu.memory_space<vmem>>, vector<1x16xf32>,
      %get3A_202 = vector.shape_cast %get3A_201 : vector<1x16xf32> to vector<16xf32>
      %swap3A_203 = arith.index_cast %add3A_198 : i32 to index
      %swap3A_204 = arith.constant 0 : index
      %swap3A_205 = tpu.vector_load %arg9[%swap3A_203, %swap3A_204] {strides = array<i32>} : memref<200x128xf32, #tpu.memory_space<vmem>>, vector<1x16xf32>,
      %swap3A_206 = vector.shape_cast %swap3A_205 : vector<1x16xf32> to vector<16xf32>
      %swap3A_207 = vector.shape_cast %get3A_202 : vector<16xf32> to vector<1x16xf32>
      tpu.vector_store %arg9[%swap3A_203, %swap3A_204], %swap3A_207 {add = true, strides = array<i32>} : memref<200x128xf32, #tpu.memory_space<vmem>>, vector<1x16xf32>,
      %get3A_208 = arith.index_cast %add3A_198 : i32 to index
      %get3A_209 = arith.constant 16 : index
      %get3A_210 = tpu.vector_load %arg7[%get3A_208, %get3A_209] {strides = array<i32>} : memref<200x128xf32, #tpu.memory_space<vmem>>, vector<1x16xf32>,
      %get3A_211 = vector.shape_cast %get3A_210 : vector<1x16xf32> to vector<16xf32>
      %swap3A_212 = arith.index_cast %add3A_198 : i32 to index
      %swap3A_213 = arith.constant 16 : index
      %swap3A_214 = tpu.vector_load %arg9[%swap3A_212, %swap3A_213] {strides = array<i32>} : memref<200x128xf32, #tpu.memory_space<vmem>>, vector<1x16xf32>,
      %swap3A_215 = vector.shape_cast %swap3A_214 : vector<1x16xf32> to vector<16xf32>
      %swap3A_216 = vector.shape_cast %get3A_211 : vector<16xf32> to vector<1x16xf32>
      tpu.vector_store %arg9[%swap3A_212, %swap3A_213], %swap3A_216 {add = true, strides = array<i32>} : memref<200x128xf32, #tpu.memory_space<vmem>>, vector<1x16xf32>,
      %get3A_217 = arith.index_cast %add3A_198 : i32 to index
      %get3A_218 = arith.constant 32 : index
      %get3A_219 = tpu.vector_load %arg7[%get3A_217, %get3A_218] {strides = array<i32>} : memref<200x128xf32, #tpu.memory_space<vmem>>, vector<1x16xf32>,
      %get3A_220 = vector.shape_cast %get3A_219 : vector<1x16xf32> to vector<16xf32>
      %swap3A_221 = arith.index_cast %add3A_198 : i32 to index
      %swap3A_222 = arith.constant 32 : index
      %swap3A_223 = tpu.vector_load %arg9[%swap3A_221, %swap3A_222] {strides = array<i32>} : memref<200x128xf32, #tpu.memory_space<vmem>>, vector<1x16xf32>,
      %swap3A_224 = vector.shape_cast %swap3A_223 : vector<1x16xf32> to vector<16xf32>
      %swap3A_225 = vector.shape_cast %get3A_220 : vector<16xf32> to vector<1x16xf32>
      tpu.vector_store %arg9[%swap3A_221, %swap3A_222], %swap3A_225 {add = true, strides = array<i32>} : memref<200x128xf32, #tpu.memory_space<vmem>>, vector<1x16xf32>,
      %get3A_226 = arith.index_cast %add3A_198 : i32 to index
      %get3A_227 = arith.constant 48 : index
      %get3A_228 = tpu.vector_load %arg7[%get3A_226, %get3A_227] {strides = array<i32>} : memref<200x128xf32, #tpu.memory_space<vmem>>, vector<1x16xf32>,
      %get3A_229 = vector.shape_cast %get3A_228 : vector<1x16xf32> to vector<16xf32>
      %swap3A_230 = arith.index_cast %add3A_198 : i32 to index
      %swap3A_231 = arith.constant 48 : index
      %swap3A_232 = tpu.vector_load %arg9[%swap3A_230, %swap3A_231] {strides = array<i32>} : memref<200x128xf32, #tpu.memory_space<vmem>>, vector<1x16xf32>,
      %swap3A_233 = vector.shape_cast %swap3A_232 : vector<1x16xf32> to vector<16xf32>
      %swap3A_234 = vector.shape_cast %get3A_229 : vector<16xf32> to vector<1x16xf32>
      tpu.vector_store %arg9[%swap3A_230, %swap3A_231], %swap3A_234 {add = true, strides = array<i32>} : memref<200x128xf32, #tpu.memory_space<vmem>>, vector<1x16xf32>,
      %get3A_235 = arith.index_cast %add3A_198 : i32 to index
      %get3A_236 = arith.constant 64 : index
      %get3A_237 = tpu.vector_load %arg7[%get3A_235, %get3A_236] {strides = array<i32>} : memref<200x128xf32, #tpu.memory_space<vmem>>, vector<1x16xf32>,
      %get3A_238 = vector.shape_cast %get3A_237 : vector<1x16xf32> to vector<16xf32>
      %swap3A_239 = arith.index_cast %add3A_198 : i32 to index
      %swap3A_240 = arith.constant 64 : index
      %swap3A_241 = tpu.vector_load %arg9[%swap3A_239, %swap3A_240] {strides = array<i32>} : memref<200x128xf32, #tpu.memory_space<vmem>>, vector<1x16xf32>,
      %swap3A_242 = vector.shape_cast %swap3A_241 : vector<1x16xf32> to vector<16xf32>
      %swap3A_243 = vector.shape_cast %get3A_238 : vector<16xf32> to vector<1x16xf32>
      tpu.vector_store %arg9[%swap3A_239, %swap3A_240], %swap3A_243 {add = true, strides = array<i32>} : memref<200x128xf32, #tpu.memory_space<vmem>>, vector<1x16xf32>,
      %get3A_244 = arith.index_cast %add3A_198 : i32 to index
      %get3A_245 = arith.constant 80 : index
      %get3A_246 = tpu.vector_load %arg7[%get3A_244, %get3A_245] {strides = array<i32>} : memref<200x128xf32, #tpu.memory_space<vmem>>, vector<1x16xf32>,
      %get3A_247 = vector.shape_cast %get3A_246 : vector<1x16xf32> to vector<16xf32>
      %swap3A_248 = arith.index_cast %add3A_198 : i32 to index
      %swap3A_249 = arith.constant 80 : index
      %swap3A_250 = tpu.vector_load %arg9[%swap3A_248, %swap3A_249] {strides = array<i32>} : memref<200x128xf32, #tpu.memory_space<vmem>>, vector<1x16xf32>,
      %swap3A_251 = vector.shape_cast %swap3A_250 : vector<1x16xf32> to vector<16xf32>
      %swap3A_252 = vector.shape_cast %get3A_247 : vector<16xf32> to vector<1x16xf32>
      tpu.vector_store %arg9[%swap3A_248, %swap3A_249], %swap3A_252 {add = true, strides = array<i32>} : memref<200x128xf32, #tpu.memory_space<vmem>>, vector<1x16xf32>,
      %get3A_253 = arith.index_cast %add3A_198 : i32 to index
      %get3A_254 = arith.constant 96 : index
      %get3A_255 = tpu.vector_load %arg7[%get3A_253, %get3A_254] {strides = array<i32>} : memref<200x128xf32, #tpu.memory_space<vmem>>, vector<1x16xf32>,
      %get3A_256 = vector.shape_cast %get3A_255 : vector<1x16xf32> to vector<16xf32>
      %swap3A_257 = arith.index_cast %add3A_198 : i32 to index
      %swap3A_258 = arith.constant 96 : index
      %swap3A_259 = tpu.vector_load %arg9[%swap3A_257, %swap3A_258] {strides = array<i32>} : memref<200x128xf32, #tpu.memory_space<vmem>>, vector<1x16xf32>,
      %swap3A_260 = vector.shape_cast %swap3A_259 : vector<1x16xf32> to vector<16xf32>
      %swap3A_261 = vector.shape_cast %get3A_256 : vector<16xf32> to vector<1x16xf32>
      tpu.vector_store %arg9[%swap3A_257, %swap3A_258], %swap3A_261 {add = true, strides = array<i32>} : memref<200x128xf32, #tpu.memory_space<vmem>>, vector<1x16xf32>,
      %get3A_262 = arith.index_cast %add3A_198 : i32 to index
      %get3A_263 = arith.constant 112 : index
      %get3A_264 = tpu.vector_load %arg7[%get3A_262, %get3A_263] {strides = array<i32>} : memref<200x128xf32, #tpu.memory_space<vmem>>, vector<1x16xf32>,
      %get3A_265 = vector.shape_cast %get3A_264 : vector<1x16xf32> to vector<16xf32>
      %swap3A_266 = arith.index_cast %add3A_198 : i32 to index
      %swap3A_267 = arith.constant 112 : index
      %swap3A_268 = tpu.vector_load %arg9[%swap3A_266, %swap3A_267] {strides = array<i32>} : memref<200x128xf32, #tpu.memory_space<vmem>>, vector<1x16xf32>,
      %swap3A_269 = vector.shape_cast %swap3A_268 : vector<1x16xf32> to vector<16xf32>
      %swap3A_270 = vector.shape_cast %get3A_265 : vector<16xf32> to vector<1x16xf32>
      tpu.vector_store %arg9[%swap3A_266, %swap3A_267], %swap3A_270 {add = true, strides = array<i32>} : memref<200x128xf32, #tpu.memory_space<vmem>>, vector<1x16xf32>,
      %mul3A_271 = arith.constant 4 : i32
      %mul3A_272 = arith.muli %scan3A_120, %mul3A_271 : i32
      %add3A_273 = arith.constant 2 : i32
      %add3A_274 = arith.addi %mul3A_272, %add3A_273 : i32
      %get3A_275 = arith.index_cast %add3A_274 : i32 to index
      %get3A_276 = arith.constant 0 : index
      %get3A_277 = tpu.vector_load %arg7[%get3A_275, %get3A_276] {strides = array<i32>} : memref<200x128xf32, #tpu.memory_space<vmem>>, vector<1x16xf32>,
      %get3A_278 = vector.shape_cast %get3A_277 : vector<1x16xf32> to vector<16xf32>
      %swap3A_279 = arith.index_cast %add3A_274 : i32 to index
      %swap3A_280 = arith.constant 0 : index
      %swap3A_281 = tpu.vector_load %arg9[%swap3A_279, %swap3A_280] {strides = array<i32>} : memref<200x128xf32, #tpu.memory_space<vmem>>, vector<1x16xf32>,
      %swap3A_282 = vector.shape_cast %swap3A_281 : vector<1x16xf32> to vector<16xf32>
      %swap3A_283 = vector.shape_cast %get3A_278 : vector<16xf32> to vector<1x16xf32>
      tpu.vector_store %arg9[%swap3A_279, %swap3A_280], %swap3A_283 {add = true, strides = array<i32>} : memref<200x128xf32, #tpu.memory_space<vmem>>, vector<1x16xf32>,
      %get3A_284 = arith.index_cast %add3A_274 : i32 to index
      %get3A_285 = arith.constant 16 : index
      %get3A_286 = tpu.vector_load %arg7[%get3A_284, %get3A_285] {strides = array<i32>} : memref<200x128xf32, #tpu.memory_space<vmem>>, vector<1x16xf32>,
      %get3A_287 = vector.shape_cast %get3A_286 : vector<1x16xf32> to vector<16xf32>
      %swap3A_288 = arith.index_cast %add3A_274 : i32 to index
      %swap3A_289 = arith.constant 16 : index
      %swap3A_290 = tpu.vector_load %arg9[%swap3A_288, %swap3A_289] {strides = array<i32>} : memref<200x128xf32, #tpu.memory_space<vmem>>, vector<1x16xf32>,
      %swap3A_291 = vector.shape_cast %swap3A_290 : vector<1x16xf32> to vector<16xf32>
      %swap3A_292 = vector.shape_cast %get3A_287 : vector<16xf32> to vector<1x16xf32>
      tpu.vector_store %arg9[%swap3A_288, %swap3A_289], %swap3A_292 {add = true, strides = array<i32>} : memref<200x128xf32, #tpu.memory_space<vmem>>, vector<1x16xf32>,
      %get3A_293 = arith.index_cast %add3A_274 : i32 to index
      %get3A_294 = arith.constant 32 : index
      %get3A_295 = tpu.vector_load %arg7[%get3A_293, %get3A_294] {strides = array<i32>} : memref<200x128xf32, #tpu.memory_space<vmem>>, vector<1x16xf32>,
      %get3A_296 = vector.shape_cast %get3A_295 : vector<1x16xf32> to vector<16xf32>
      %swap3A_297 = arith.index_cast %add3A_274 : i32 to index
      %swap3A_298 = arith.constant 32 : index
      %swap3A_299 = tpu.vector_load %arg9[%swap3A_297, %swap3A_298] {strides = array<i32>} : memref<200x128xf32, #tpu.memory_space<vmem>>, vector<1x16xf32>,
      %swap3A_300 = vector.shape_cast %swap3A_299 : vector<1x16xf32> to vector<16xf32>
      %swap3A_301 = vector.shape_cast %get3A_296 : vector<16xf32> to vector<1x16xf32>
      tpu.vector_store %arg9[%swap3A_297, %swap3A_298], %swap3A_301 {add = true, strides = array<i32>} : memref<200x128xf32, #tpu.memory_space<vmem>>, vector<1x16xf32>,
      %get3A_302 = arith.index_cast %add3A_274 : i32 to index
      %get3A_303 = arith.constant 48 : index
      %get3A_304 = tpu.vector_load %arg7[%get3A_302, %get3A_303] {strides = array<i32>} : memref<200x128xf32, #tpu.memory_space<vmem>>, vector<1x16xf32>,
      %get3A_305 = vector.shape_cast %get3A_304 : vector<1x16xf32> to vector<16xf32>
      %swap3A_306 = arith.index_cast %add3A_274 : i32 to index
      %swap3A_307 = arith.constant 48 : index
      %swap3A_308 = tpu.vector_load %arg9[%swap3A_306, %swap3A_307] {strides = array<i32>} : memref<200x128xf32, #tpu.memory_space<vmem>>, vector<1x16xf32>,
      %swap3A_309 = vector.shape_cast %swap3A_308 : vector<1x16xf32> to vector<16xf32>
      %swap3A_310 = vector.shape_cast %get3A_305 : vector<16xf32> to vector<1x16xf32>
      tpu.vector_store %arg9[%swap3A_306, %swap3A_307], %swap3A_310 {add = true, strides = array<i32>} : memref<200x128xf32, #tpu.memory_space<vmem>>, vector<1x16xf32>,
      %get3A_311 = arith.index_cast %add3A_274 : i32 to index
      %get3A_312 = arith.constant 64 : index
      %get3A_313 = tpu.vector_load %arg7[%get3A_311, %get3A_312] {strides = array<i32>} : memref<200x128xf32, #tpu.memory_space<vmem>>, vector<1x16xf32>,
      %get3A_314 = vector.shape_cast %get3A_313 : vector<1x16xf32> to vector<16xf32>
      %swap3A_315 = arith.index_cast %add3A_274 : i32 to index
      %swap3A_316 = arith.constant 64 : index
      %swap3A_317 = tpu.vector_load %arg9[%swap3A_315, %swap3A_316] {strides = array<i32>} : memref<200x128xf32, #tpu.memory_space<vmem>>, vector<1x16xf32>,
      %swap3A_318 = vector.shape_cast %swap3A_317 : vector<1x16xf32> to vector<16xf32>
      %swap3A_319 = vector.shape_cast %get3A_314 : vector<16xf32> to vector<1x16xf32>
      tpu.vector_store %arg9[%swap3A_315, %swap3A_316], %swap3A_319 {add = true, strides = array<i32>} : memref<200x128xf32, #tpu.memory_space<vmem>>, vector<1x16xf32>,
      %get3A_320 = arith.index_cast %add3A_274 : i32 to index
      %get3A_321 = arith.constant 80 : index
      %get3A_322 = tpu.vector_load %arg7[%get3A_320, %get3A_321] {strides = array<i32>} : memref<200x128xf32, #tpu.memory_space<vmem>>, vector<1x16xf32>,
      %get3A_323 = vector.shape_cast %get3A_322 : vector<1x16xf32> to vector<16xf32>
      %swap3A_324 = arith.index_cast %add3A_274 : i32 to index
      %swap3A_325 = arith.constant 80 : index
      %swap3A_326 = tpu.vector_load %arg9[%swap3A_324, %swap3A_325] {strides = array<i32>} : memref<200x128xf32, #tpu.memory_space<vmem>>, vector<1x16xf32>,
      %swap3A_327 = vector.shape_cast %swap3A_326 : vector<1x16xf32> to vector<16xf32>
      %swap3A_328 = vector.shape_cast %get3A_323 : vector<16xf32> to vector<1x16xf32>
      tpu.vector_store %arg9[%swap3A_324, %swap3A_325], %swap3A_328 {add = true, strides = array<i32>} : memref<200x128xf32, #tpu.memory_space<vmem>>, vector<1x16xf32>,
      %get3A_329 = arith.index_cast %add3A_274 : i32 to index
      %get3A_330 = arith.constant 96 : index
      %get3A_331 = tpu.vector_load %arg7[%get3A_329, %get3A_330] {strides = array<i32>} : memref<200x128xf32, #tpu.memory_space<vmem>>, vector<1x16xf32>,
      %get3A_332 = vector.shape_cast %get3A_331 : vector<1x16xf32> to vector<16xf32>
      %swap3A_333 = arith.index_cast %add3A_274 : i32 to index
      %swap3A_334 = arith.constant 96 : index
      %swap3A_335 = tpu.vector_load %arg9[%swap3A_333, %swap3A_334] {strides = array<i32>} : memref<200x128xf32, #tpu.memory_space<vmem>>, vector<1x16xf32>,
      %swap3A_336 = vector.shape_cast %swap3A_335 : vector<1x16xf32> to vector<16xf32>
      %swap3A_337 = vector.shape_cast %get3A_332 : vector<16xf32> to vector<1x16xf32>
      tpu.vector_store %arg9[%swap3A_333, %swap3A_334], %swap3A_337 {add = true, strides = array<i32>} : memref<200x128xf32, #tpu.memory_space<vmem>>, vector<1x16xf32>,
      %get3A_338 = arith.index_cast %add3A_274 : i32 to index
      %get3A_339 = arith.constant 112 : index
      %get3A_340 = tpu.vector_load %arg7[%get3A_338, %get3A_339] {strides = array<i32>} : memref<200x128xf32, #tpu.memory_space<vmem>>, vector<1x16xf32>,
      %get3A_341 = vector.shape_cast %get3A_340 : vector<1x16xf32> to vector<16xf32>
      %swap3A_342 = arith.index_cast %add3A_274 : i32 to index
      %swap3A_343 = arith.constant 112 : index
      %swap3A_344 = tpu.vector_load %arg9[%swap3A_342, %swap3A_343] {strides = array<i32>} : memref<200x128xf32, #tpu.memory_space<vmem>>, vector<1x16xf32>,
      %swap3A_345 = vector.shape_cast %swap3A_344 : vector<1x16xf32> to vector<16xf32>
      %swap3A_346 = vector.shape_cast %get3A_341 : vector<16xf32> to vector<1x16xf32>
      tpu.vector_store %arg9[%swap3A_342, %swap3A_343], %swap3A_346 {add = true, strides = array<i32>} : memref<200x128xf32, #tpu.memory_space<vmem>>, vector<1x16xf32>,
      %mul3A_347 = arith.constant 4 : i32
      %mul3A_348 = arith.muli %scan3A_120, %mul3A_347 : i32
      %add3A_349 = arith.constant 3 : i32
      %add3A_350 = arith.addi %mul3A_348, %add3A_349 : i32
      %get3A_351 = arith.index_cast %add3A_350 : i32 to index
      %get3A_352 = arith.constant 0 : index
      %get3A_353 = tpu.vector_load %arg7[%get3A_351, %get3A_352] {strides = array<i32>} : memref<200x128xf32, #tpu.memory_space<vmem>>, vector<1x16xf32>,
      %get3A_354 = vector.shape_cast %get3A_353 : vector<1x16xf32> to vector<16xf32>
      %swap3A_355 = arith.index_cast %add3A_350 : i32 to index
      %swap3A_356 = arith.constant 0 : index
      %swap3A_357 = tpu.vector_load %arg9[%swap3A_355, %swap3A_356] {strides = array<i32>} : memref<200x128xf32, #tpu.memory_space<vmem>>, vector<1x16xf32>,
      %swap3A_358 = vector.shape_cast %swap3A_357 : vector<1x16xf32> to vector<16xf32>
      %swap3A_359 = vector.shape_cast %get3A_354 : vector<16xf32> to vector<1x16xf32>
      tpu.vector_store %arg9[%swap3A_355, %swap3A_356], %swap3A_359 {add = true, strides = array<i32>} : memref<200x128xf32, #tpu.memory_space<vmem>>, vector<1x16xf32>,
      %get3A_360 = arith.index_cast %add3A_350 : i32 to index
      %get3A_361 = arith.constant 16 : index
      %get3A_362 = tpu.vector_load %arg7[%get3A_360, %get3A_361] {strides = array<i32>} : memref<200x128xf32, #tpu.memory_space<vmem>>, vector<1x16xf32>,
      %get3A_363 = vector.shape_cast %get3A_362 : vector<1x16xf32> to vector<16xf32>
      %swap3A_364 = arith.index_cast %add3A_350 : i32 to index
      %swap3A_365 = arith.constant 16 : index
      %swap3A_366 = tpu.vector_load %arg9[%swap3A_364, %swap3A_365] {strides = array<i32>} : memref<200x128xf32, #tpu.memory_space<vmem>>, vector<1x16xf32>,
      %swap3A_367 = vector.shape_cast %swap3A_366 : vector<1x16xf32> to vector<16xf32>
      %swap3A_368 = vector.shape_cast %get3A_363 : vector<16xf32> to vector<1x16xf32>
      tpu.vector_store %arg9[%swap3A_364, %swap3A_365], %swap3A_368 {add = true, strides = array<i32>} : memref<200x128xf32, #tpu.memory_space<vmem>>, vector<1x16xf32>,
      %get3A_369 = arith.index_cast %add3A_350 : i32 to index
      %get3A_370 = arith.constant 32 : index
      %get3A_371 = tpu.vector_load %arg7[%get3A_369, %get3A_370] {strides = array<i32>} : memref<200x128xf32, #tpu.memory_space<vmem>>, vector<1x16xf32>,
      %get3A_372 = vector.shape_cast %get3A_371 : vector<1x16xf32> to vector<16xf32>
      %swap3A_373 = arith.index_cast %add3A_350 : i32 to index
      %swap3A_374 = arith.constant 32 : index
      %swap3A_375 = tpu.vector_load %arg9[%swap3A_373, %swap3A_374] {strides = array<i32>} : memref<200x128xf32, #tpu.memory_space<vmem>>, vector<1x16xf32>,
      %swap3A_376 = vector.shape_cast %swap3A_375 : vector<1x16xf32> to vector<16xf32>
      %swap3A_377 = vector.shape_cast %get3A_372 : vector<16xf32> to vector<1x16xf32>
      tpu.vector_store %arg9[%swap3A_373, %swap3A_374], %swap3A_377 {add = true, strides = array<i32>} : memref<200x128xf32, #tpu.memory_space<vmem>>, vector<1x16xf32>,
      %get3A_378 = arith.index_cast %add3A_350 : i32 to index
      %get3A_379 = arith.constant 48 : index
      %get3A_380 = tpu.vector_load %arg7[%get3A_378, %get3A_379] {strides = array<i32>} : memref<200x128xf32, #tpu.memory_space<vmem>>, vector<1x16xf32>,
      %get3A_381 = vector.shape_cast %get3A_380 : vector<1x16xf32> to vector<16xf32>
      %swap3A_382 = arith.index_cast %add3A_350 : i32 to index
      %swap3A_383 = arith.constant 48 : index
      %swap3A_384 = tpu.vector_load %arg9[%swap3A_382, %swap3A_383] {strides = array<i32>} : memref<200x128xf32, #tpu.memory_space<vmem>>, vector<1x16xf32>,
      %swap3A_385 = vector.shape_cast %swap3A_384 : vector<1x16xf32> to vector<16xf32>
      %swap3A_386 = vector.shape_cast %get3A_381 : vector<16xf32> to vector<1x16xf32>
      tpu.vector_store %arg9[%swap3A_382, %swap3A_383], %swap3A_386 {add = true, strides = array<i32>} : memref<200x128xf32, #tpu.memory_space<vmem>>, vector<1x16xf32>,
      %get3A_387 = arith.index_cast %add3A_350 : i32 to index
      %get3A_388 = arith.constant 64 : index
      %get3A_389 = tpu.vector_load %arg7[%get3A_387, %get3A_388] {strides = array<i32>} : memref<200x128xf32, #tpu.memory_space<vmem>>, vector<1x16xf32>,
      %get3A_390 = vector.shape_cast %get3A_389 : vector<1x16xf32> to vector<16xf32>
      %swap3A_391 = arith.index_cast %add3A_350 : i32 to index
      %swap3A_392 = arith.constant 64 : index
      %swap3A_393 = tpu.vector_load %arg9[%swap3A_391, %swap3A_392] {strides = array<i32>} : memref<200x128xf32, #tpu.memory_space<vmem>>, vector<1x16xf32>,
      %swap3A_394 = vector.shape_cast %swap3A_393 : vector<1x16xf32> to vector<16xf32>
      %swap3A_395 = vector.shape_cast %get3A_390 : vector<16xf32> to vector<1x16xf32>
      tpu.vector_store %arg9[%swap3A_391, %swap3A_392], %swap3A_395 {add = true, strides = array<i32>} : memref<200x128xf32, #tpu.memory_space<vmem>>, vector<1x16xf32>,
      %get3A_396 = arith.index_cast %add3A_350 : i32 to index
      %get3A_397 = arith.constant 80 : index
      %get3A_398 = tpu.vector_load %arg7[%get3A_396, %get3A_397] {strides = array<i32>} : memref<200x128xf32, #tpu.memory_space<vmem>>, vector<1x16xf32>,
      %get3A_399 = vector.shape_cast %get3A_398 : vector<1x16xf32> to vector<16xf32>
      %swap3A_400 = arith.index_cast %add3A_350 : i32 to index
      %swap3A_401 = arith.constant 80 : index
      %swap3A_402 = tpu.vector_load %arg9[%swap3A_400, %swap3A_401] {strides = array<i32>} : memref<200x128xf32, #tpu.memory_space<vmem>>, vector<1x16xf32>,
      %swap3A_403 = vector.shape_cast %swap3A_402 : vector<1x16xf32> to vector<16xf32>
      %swap3A_404 = vector.shape_cast %get3A_399 : vector<16xf32> to vector<1x16xf32>
      tpu.vector_store %arg9[%swap3A_400, %swap3A_401], %swap3A_404 {add = true, strides = array<i32>} : memref<200x128xf32, #tpu.memory_space<vmem>>, vector<1x16xf32>,
      %get3A_405 = arith.index_cast %add3A_350 : i32 to index
      %get3A_406 = arith.constant 96 : index
      %get3A_407 = tpu.vector_load %arg7[%get3A_405, %get3A_406] {strides = array<i32>} : memref<200x128xf32, #tpu.memory_space<vmem>>, vector<1x16xf32>,
      %get3A_408 = vector.shape_cast %get3A_407 : vector<1x16xf32> to vector<16xf32>
      %swap3A_409 = arith.index_cast %add3A_350 : i32 to index
      %swap3A_410 = arith.constant 96 : index
      %swap3A_411 = tpu.vector_load %arg9[%swap3A_409, %swap3A_410] {strides = array<i32>} : memref<200x128xf32, #tpu.memory_space<vmem>>, vector<1x16xf32>,
      %swap3A_412 = vector.shape_cast %swap3A_411 : vector<1x16xf32> to vector<16xf32>
      %swap3A_413 = vector.shape_cast %get3A_408 : vector<16xf32> to vector<1x16xf32>
      tpu.vector_store %arg9[%swap3A_409, %swap3A_410], %swap3A_413 {add = true, strides = array<i32>} : memref<200x128xf32, #tpu.memory_space<vmem>>, vector<1x16xf32>,
      %get3A_414 = arith.index_cast %add3A_350 : i32 to index
      %get3A_415 = arith.constant 112 : index
      %get3A_416 = tpu.vector_load %arg7[%get3A_414, %get3A_415] {strides = array<i32>} : memref<200x128xf32, #tpu.memory_space<vmem>>, vector<1x16xf32>,
      %get3A_417 = vector.shape_cast %get3A_416 : vector<1x16xf32> to vector<16xf32>
      %swap3A_418 = arith.index_cast %add3A_350 : i32 to index
      %swap3A_419 = arith.constant 112 : index
      %swap3A_420 = tpu.vector_load %arg9[%swap3A_418, %swap3A_419] {strides = array<i32>} : memref<200x128xf32, #tpu.memory_space<vmem>>, vector<1x16xf32>,
      %swap3A_421 = vector.shape_cast %swap3A_420 : vector<1x16xf32> to vector<16xf32>
      %swap3A_422 = vector.shape_cast %get3A_417 : vector<16xf32> to vector<1x16xf32>
      tpu.vector_store %arg9[%swap3A_418, %swap3A_419], %swap3A_422 {add = true, strides = array<i32>} : memref<200x128xf32, #tpu.memory_space<vmem>>, vector<1x16xf32>,
    }
    %scan3A_100 = arith.constant 50 : i32
    %multiple_of3A_101 = arith.constant 25400 : i32
    %multiple_of3A_102 = tpu.assume_multiple %multiple_of3A_101, 8 : i32
    %add3A_103 = arith.addi %multiple_of3A, %multiple_of3A_102 : i32
    %dma_start3A_104 = arith.constant 0 : i32
    %dma_start3A_105 = tpu.memref_slice %arg5[%add3A_103, %dma_start3A_104] : memref<819200x128xf32, #tpu.memory_space<hbm>> -> memref<200x128xf32, #tpu.memory_space<hbm>>
    %dma_start3A_106 = arith.constant 0 : i32
    %dma_start3A_107 = tpu.memref_slice %arg5[%add3A_103, %dma_start3A_106] : memref<819200x128xf32, #tpu.memory_space<hbm>> -> memref<200x128xf32, #tpu.memory_space<hbm>>
    tpu.enqueue_dma source(%arg9 : memref<200x128xf32, #tpu.memory_space<vmem>>) target(%dma_start3A_107 : memref<200x128xf32, #tpu.memory_space<hbm>>) target_semaphore(%arg15 : memref<!tpu.dma_semaphore, #tpu.memory_space<semaphore_mem>>)
    %dma_wait3A_108 = arith.constant 0 : i32
    %dma_wait3A_109 = tpu.memref_slice %arg5[%multiple_of3A, %dma_wait3A_108] : memref<819200x128xf32, #tpu.memory_space<hbm>> -> memref<200x128xf32, #tpu.memory_space<hbm>>
    %dma_wait3A_110 = arith.constant 0 : i32
    %dma_wait3A_111 = tpu.memref_slice %arg5[%multiple_of3A, %dma_wait3A_110] : memref<819200x128xf32, #tpu.memory_space<hbm>> -> memref<200x128xf32, #tpu.memory_space<hbm>>
    tpu.wait_dma2 semaphore(%arg14 : memref<!tpu.dma_semaphore, #tpu.memory_space<semaphore_mem>>) src(%arg8 : memref<200x128xf32, #tpu.memory_space<vmem>>) dst(%dma_wait3A_111 : memref<200x128xf32, #tpu.memory_space<hbm>>)
    %dma_wait3A_112 = arith.constant 0 : i32
    %dma_wait3A_113 = tpu.memref_slice %arg5[%multiple_of3A, %dma_wait3A_112] : memref<819200x128xf32, #tpu.memory_space<hbm>> -> memref<200x128xf32, #tpu.memory_space<hbm>>
    %dma_wait3A_114 = arith.constant 0 : i32
    %dma_wait3A_115 = tpu.memref_slice %arg5[%multiple_of3A, %dma_wait3A_114] : memref<819200x128xf32, #tpu.memory_space<hbm>> -> memref<200x128xf32, #tpu.memory_space<hbm>>
    tpu.wait_dma2 semaphore(%arg15 : memref<!tpu.dma_semaphore, #tpu.memory_space<semaphore_mem>>) src(%arg9 : memref<200x128xf32, #tpu.memory_space<vmem>>) dst(%dma_wait3A_115 : memref<200x128xf32, #tpu.memory_space<hbm>>)
    %dma_wait3A_116 = arith.constant 0 : i32
    %dma_wait3A_117 = tpu.memref_slice %arg5[%multiple_of3A, %dma_wait3A_116] : memref<819200x128xf32, #tpu.memory_space<hbm>> -> memref<200x128xf32, #tpu.memory_space<hbm>>
    %dma_wait3A_118 = arith.constant 0 : i32
    %dma_wait3A_119 = tpu.memref_slice %arg5[%multiple_of3A, %dma_wait3A_118] : memref<819200x128xf32, #tpu.memory_space<hbm>> -> memref<200x128xf32, #tpu.memory_space<hbm>>
    tpu.wait_dma2 semaphore(%arg16 : memref<!tpu.dma_semaphore, #tpu.memory_space<semaphore_mem>>) src(%arg10 : memref<200x128xf32, #tpu.memory_space<vmem>>) dst(%dma_wait3A_119 : memref<200x128xf32, #tpu.memory_space<hbm>>)
    return
  }
}

</mosaic_0001>

<sc_bundles>
// kernel: kernel.3.cloned.1.call-start
scs
__scs_entry_jumppad:
0x0: {  	(pc) =	sbr.rel $0x88, $3  }
0x1: {  	(tag) =	ssettag $0x0;
	lr =	simm.s32 $0x1  }
0x2: {  	[smem:$0x3F9E] =	sst lr;
	_ =	strace $0xD0000000  }
0x3: {  	_ = 	snop  }
0x4: {  	_ = 	snop  }
0x5: {  	_ = 	snop  }
0x6: {  	_ = 	snop  }
0x7: {  	_ = 	snop  }
__scs_overlays_trampoline_lowered:
0x8: {  	[smem:$0x3FAD] =	sst s0  }
0x9: {  	[smem:$0x3FAE] =	sst s1  }
0xa: {  	[smem:$0x3FAF] =	sst s2  }
0xb: {  	[smem:$0x3FB0] =	sst s3  }
0xc: {  	[smem:$0x3FB1] =	sst s4  }
0xd: {  	[smem:$0x3FB2] =	sst s5  }
0xe: {  	[smem:$0x3FB3] =	sst s6  }
0xf: {  	[smem:$0x3FB4] =	sst s7  }
0x10: {  	[smem:$0x3FB5] =	sst s8  }
0x11: {  	[smem:$0x3FB6] =	sst s9;
	s0 =	simm.s32 @!p0 $0x0  }
0x12: {  	s1 =	sld [smem:$0x3F9C];
	s0 =	simm.s32 @p0 $0x1  }
0x13: {  	[smem:$0x3FB7] =	sst s0;
	s0 =	simm.s32 @!p1 $0x0  }
0x14: {  	s2 =	sld [smem:$0x3F9B];
	s0 =	simm.s32 @p1 $0x1  }
0x15: {  	[smem:$0x3FB8] =	sst s0;
	s0 =	simm.s32 @!p2 $0x0  }
0x16: {  	s3 =	sld [smem:$0x3FDB];
	s0 =	simm.s32 @p2 $0x1  }
0x17: {  	s4 =	simm.s32 $0x1BF5;
	[smem:$0x3FBA] =	sst s0  }
0x18: {  	s0 =	sld [smem:$0x3F9D];
	_ =	swait.ge [sflag:s4], $0x0  }
0x19: {  	s7 =	sld [smem:$0x3F9E]  }
0x1a: {  	s8 =	sadd.s32 $0xFFFFE003, lr  }
0x1b: {  	s9 =	sadd.s32 $0xFFFFFEF7, lr;
	s5 =	simm.s32 $0xFFFFFFFF;
	p2 =	slt.u32 s8, $0xFFFFF086  }
0x1c: {  	p1 =	slt.u32 s9, $0xF7A;
	s5 =	simm.s32 @!p2 $0x0  }
0x1d: {  	s5 =	simm.s32 @p1 $0x1;
	p0 =	seq.s32 s7, s2  }
0x1e: {  	s7 =	smul.u32 @!p0 $0xF7A, s2;
	p2 =	seq.s32 @!p0 s5, $0x0  }
0x1f: {  	s9 =	smul.u32 $0xF7A, s1;
	s8 =	simm.s32 @!p0 $0x1BF5;
	p2 =	por !p2, p0  }
0x20: {  	[sflag:s8] =	ssyncset.s32 @!p0 $0xFFFFF086;
	s6 =	sadd.s32 @!p0 s3, s7;
	s7 =	simm.s32 @!p0 $0x108  }
0x21: {  	s3 =	sadd.s32 s3, s9;
	s6 =	sadd.s32 @!p0 $0x88, s6;
	s7 =	simm.s32 @p2 $0x1082  }
0x22: {  	[simem:s7], [sflag:s8] =	dma.local @!p0 [hbm:s6], $0xF7A  }
0x23: {  	s9 =	sor.u32 $0xD0000000, s2;
	s6 =	simm.s32 $0x108;
	_ =	swait.ge @!p0 [sflag:s8], $0x0  }
0x24: {  	s3 =	sadd.s32 $0x88, s3;
	s6 =	simm.s32 @!p1 $0x1082;
	[sflag:s4] =	ssyncset.s32 $0xFFFFF086  }
0x25: {  	[simem:s6], [sflag:s4] =	dma.local [hbm:s3], $0xF7A  }
0x26: {  	[smem:$0x3F9E] =	sst s1;
	(tag) =	ssettag s2;
	_ =	strace s9  }
0x27: {  	s1 =	sld [smem:$0x3FAE]  }
0x28: {  	s2 =	sld [smem:$0x3FAF]  }
0x29: {  	s4 =	sld [smem:$0x3FB1]  }
0x2a: {  	p0 =	seq.s32 s5, $0x0;
	s5 =	sld [smem:$0x3FB2]  }
0x2b: {  	s6 =	sld [smem:$0x3FB3]  }
0x2c: {  	s7 =	sld [smem:$0x3FB4]  }
0x2d: {  	s3 =	simm.s32 $0x108;
	s8 =	sld [smem:$0x3FB5]  }
0x2e: {  	s3 =	simm.s32 @!p0 $0x1082;
	s9 =	sld [smem:$0x3FB6]  }
0x2f: {  	lr =	sadd.s32 s0, s3;
	s0 =	sld [smem:$0x3FAD]  }
0x30: {  	s3 =	sld [smem:$0x3FB0]  }
0x31: {  	[smem:$0x3FB9] =	sst s10  }
0x32: {  	s10 =	sld [smem:$0x3FB7];
	_ =	sdelay $0x3  }
0x33: {  	p0 =	seq.s32 s10, $0x1;
	s10 =	sld [smem:$0x3FB9];
	_ =	sdelay $0x3  }
0x34: {  	[smem:$0x3FB9] =	sst s10  }
0x35: {  	s10 =	sld [smem:$0x3FB8];
	_ =	sdelay $0x3  }
0x36: {  	p1 =	seq.s32 s10, $0x1;
	s10 =	sld [smem:$0x3FB9];
	_ =	sdelay $0x3  }
0x37: {  	[smem:$0x3FB9] =	sst s10  }
0x38: {  	s10 =	sld [smem:$0x3FBA]  }
0x39: {  	_ = 	snop;
	(pc) =	sbr.ind lr, $3  }
0x3a: {  	_ = 	snop  }
0x3b: {  	_ = 	snop  }
0x3c: {  	p2 =	seq.s32 s10, $0x1;
	s10 =	sld [smem:$0x3FB9]  }
0x3d: {  	_ =	shalt  }
0x3e: {  	_ =	shalt  }
0x3f: {  	_ =	shalt  }
0x40: {  	_ =	shalt  }
0x41: {  	_ =	shalt  }
0x42: {  	_ =	shalt  }
0x43: {  	_ =	shalt  }
0x44: {  	_ =	shalt  }
0x45: {  	_ =	shalt  }
0x46: {  	_ =	shalt  }
0x47: {  	_ =	shalt  }
0x48: {  	_ =	shalt  }
0x49: {  	_ =	shalt  }
0x4a: {  	_ =	shalt  }
0x4b: {  	_ =	shalt  }
0x4c: {  	_ =	shalt  }
0x4d: {  	_ =	shalt  }
0x4e: {  	_ =	shalt  }
0x4f: {  	_ =	shalt  }
0x50: {  	_ =	shalt  }
0x51: {  	_ =	shalt  }
0x52: {  	_ =	shalt  }
0x53: {  	_ =	shalt  }
0x54: {  	_ =	shalt  }
0x55: {  	_ =	shalt  }
0x56: {  	_ =	shalt  }
0x57: {  	_ =	shalt  }
0x58: {  	_ =	shalt  }
0x59: {  	_ =	shalt  }
0x5a: {  	_ =	shalt  }
0x5b: {  	_ =	shalt  }
0x5c: {  	_ =	shalt  }
0x5d: {  	_ =	shalt  }
0x5e: {  	_ =	shalt  }
0x5f: {  	_ =	shalt  }
0x60: {  	_ =	shalt  }
0x61: {  	_ =	shalt  }
0x62: {  	_ =	shalt  }
0x63: {  	_ =	shalt  }
0x64: {  	_ =	shalt  }
0x65: {  	_ =	shalt  }
0x66: {  	_ =	shalt  }
0x67: {  	_ =	shalt  }
0x68: {  	_ =	shalt  }
0x69: {  	_ =	shalt  }
0x6a: {  	_ =	shalt  }
0x6b: {  	_ =	shalt  }
0x6c: {  	_ =	shalt  }
0x6d: {  	_ =	shalt  }
0x6e: {  	_ =	shalt  }
0x6f: {  	_ =	shalt  }
0x70: {  	_ =	shalt  }
0x71: {  	_ =	shalt  }
0x72: {  	_ =	shalt  }
0x73: {  	_ =	shalt  }
0x74: {  	_ =	shalt  }
0x75: {  	_ =	shalt  }
0x76: {  	_ =	shalt  }
0x77: {  	_ =	shalt  }
0x78: {  	_ =	shalt  }
0x79: {  	_ =	shalt  }
0x7a: {  	_ =	shalt  }
0x7b: {  	_ =	shalt  }
0x7c: {  	_ =	shalt  }
0x7d: {  	_ =	shalt  }
0x7e: {  	_ =	shalt  }
0x7f: {  	_ =	shalt  }
0x80: {  	_ =	shalt  }
0x81: {  	_ =	shalt  }
0x82: {  	_ =	shalt  }
0x83: {  	_ =	shalt  }
0x84: {  	_ =	shalt  }
0x85: {  	_ =	shalt  }
0x86: {  	_ =	shalt  }
0x87: {  	_ =	shalt  }
.Lfunc_end0:
.L_simem_size_0:
called_computation_lowered:
.L_overlay_start_0:
0x88: {  	s2 =	sld [smem:$0x3FD9]  }
0x89: {  	s3 =	sld [smem:$0x3FFE];
	_ =	sdelay $0x1  }
0x8a: {  	s1 =	srdreg.scid  }
0x8b: {  	s0 =	sand.u32 $0x1, s1  }
0x8c: {  	s17 =	sshll.u32 s0, $0xA;
	s2 =	sadd.s32 s3, s2  }
0x8d: {  	s2 =	sadd.s32 s2, s17  }
0x8e: {  	[smem:$0x3FC5] =	sst s2  }
0x8f: {  	_ = 	snop  }
0x90: {  	s2 =	sld [smem:$0x3FC8]  }
0x91: {  	s18 =	sld [smem:$0x3FC7]  }
0x92: {  	s4 =	sld [smem:$0x3FD0];
	(tm) =	ssettm $0x1  }
0x93: {  	s5 =	sld [smem:$0x3FFB];
	_ =	sdelay $0x3  }
0x94: {  	_ =	strace s5  }
0x95: {  	s5 =	sld [smem:$0x3FFC];
	_ =	sdelay $0x3  }
0x96: {  	_ =	strace s5  }
0x97: {  	s5 =	sld [smem:$0x3FFD];
	_ =	sdelay $0x3  }
0x98: {  	_ =	strace s5  }
0x99: {  	_ =	strace $0x8FFFFFFF  }
0x9a: {  	s19 =	sld [smem:$0x3FDB];
	_ =	sdelay $0x1  }
0x9b: {  	s6 =	simm.s32 $_scs_section_size  }
0x9c: {  	s7 =	simm.s32 $_size__tile_overlayer_lowered;
	s8 =	simm.s32 $_tile_overlayer_lowered  }
0x9d: {  	s22 =	simm.s32 $0x1BFF;
	s21 =	sshll.u32 s8, $0x1;
	s5 =	sadd.s32 s6, s19  }
0x9e: {  	s9 =	simm.s32 $0x0;
	s20 =	sshll.u32 s7, $0x1;
	s7 =	sadd.s32 s21, s5  }
0x9f: {  	[timem:s9], [sflag:s22] =	dma.local [hbm:s7], s20  }
0xa0: {  	_ =	swait.ge [sflag:s22], s20  }
0xa1: {  	s6 =	ssub.s32 $0x0, s20;
	[sflag:s22] =	ssyncset.done $0x0  }
0xa2: {  	[sflag:s22] =	ssyncadd.s32 s6;
	_ =	sdelay $0x1  }
0xa3: {  	s23 =	simm.s32 $0x1B8B  }
0xa4: {  	_ =	swait.ge [sflag:s23], $0x1  }
0xa5: {  	[sflag:s23] =	ssyncset.done $0x0  }
0xa6: {  	s25 =	simm.s32 $0x1B8E;
	s24 =	sld [smem:$0x3FFE];
	[sflag:s23] =	ssyncadd.s32 $0xFFFFFFFF  }
0xa7: {  	s26 =	simm.s32 $execute0_lowered;
	[smem:$0x3FD2] =	sst s25  }
0xa8: {  	s7 =	sshll.u32 s26, $0x1;
	_ =	strace $0x80000046;
	[dreg:$0x1] =	wrdreg $0xFFFFFFFF  }
0xa9: {  	s28 =	simm.s32 $_size_execute0_lowered;
	s5 =	sadd.s32 s5, s7;
	[dreg:$0x0] =	wrdreg $0x0  }
0xaa: {  	s7 =	sshll.u32 s28, $0x1;
	[dreg:$0x2] =	wrdreg s5  }
0xab: {  	[dreg:$0x3] =	wrdreg s7  }
0xac: {  	[dreg:$0x4] =	wrdreg $0xC0  }
0xad: {  	_ =	task [dreg:s9], $0x5FFFF  }
0xae: {  	[dreg:$0x1] =	wrdreg $0xFFFFFFFF  }
0xaf: {  	[dreg:$0x0] =	wrdreg $0x60  }
0xb0: {  	[dreg:$0x2] =	wrdreg s24  }
0xb1: {  	[dreg:$0x3] =	wrdreg s2  }
0xb2: {  	[dreg:$0x4] =	wrdreg s18  }
0xb3: {  	[dreg:$0x5] =	wrdreg s4  }
0xb4: {  	[dreg:$0x6] =	wrdreg $0x9  }
0xb5: {  	_ =	task.clear_ibuf [dreg:s9], $0x7FFFF;
	_ =	strace $0x90000046  }
0xb6: {  	s29 =	simm.s32 $0x9;
	_ =	strace $0x80000048  }
0xb7: {  	_ =	swait.ge [sflag:s29], $0x1  }
0xb8: {  	[sflag:s29] =	ssyncadd.s32 $0xFFFFFFFF  }
0xb9: {  	_ =	strace $0x90000048  }
0xba: {  	_ =	sfence  }
0xbb: {  	s30 =	sld [smem:$0x0];
	_ =	sdelay $0x2  }
0xbc: {  	s31 =	sshll.u32 s1, $0xD;
	s1 =	sshrl.u32 s1, $0x2  }
0xbd: {  	s3 =	sand.u32 $0x4000, s31;
	s1 =	sadd.s32 s1, s30  }
0xbe: {  	s0 =	sor.u32 s3, s0;
	s1 =	sshll.u32 s1, $0x11  }
0xbf: {  	s0 =	sor.u32 s1, s0  }
0xc0: {  	s0 =	sadd.s32 $0x8F2B, s0  }
0xc1: {  	[sflag:s0] =	ssyncadd.remote.s32 $0x1  }
0xc2: {  	_ =	sfence.sel $0xFFFF  }
0xc3: {  	[dreg:$0x0] =	wrdreg $0xFFFFFFFF;
	(pc) =	sbr.abs _section_cstart, $3  }
0xc4: {  	[dreg:$0x1] =	wrdreg $0xFFFFFFFF  }
0xc5: {  	_ =	task.clear_ibuf [dreg:s9], $0x2FFFF;
	_ =	strace $0x9FFFFFFF  }
0xc6: {  	(tm) =	ssettm $0x7FFFFFFF  }
0xc7: {  	_ =	shalt  }
tec
execute0_lowered:
.L_overlay_start_1:
0x0: {  	(tag) =	ssettag $0x1  }
0x1: {  	s0 =	rddreg [dreg:$0x0]  }
0x2: {  	s1 =	rddreg [dreg:$0x1];
	s2 =	srdreg.scid  }
0x3: {  	s3 =	stileid.u32;
	s4 =	rddreg [dreg:$0x3]  }
0x4: {  	s5 =	simm.s32 $0x0;
	s12 =	simm.s32 $0x7;
	s13 =	simm.s32 $0x80  }
0x5: {  	s14 =	simm.s32 $0xC800;
	s15 =	simm.s32 $0x48;
	s16 =	simm.s32 $0x10800  }
0x6: {  	s17 =	simm.s32 $0x12C00;
	s18 =	simm.s32 $0x16C00;
	s19 =	simm.s32 $0x1  }
0x7: {  	s20 =	simm.s32 $0x19000;
	s21 =	simm.s32 $0x1D000;
	s22 =	simm.s32 $0x2  }
0x8: {  	s23 =	simm.s32 $0x4;
	s2 =	sand.u32 $0x1, s2;
	s3 =	sshll.u32 s3, $0x1  }
0x9: {  	s24 =	simm.s32 $0x3;
	s25 =	simm.s32 $0x5;
	s3 =	sor.u32 s2, s3  }
0xa: {  	s28 =	simm.s32 $0x63B8;
	s29 =	simm.s32 $0x6;
	s6 =	smul.u32 $0x6400, s3  }
0xb: {  	[smem:$0x7FF] =	sst s5;
	s2 =	ssub.s32 $0x2, s2;
	s3 =	smul.u32 $0x320000, s3  }
0xc: {  	s30 =	simm.s32 $0x0;
	_ =	strace $0x80000047;
	s31 =	sshrl.u32 s2, $0x1  }
0xd: {  	s2 =	ssub.s32 s2, s31;
	s7 =	sshrl.u32 s6, $0x3;
	s3 =	sshrl.u32 s3, $0x3  }
0xe: {  	s10 =	smax.u32 s2, $0x1;
	s0 =	sadd.s32 s7, s0;
	s3 =	sadd.s32 s4, s3  }
0xf: {  	s7 =	sadd.s32 $0x400, s0;
	s8 =	sadd.s32 $0x62700, s3;
	s9 =	sadd.s32 $0x63380, s3  }
.LBB2_1:
0x10: {  	s0 =	rddreg [dreg:$0x2];
	s2 =	simm.s32 $0x6400  }
0x11: {  	[tilespmem:s2], [sflag:$0x7] =	stream.linear.gather [hbm4b:s0+s5], $0x6400, $0x38;
	[tilespmem:$0x1F400] =	vst v63  }
0x12: {  	_ =	swait.ge [sflag:s12], $0x6400  }
0x13: {  	[sflag:s12] =	ssyncset.done $0x0  }
0x14: {  	[sflag:s12] =	ssyncadd.s32 $0xFFFF9C00  }
0x15: {  	[tilespmem:s5], [sflag:$0x7] =	stream.linear.gather [hbm4b:s7+s5], $0x6400, $0x38;
	[tilespmem:$0x1F400] =	vst v63  }
0x16: {  	_ =	swait.ge [sflag:s12], $0x6400  }
0x17: {  	[sflag:s12] =	ssyncset.done $0x0  }
0x18: {  	[sflag:s12] =	ssyncadd.s32 $0xFFFF9C00  }
0x19: {  	[tilespmem:s14], [sflag:$0x1] =	stream.indirect.gather [hbm4b:s1+s13], $0x80, s5, s13, $0xb8;
	[tilespmem:$0x1F400] =	vst v63  }
0x1a: {  	s31 =	simm.s32 $0x0  }
0x1b: {  	[tilespmem:s16], [sflag:$0x1] =	stream.indirect.gather [hbm4b:s1+s15], $0x80, s13, s15, $0xb8;
	[tilespmem:$0x1F400] =	vst v63  }
.LBB2_2:
0x1c: {  	p0 =	seq.s32 s31, $0x0  }
0x1d: {  	s0 =	simm.s32 @!p0 $0x5  }
0x1e: {  	s2 =	smul.u32 $0x258, s31;
	_ =	swait.ge @!p0 [sflag:s0], $0x6400  }
0x1f: {  	[sflag:s0] =	ssyncset.done @!p0 $0x0  }
0x20: {  	[sflag:s0] =	ssyncadd.s32 @!p0 $0xFFFF9C00;
	s0 =	sadd.s32 $0xC8, s2  }
0x21: {  	[tilespmem:s17], [sflag:$0x2] =	stream.indirect.gather [hbm4b:s1+s13], $0x80, s0, s13, $0xb8;
	[tilespmem:$0x1F400] =	vst v63  }
0x22: {  	s3 =	sadd.s32 $0x148, s2  }
0x23: {  	[tilespmem:s18], [sflag:$0x2] =	stream.indirect.gather [hbm4b:s1+s15], $0x80, s3, s15, $0xb8;
	[tilespmem:$0x1F400] =	vst v63  }
0x24: {  	_ =	swait.ge [sflag:s19], $0x4000  }
0x25: {  	[sflag:s19] =	ssyncset.done $0x0  }
0x26: {  	[sflag:s19] =	ssyncadd.s32 $0xFFFFC000  }
0x27: {  	_ =	swait.ge [sflag:s19], $0x2400  }
0x28: {  	[sflag:s19] =	ssyncset.done $0x0  }
0x29: {  	s11 =	simm.s32 $0x800;
	s3 =	simm.s32 $0x0;
	[sflag:s19] =	ssyncadd.s32 $0xFFFFDC00  }
.LBB2_3:
0x2a: {  	p1 =	sne.s32 s11, $0x18800;
	v0 =	vld [tilespmem:s3+$0x65F0]  }
0x2b: {  	v1 =	vld [tilespmem:s3+$0x6400]  }
0x2c: {  	v2 =	vld [tilespmem:s3+$0x6410]  }
0x2d: {  	v3 =	vld [tilespmem:s3+$0x6420]  }
0x2e: {  	v4 =	vld [tilespmem:s3+$0x6430]  }
0x2f: {  	[tilespmem:s3+$0xC9F0] =	vst.add.f32.msk $0xffff, v0  }
0x30: {  	v0 =	vld [tilespmem:s3+$0x6440]  }
0x31: {  	v5 =	vld [tilespmem:s3+$0x6450]  }
0x32: {  	v6 =	vld [tilespmem:s3+$0x6460]  }
0x33: {  	v7 =	vld [tilespmem:s3+$0x6470]  }
0x34: {  	v8 =	vld [tilespmem:s3+$0x6480]  }
0x35: {  	v9 =	vld [tilespmem:s3+$0x6490]  }
0x36: {  	v10 =	vld [tilespmem:s3+$0x64A0]  }
0x37: {  	v11 =	vld [tilespmem:s3+$0x64B0]  }
0x38: {  	v12 =	vld [tilespmem:s3+$0x64C0]  }
0x39: {  	v13 =	vld [tilespmem:s3+$0x64D0]  }
0x3a: {  	v14 =	vld [tilespmem:s3+$0x64E0]  }
0x3b: {  	v15 =	vld [tilespmem:s3+$0x64F0]  }
0x3c: {  	v16 =	vld [tilespmem:s3+$0x6500]  }
0x3d: {  	v17 =	vld [tilespmem:s3+$0x6510]  }
0x3e: {  	v18 =	vld [tilespmem:s3+$0x6520]  }
0x3f: {  	v19 =	vld [tilespmem:s3+$0x6530]  }
0x40: {  	v20 =	vld [tilespmem:s3+$0x6540]  }
0x41: {  	v21 =	vld [tilespmem:s3+$0x6550]  }
0x42: {  	v22 =	vld [tilespmem:s3+$0x6560]  }
0x43: {  	v23 =	vld [tilespmem:s3+$0x6570]  }
0x44: {  	v24 =	vld [tilespmem:s3+$0x6580]  }
0x45: {  	v25 =	vld [tilespmem:s3+$0x6590]  }
0x46: {  	v26 =	vld [tilespmem:s3+$0x65A0]  }
0x47: {  	v27 =	vld [tilespmem:s3+$0x65B0]  }
0x48: {  	v28 =	vld [tilespmem:s3+$0x65C0]  }
0x49: {  	v29 =	vld [tilespmem:s3+$0x65D0]  }
0x4a: {  	v30 =	vld [tilespmem:s3+$0x65E0]  }
0x4b: {  	[tilespmem:s3+$0xC800] =	vst.add.f32.msk $0xffff, v1  }
0x4c: {  	[tilespmem:s3+$0xC810] =	vst.add.f32.msk $0xffff, v2  }
0x4d: {  	[tilespmem:s3+$0xC820] =	vst.add.f32.msk $0xffff, v3  }
0x4e: {  	[tilespmem:s3+$0xC830] =	vst.add.f32.msk $0xffff, v4  }
0x4f: {  	[tilespmem:s3+$0xC840] =	vst.add.f32.msk $0xffff, v0  }
0x50: {  	[tilespmem:s3+$0xC850] =	vst.add.f32.msk $0xffff, v5  }
0x51: {  	[tilespmem:s3+$0xC860] =	vst.add.f32.msk $0xffff, v6  }
0x52: {  	[tilespmem:s3+$0xC870] =	vst.add.f32.msk $0xffff, v7  }
0x53: {  	[tilespmem:s3+$0xC880] =	vst.add.f32.msk $0xffff, v8  }
0x54: {  	[tilespmem:s3+$0xC890] =	vst.add.f32.msk $0xffff, v9  }
0x55: {  	[tilespmem:s3+$0xC8A0] =	vst.add.f32.msk $0xffff, v10  }
0x56: {  	[tilespmem:s3+$0xC8B0] =	vst.add.f32.msk $0xffff, v11  }
0x57: {  	[tilespmem:s3+$0xC8C0] =	vst.add.f32.msk $0xffff, v12  }
0x58: {  	[tilespmem:s3+$0xC8D0] =	vst.add.f32.msk $0xffff, v13  }
0x59: {  	[tilespmem:s3+$0xC8E0] =	vst.add.f32.msk $0xffff, v14  }
0x5a: {  	[tilespmem:s3+$0xC8F0] =	vst.add.f32.msk $0xffff, v15  }
0x5b: {  	[tilespmem:s3+$0xC900] =	vst.add.f32.msk $0xffff, v16  }
0x5c: {  	[tilespmem:s3+$0xC910] =	vst.add.f32.msk $0xffff, v17  }
0x5d: {  	[tilespmem:s3+$0xC920] =	vst.add.f32.msk $0xffff, v18  }
0x5e: {  	[tilespmem:s3+$0xC930] =	vst.add.f32.msk $0xffff, v19  }
0x5f: {  	[tilespmem:s3+$0xC940] =	vst.add.f32.msk $0xffff, v20  }
0x60: {  	[tilespmem:s3+$0xC950] =	vst.add.f32.msk $0xffff, v21  }
0x61: {  	[tilespmem:s3+$0xC960] =	vst.add.f32.msk $0xffff, v22  }
0x62: {  	[tilespmem:s3+$0xC970] =	vst.add.f32.msk $0xffff, v23  }
0x63: {  	[tilespmem:s3+$0xC980] =	vst.add.f32.msk $0xffff, v24  }
0x64: {  	[tilespmem:s3+$0xC990] =	vst.add.f32.msk $0xffff, v25  }
.Ltmp0:
0x65: {  	[tilespmem:s3+$0xC9A0] =	vst.add.f32.msk $0xffff, v26;
	(pc) =	sbr.rel @p1 .LBB2_3-.Ltmp0, $4  }
0x66: {  	[tilespmem:s3+$0xC9B0] =	vst.add.f32.msk $0xffff, v27  }
0x67: {  	[tilespmem:s3+$0xC9C0] =	vst.add.f32.msk $0xffff, v28  }
0x68: {  	[tilespmem:s3+$0xC9D0] =	vst.add.f32.msk $0xffff, v29  }
0x69: {  	[tilespmem:s3+$0xC9E0] =	vst.add.f32.msk $0xffff, v30;
	s3 =	sshra.s32 s11, $0x2;
	s11 =	sadd.s32 $0x800, s11  }
0x6a: {  	v0 =	vld [tilespmem:s3+$0x65F0]  }
0x6b: {  	v1 =	vld [tilespmem:s3+$0x6400]  }
0x6c: {  	v2 =	vld [tilespmem:s3+$0x6410]  }
0x6d: {  	v3 =	vld [tilespmem:s3+$0x6420]  }
0x6e: {  	v4 =	vld [tilespmem:s3+$0x6430]  }
0x6f: {  	v63 =	vld [tilespmem:s3+$0x6440]  }
0x70: {  	v5 =	vld [tilespmem:s3+$0x6450]  }
0x71: {  	v6 =	vld [tilespmem:s3+$0x6460]  }
0x72: {  	v7 =	vld [tilespmem:s3+$0x6470]  }
0x73: {  	v8 =	vld [tilespmem:s3+$0x6480]  }
0x74: {  	v9 =	vld [tilespmem:s3+$0x6490]  }
0x75: {  	v10 =	vld [tilespmem:s3+$0x64A0]  }
0x76: {  	v11 =	vld [tilespmem:s3+$0x64B0]  }
0x77: {  	v12 =	vld [tilespmem:s3+$0x64C0]  }
0x78: {  	v13 =	vld [tilespmem:s3+$0x64D0]  }
0x79: {  	v14 =	vld [tilespmem:s3+$0x64E0]  }
0x7a: {  	v15 =	vld [tilespmem:s3+$0x64F0]  }
0x7b: {  	v16 =	vld [tilespmem:s3+$0x6500]  }
0x7c: {  	v17 =	vld [tilespmem:s3+$0x6510]  }
0x7d: {  	v18 =	vld [tilespmem:s3+$0x6520]  }
0x7e: {  	v19 =	vld [tilespmem:s3+$0x6530]  }
0x7f: {  	v20 =	vld [tilespmem:s3+$0x6540]  }
0x80: {  	v21 =	vld [tilespmem:s3+$0x6550]  }
0x81: {  	v22 =	vld [tilespmem:s3+$0x6560]  }
0x82: {  	v23 =	vld [tilespmem:s3+$0x6570]  }
0x83: {  	v24 =	vld [tilespmem:s3+$0x6580]  }
0x84: {  	v25 =	vld [tilespmem:s3+$0x6590]  }
0x85: {  	v26 =	vld [tilespmem:s3+$0x65A0]  }
0x86: {  	v27 =	vld [tilespmem:s3+$0x65B0]  }
0x87: {  	v28 =	vld [tilespmem:s3+$0x65C0]  }
0x88: {  	v29 =	vld [tilespmem:s3+$0x65D0]  }
0x89: {  	v30 =	vld [tilespmem:s3+$0x65E0]  }
0x8a: {  	[tilespmem:s3+$0xC9F0] =	vst.add.f32.msk $0xffff, v0  }
0x8b: {  	[tilespmem:s3+$0xC800] =	vst.add.f32.msk $0xffff, v1  }
0x8c: {  	[tilespmem:s3+$0xC810] =	vst.add.f32.msk $0xffff, v2  }
0x8d: {  	[tilespmem:s3+$0xC820] =	vst.add.f32.msk $0xffff, v3  }
0x8e: {  	[tilespmem:s3+$0xC830] =	vst.add.f32.msk $0xffff, v4  }
0x8f: {  	[tilespmem:s3+$0xC840] =	vst.add.f32.msk $0xffff, v63  }
0x90: {  	[tilespmem:s3+$0xC850] =	vst.add.f32.msk $0xffff, v5  }
0x91: {  	[tilespmem:s3+$0xC860] =	vst.add.f32.msk $0xffff, v6  }
0x92: {  	[tilespmem:s3+$0xC870] =	vst.add.f32.msk $0xffff, v7  }
0x93: {  	[tilespmem:s3+$0xC880] =	vst.add.f32.msk $0xffff, v8  }
0x94: {  	[tilespmem:s3+$0xC890] =	vst.add.f32.msk $0xffff, v9  }
0x95: {  	[tilespmem:s3+$0xC8A0] =	vst.add.f32.msk $0xffff, v10  }
0x96: {  	[tilespmem:s3+$0xC8B0] =	vst.add.f32.msk $0xffff, v11  }
0x97: {  	[tilespmem:s3+$0xC8C0] =	vst.add.f32.msk $0xffff, v12  }
0x98: {  	[tilespmem:s3+$0xC8D0] =	vst.add.f32.msk $0xffff, v13  }
0x99: {  	[tilespmem:s3+$0xC8E0] =	vst.add.f32.msk $0xffff, v14  }
0x9a: {  	[tilespmem:s3+$0xC8F0] =	vst.add.f32.msk $0xffff, v15  }
0x9b: {  	[tilespmem:s3+$0xC900] =	vst.add.f32.msk $0xffff, v16  }
0x9c: {  	[tilespmem:s3+$0xC910] =	vst.add.f32.msk $0xffff, v17  }
0x9d: {  	[tilespmem:s3+$0xC920] =	vst.add.f32.msk $0xffff, v18  }
0x9e: {  	[tilespmem:s3+$0xC930] =	vst.add.f32.msk $0xffff, v19  }
0x9f: {  	[tilespmem:s3+$0xC940] =	vst.add.f32.msk $0xffff, v20  }
0xa0: {  	[tilespmem:s3+$0xC950] =	vst.add.f32.msk $0xffff, v21  }
0xa1: {  	[tilespmem:s3+$0xC960] =	vst.add.f32.msk $0xffff, v22  }
0xa2: {  	[tilespmem:s3+$0xC970] =	vst.add.f32.msk $0xffff, v23  }
0xa3: {  	[tilespmem:s3+$0xC980] =	vst.add.f32.msk $0xffff, v24  }
0xa4: {  	[tilespmem:s3+$0xC990] =	vst.add.f32.msk $0xffff, v25  }
0xa5: {  	[tilespmem:s3+$0xC9A0] =	vst.add.f32.msk $0xffff, v26  }
0xa6: {  	[tilespmem:s3+$0xC9B0] =	vst.add.f32.msk $0xffff, v27  }
0xa7: {  	s11 =	sadd.s32 s6, s2;
	[tilespmem:s3+$0xC9C0] =	vst.add.f32.msk $0xffff, v28  }
0xa8: {  	s11 =	sshll.u32 s11, $0x4;
	[tilespmem:s3+$0xC9D0] =	vst.add.f32.msk $0xffff, v29  }
0xa9: {  	s11 =	sadd.s32 s4, s11;
	[tilespmem:s3+$0xC9E0] =	vst.add.f32.msk $0xffff, v30;
	s3 =	simm.s32 @!p0 $0x6  }
0xaa: {  	[hbm4b:s11+s5] =	stream.linear.scatter [tilespmem:s14], [sflag:$0x4], $0x6400, $0x38;
	[tilespmem:$0x1F400] =	vst v63  }
0xab: {  	_ =	swait.ge @!p0 [sflag:s3], $0x6400  }
0xac: {  	[sflag:s3] =	ssyncset.done @!p0 $0x0  }
0xad: {  	[sflag:s3] =	ssyncadd.s32 @!p0 $0xFFFF9C00;
	s3 =	sadd.s32 $0x190, s2  }
0xae: {  	[tilespmem:s20], [sflag:$0x3] =	stream.indirect.gather [hbm4b:s1+s13], $0x80, s3, s13, $0xb8;
	[tilespmem:$0x1F400] =	vst v63  }
0xaf: {  	s26 =	sadd.s32 $0x210, s2  }
0xb0: {  	[tilespmem:s21], [sflag:$0x3] =	stream.indirect.gather [hbm4b:s1+s15], $0x80, s26, s15, $0xb8;
	[tilespmem:$0x1F400] =	vst v63  }
0xb1: {  	_ =	swait.ge [sflag:s22], $0x4000  }
0xb2: {  	[sflag:s22] =	ssyncset.done $0x0  }
0xb3: {  	[sflag:s22] =	ssyncadd.s32 $0xFFFFC000  }
0xb4: {  	_ =	swait.ge [sflag:s22], $0x2400  }
0xb5: {  	[sflag:s22] =	ssyncset.done $0x0  }
0xb6: {  	s11 =	simm.s32 $0x0;
	s26 =	simm.s32 $0x800;
	[sflag:s22] =	ssyncadd.s32 $0xFFFFDC00  }
.LBB2_5:
0xb7: {  	p0 =	sne.s32 s26, $0x18800;
	v0 =	vld [tilespmem:s11+$0x65F0]  }
0xb8: {  	v1 =	vld [tilespmem:s11+$0x6400]  }
0xb9: {  	v2 =	vld [tilespmem:s11+$0x6410]  }
0xba: {  	v3 =	vld [tilespmem:s11+$0x6420]  }
0xbb: {  	v4 =	vld [tilespmem:s11+$0x6430]  }
0xbc: {  	[tilespmem:s11+$0x12DF0] =	vst.add.f32.msk $0xffff, v0  }
0xbd: {  	v0 =	vld [tilespmem:s11+$0x6440]  }
0xbe: {  	v5 =	vld [tilespmem:s11+$0x6450]  }
0xbf: {  	v6 =	vld [tilespmem:s11+$0x6460]  }
0xc0: {  	v7 =	vld [tilespmem:s11+$0x6470]  }
0xc1: {  	v8 =	vld [tilespmem:s11+$0x6480]  }
0xc2: {  	v9 =	vld [tilespmem:s11+$0x6490]  }
0xc3: {  	v10 =	vld [tilespmem:s11+$0x64A0]  }
0xc4: {  	v11 =	vld [tilespmem:s11+$0x64B0]  }
0xc5: {  	v12 =	vld [tilespmem:s11+$0x64C0]  }
0xc6: {  	v13 =	vld [tilespmem:s11+$0x64D0]  }
0xc7: {  	v14 =	vld [tilespmem:s11+$0x64E0]  }
0xc8: {  	v15 =	vld [tilespmem:s11+$0x64F0]  }
0xc9: {  	v16 =	vld [tilespmem:s11+$0x6500]  }
0xca: {  	v17 =	vld [tilespmem:s11+$0x6510]  }
0xcb: {  	v18 =	vld [tilespmem:s11+$0x6520]  }
0xcc: {  	v19 =	vld [tilespmem:s11+$0x6530]  }
0xcd: {  	v20 =	vld [tilespmem:s11+$0x6540]  }
0xce: {  	v21 =	vld [tilespmem:s11+$0x6550]  }
0xcf: {  	v22 =	vld [tilespmem:s11+$0x6560]  }
0xd0: {  	v23 =	vld [tilespmem:s11+$0x6570]  }
0xd1: {  	v24 =	vld [tilespmem:s11+$0x6580]  }
0xd2: {  	v25 =	vld [tilespmem:s11+$0x6590]  }
0xd3: {  	v26 =	vld [tilespmem:s11+$0x65A0]  }
0xd4: {  	v27 =	vld [tilespmem:s11+$0x65B0]  }
0xd5: {  	v28 =	vld [tilespmem:s11+$0x65C0]  }
0xd6: {  	v29 =	vld [tilespmem:s11+$0x65D0]  }
0xd7: {  	v30 =	vld [tilespmem:s11+$0x65E0]  }
0xd8: {  	[tilespmem:s11+$0x12C00] =	vst.add.f32.msk $0xffff, v1  }
0xd9: {  	[tilespmem:s11+$0x12C10] =	vst.add.f32.msk $0xffff, v2  }
0xda: {  	[tilespmem:s11+$0x12C20] =	vst.add.f32.msk $0xffff, v3  }
0xdb: {  	[tilespmem:s11+$0x12C30] =	vst.add.f32.msk $0xffff, v4  }
0xdc: {  	[tilespmem:s11+$0x12C40] =	vst.add.f32.msk $0xffff, v0  }
0xdd: {  	[tilespmem:s11+$0x12C50] =	vst.add.f32.msk $0xffff, v5  }
0xde: {  	[tilespmem:s11+$0x12C60] =	vst.add.f32.msk $0xffff, v6  }
0xdf: {  	[tilespmem:s11+$0x12C70] =	vst.add.f32.msk $0xffff, v7  }
0xe0: {  	[tilespmem:s11+$0x12C80] =	vst.add.f32.msk $0xffff, v8  }
0xe1: {  	[tilespmem:s11+$0x12C90] =	vst.add.f32.msk $0xffff, v9  }
0xe2: {  	[tilespmem:s11+$0x12CA0] =	vst.add.f32.msk $0xffff, v10  }
0xe3: {  	[tilespmem:s11+$0x12CB0] =	vst.add.f32.msk $0xffff, v11  }
0xe4: {  	[tilespmem:s11+$0x12CC0] =	vst.add.f32.msk $0xffff, v12  }
0xe5: {  	[tilespmem:s11+$0x12CD0] =	vst.add.f32.msk $0xffff, v13  }
0xe6: {  	[tilespmem:s11+$0x12CE0] =	vst.add.f32.msk $0xffff, v14  }
0xe7: {  	[tilespmem:s11+$0x12CF0] =	vst.add.f32.msk $0xffff, v15  }
0xe8: {  	[tilespmem:s11+$0x12D00] =	vst.add.f32.msk $0xffff, v16  }
0xe9: {  	[tilespmem:s11+$0x12D10] =	vst.add.f32.msk $0xffff, v17  }
0xea: {  	[tilespmem:s11+$0x12D20] =	vst.add.f32.msk $0xffff, v18  }
0xeb: {  	[tilespmem:s11+$0x12D30] =	vst.add.f32.msk $0xffff, v19  }
0xec: {  	[tilespmem:s11+$0x12D40] =	vst.add.f32.msk $0xffff, v20  }
0xed: {  	[tilespmem:s11+$0x12D50] =	vst.add.f32.msk $0xffff, v21  }
0xee: {  	[tilespmem:s11+$0x12D60] =	vst.add.f32.msk $0xffff, v22  }
0xef: {  	[tilespmem:s11+$0x12D70] =	vst.add.f32.msk $0xffff, v23  }
0xf0: {  	[tilespmem:s11+$0x12D80] =	vst.add.f32.msk $0xffff, v24  }
0xf1: {  	[tilespmem:s11+$0x12D90] =	vst.add.f32.msk $0xffff, v25  }
.Ltmp1:
0xf2: {  	[tilespmem:s11+$0x12DA0] =	vst.add.f32.msk $0xffff, v26;
	(pc) =	sbr.rel @p0 .LBB2_5-.Ltmp1, $4  }
0xf3: {  	[tilespmem:s11+$0x12DB0] =	vst.add.f32.msk $0xffff, v27  }
0xf4: {  	[tilespmem:s11+$0x12DC0] =	vst.add.f32.msk $0xffff, v28  }
0xf5: {  	[tilespmem:s11+$0x12DD0] =	vst.add.f32.msk $0xffff, v29  }
0xf6: {  	[tilespmem:s11+$0x12DE0] =	vst.add.f32.msk $0xffff, v30;
	s11 =	sshra.s32 s26, $0x2;
	s26 =	sadd.s32 $0x800, s26  }
0xf7: {  	v0 =	vld [tilespmem:s11+$0x65F0]  }
0xf8: {  	v1 =	vld [tilespmem:s11+$0x6400]  }
0xf9: {  	v2 =	vld [tilespmem:s11+$0x6410]  }
0xfa: {  	v3 =	vld [tilespmem:s11+$0x6420]  }
0xfb: {  	v4 =	vld [tilespmem:s11+$0x6430]  }
0xfc: {  	v63 =	vld [tilespmem:s11+$0x6440]  }
0xfd: {  	v5 =	vld [tilespmem:s11+$0x6450]  }
0xfe: {  	v6 =	vld [tilespmem:s11+$0x6460]  }
0xff: {  	v7 =	vld [tilespmem:s11+$0x6470]  }
0x100: {  	v8 =	vld [tilespmem:s11+$0x6480]  }
0x101: {  	v9 =	vld [tilespmem:s11+$0x6490]  }
0x102: {  	v10 =	vld [tilespmem:s11+$0x64A0]  }
0x103: {  	v11 =	vld [tilespmem:s11+$0x64B0]  }
0x104: {  	v12 =	vld [tilespmem:s11+$0x64C0]  }
0x105: {  	v13 =	vld [tilespmem:s11+$0x64D0]  }
0x106: {  	v14 =	vld [tilespmem:s11+$0x64E0]  }
0x107: {  	v15 =	vld [tilespmem:s11+$0x64F0]  }
0x108: {  	v16 =	vld [tilespmem:s11+$0x6500]  }
0x109: {  	v17 =	vld [tilespmem:s11+$0x6510]  }
0x10a: {  	v18 =	vld [tilespmem:s11+$0x6520]  }
0x10b: {  	v19 =	vld [tilespmem:s11+$0x6530]  }
0x10c: {  	v20 =	vld [tilespmem:s11+$0x6540]  }
0x10d: {  	v21 =	vld [tilespmem:s11+$0x6550]  }
0x10e: {  	v22 =	vld [tilespmem:s11+$0x6560]  }
0x10f: {  	v23 =	vld [tilespmem:s11+$0x6570]  }
0x110: {  	v24 =	vld [tilespmem:s11+$0x6580]  }
0x111: {  	v25 =	vld [tilespmem:s11+$0x6590]  }
0x112: {  	v26 =	vld [tilespmem:s11+$0x65A0]  }
0x113: {  	v27 =	vld [tilespmem:s11+$0x65B0]  }
0x114: {  	v28 =	vld [tilespmem:s11+$0x65C0]  }
0x115: {  	v29 =	vld [tilespmem:s11+$0x65D0]  }
0x116: {  	v30 =	vld [tilespmem:s11+$0x65E0]  }
0x117: {  	[tilespmem:s11+$0x12DF0] =	vst.add.f32.msk $0xffff, v0  }
0x118: {  	[tilespmem:s11+$0x12C00] =	vst.add.f32.msk $0xffff, v1  }
0x119: {  	[tilespmem:s11+$0x12C10] =	vst.add.f32.msk $0xffff, v2  }
0x11a: {  	[tilespmem:s11+$0x12C20] =	vst.add.f32.msk $0xffff, v3  }
0x11b: {  	[tilespmem:s11+$0x12C30] =	vst.add.f32.msk $0xffff, v4  }
0x11c: {  	[tilespmem:s11+$0x12C40] =	vst.add.f32.msk $0xffff, v63  }
0x11d: {  	[tilespmem:s11+$0x12C50] =	vst.add.f32.msk $0xffff, v5  }
0x11e: {  	[tilespmem:s11+$0x12C60] =	vst.add.f32.msk $0xffff, v6  }
0x11f: {  	[tilespmem:s11+$0x12C70] =	vst.add.f32.msk $0xffff, v7  }
0x120: {  	[tilespmem:s11+$0x12C80] =	vst.add.f32.msk $0xffff, v8  }
0x121: {  	[tilespmem:s11+$0x12C90] =	vst.add.f32.msk $0xffff, v9  }
0x122: {  	[tilespmem:s11+$0x12CA0] =	vst.add.f32.msk $0xffff, v10  }
0x123: {  	[tilespmem:s11+$0x12CB0] =	vst.add.f32.msk $0xffff, v11  }
0x124: {  	[tilespmem:s11+$0x12CC0] =	vst.add.f32.msk $0xffff, v12  }
0x125: {  	[tilespmem:s11+$0x12CD0] =	vst.add.f32.msk $0xffff, v13  }
0x126: {  	[tilespmem:s11+$0x12CE0] =	vst.add.f32.msk $0xffff, v14  }
0x127: {  	[tilespmem:s11+$0x12CF0] =	vst.add.f32.msk $0xffff, v15  }
0x128: {  	[tilespmem:s11+$0x12D00] =	vst.add.f32.msk $0xffff, v16  }
0x129: {  	[tilespmem:s11+$0x12D10] =	vst.add.f32.msk $0xffff, v17  }
0x12a: {  	[tilespmem:s11+$0x12D20] =	vst.add.f32.msk $0xffff, v18  }
0x12b: {  	[tilespmem:s11+$0x12D30] =	vst.add.f32.msk $0xffff, v19  }
0x12c: {  	[tilespmem:s11+$0x12D40] =	vst.add.f32.msk $0xffff, v20  }
0x12d: {  	[tilespmem:s11+$0x12D50] =	vst.add.f32.msk $0xffff, v21  }
0x12e: {  	[tilespmem:s11+$0x12D60] =	vst.add.f32.msk $0xffff, v22  }
0x12f: {  	[tilespmem:s11+$0x12D70] =	vst.add.f32.msk $0xffff, v23  }
0x130: {  	[tilespmem:s11+$0x12D80] =	vst.add.f32.msk $0xffff, v24  }
0x131: {  	[tilespmem:s11+$0x12D90] =	vst.add.f32.msk $0xffff, v25  }
0x132: {  	[tilespmem:s11+$0x12DA0] =	vst.add.f32.msk $0xffff, v26  }
0x133: {  	[tilespmem:s11+$0x12DB0] =	vst.add.f32.msk $0xffff, v27  }
0x134: {  	s0 =	sadd.s32 s6, s0;
	[tilespmem:s11+$0x12DC0] =	vst.add.f32.msk $0xffff, v28  }
0x135: {  	s0 =	sshll.u32 s0, $0x4;
	[tilespmem:s11+$0x12DD0] =	vst.add.f32.msk $0xffff, v29  }
0x136: {  	s26 =	simm.s32 $0x0;
	s0 =	sadd.s32 s4, s0;
	[tilespmem:s11+$0x12DE0] =	vst.add.f32.msk $0xffff, v30  }
0x137: {  	[hbm4b:s0+s26] =	stream.linear.scatter [tilespmem:s17], [sflag:$0x5], $0x6400, $0x38;
	[tilespmem:$0x1F400] =	vst v63  }
0x138: {  	_ =	swait.ge [sflag:s23], $0x6400  }
0x139: {  	[sflag:s23] =	ssyncset.done $0x0  }
0x13a: {  	s11 =	sadd.s32 $0x258, s2;
	[sflag:s23] =	ssyncadd.s32 $0xFFFF9C00  }
0x13b: {  	[tilespmem:s14], [sflag:$0x1] =	stream.indirect.gather [hbm4b:s1+s13], $0x80, s11, s13, $0xb8;
	[tilespmem:$0x1F400] =	vst v63  }
0x13c: {  	s26 =	sadd.s32 $0x2D8, s2  }
0x13d: {  	[tilespmem:s16], [sflag:$0x1] =	stream.indirect.gather [hbm4b:s1+s15], $0x80, s26, s15, $0xb8;
	[tilespmem:$0x1F400] =	vst v63  }
0x13e: {  	_ =	swait.ge [sflag:s24], $0x4000  }
0x13f: {  	[sflag:s24] =	ssyncset.done $0x0  }
0x140: {  	[sflag:s24] =	ssyncadd.s32 $0xFFFFC000  }
0x141: {  	_ =	swait.ge [sflag:s24], $0x2400  }
0x142: {  	[sflag:s24] =	ssyncset.done $0x0  }
0x143: {  	s0 =	simm.s32 $0x0;
	s2 =	simm.s32 $0x800;
	[sflag:s24] =	ssyncadd.s32 $0xFFFFDC00  }
.LBB2_7:
0x144: {  	p0 =	sne.s32 s2, $0x18800;
	v0 =	vld [tilespmem:s0+$0x65F0]  }
0x145: {  	v1 =	vld [tilespmem:s0+$0x6400]  }
0x146: {  	v2 =	vld [tilespmem:s0+$0x6410]  }
0x147: {  	v3 =	vld [tilespmem:s0+$0x6420]  }
0x148: {  	v4 =	vld [tilespmem:s0+$0x6430]  }
0x149: {  	[tilespmem:s0+$0x191F0] =	vst.add.f32.msk $0xffff, v0  }
0x14a: {  	v0 =	vld [tilespmem:s0+$0x6440]  }
0x14b: {  	v5 =	vld [tilespmem:s0+$0x6450]  }
0x14c: {  	v6 =	vld [tilespmem:s0+$0x6460]  }
0x14d: {  	v7 =	vld [tilespmem:s0+$0x6470]  }
0x14e: {  	v8 =	vld [tilespmem:s0+$0x6480]  }
0x14f: {  	v9 =	vld [tilespmem:s0+$0x6490]  }
0x150: {  	v10 =	vld [tilespmem:s0+$0x64A0]  }
0x151: {  	v11 =	vld [tilespmem:s0+$0x64B0]  }
0x152: {  	v12 =	vld [tilespmem:s0+$0x64C0]  }
0x153: {  	v13 =	vld [tilespmem:s0+$0x64D0]  }
0x154: {  	v14 =	vld [tilespmem:s0+$0x64E0]  }
0x155: {  	v15 =	vld [tilespmem:s0+$0x64F0]  }
0x156: {  	v16 =	vld [tilespmem:s0+$0x6500]  }
0x157: {  	v17 =	vld [tilespmem:s0+$0x6510]  }
0x158: {  	v18 =	vld [tilespmem:s0+$0x6520]  }
0x159: {  	v19 =	vld [tilespmem:s0+$0x6530]  }
0x15a: {  	v20 =	vld [tilespmem:s0+$0x6540]  }
0x15b: {  	v21 =	vld [tilespmem:s0+$0x6550]  }
0x15c: {  	v22 =	vld [tilespmem:s0+$0x6560]  }
0x15d: {  	v23 =	vld [tilespmem:s0+$0x6570]  }
0x15e: {  	v24 =	vld [tilespmem:s0+$0x6580]  }
0x15f: {  	v25 =	vld [tilespmem:s0+$0x6590]  }
0x160: {  	v26 =	vld [tilespmem:s0+$0x65A0]  }
0x161: {  	v27 =	vld [tilespmem:s0+$0x65B0]  }
0x162: {  	v28 =	vld [tilespmem:s0+$0x65C0]  }
0x163: {  	v29 =	vld [tilespmem:s0+$0x65D0]  }
0x164: {  	v30 =	vld [tilespmem:s0+$0x65E0]  }
0x165: {  	[tilespmem:s0+$0x19000] =	vst.add.f32.msk $0xffff, v1  }
0x166: {  	[tilespmem:s0+$0x19010] =	vst.add.f32.msk $0xffff, v2  }
0x167: {  	[tilespmem:s0+$0x19020] =	vst.add.f32.msk $0xffff, v3  }
0x168: {  	[tilespmem:s0+$0x19030] =	vst.add.f32.msk $0xffff, v4  }
0x169: {  	[tilespmem:s0+$0x19040] =	vst.add.f32.msk $0xffff, v0  }
0x16a: {  	[tilespmem:s0+$0x19050] =	vst.add.f32.msk $0xffff, v5  }
0x16b: {  	[tilespmem:s0+$0x19060] =	vst.add.f32.msk $0xffff, v6  }
0x16c: {  	[tilespmem:s0+$0x19070] =	vst.add.f32.msk $0xffff, v7  }
0x16d: {  	[tilespmem:s0+$0x19080] =	vst.add.f32.msk $0xffff, v8  }
0x16e: {  	[tilespmem:s0+$0x19090] =	vst.add.f32.msk $0xffff, v9  }
0x16f: {  	[tilespmem:s0+$0x190A0] =	vst.add.f32.msk $0xffff, v10  }
0x170: {  	[tilespmem:s0+$0x190B0] =	vst.add.f32.msk $0xffff, v11  }
0x171: {  	[tilespmem:s0+$0x190C0] =	vst.add.f32.msk $0xffff, v12  }
0x172: {  	[tilespmem:s0+$0x190D0] =	vst.add.f32.msk $0xffff, v13  }
0x173: {  	[tilespmem:s0+$0x190E0] =	vst.add.f32.msk $0xffff, v14  }
0x174: {  	[tilespmem:s0+$0x190F0] =	vst.add.f32.msk $0xffff, v15  }
0x175: {  	[tilespmem:s0+$0x19100] =	vst.add.f32.msk $0xffff, v16  }
0x176: {  	[tilespmem:s0+$0x19110] =	vst.add.f32.msk $0xffff, v17  }
0x177: {  	[tilespmem:s0+$0x19120] =	vst.add.f32.msk $0xffff, v18  }
0x178: {  	[tilespmem:s0+$0x19130] =	vst.add.f32.msk $0xffff, v19  }
0x179: {  	[tilespmem:s0+$0x19140] =	vst.add.f32.msk $0xffff, v20  }
0x17a: {  	[tilespmem:s0+$0x19150] =	vst.add.f32.msk $0xffff, v21  }
0x17b: {  	[tilespmem:s0+$0x19160] =	vst.add.f32.msk $0xffff, v22  }
0x17c: {  	[tilespmem:s0+$0x19170] =	vst.add.f32.msk $0xffff, v23  }
0x17d: {  	[tilespmem:s0+$0x19180] =	vst.add.f32.msk $0xffff, v24  }
0x17e: {  	[tilespmem:s0+$0x19190] =	vst.add.f32.msk $0xffff, v25  }
.Ltmp2:
0x17f: {  	[tilespmem:s0+$0x191A0] =	vst.add.f32.msk $0xffff, v26;
	(pc) =	sbr.rel @p0 .LBB2_7-.Ltmp2, $4  }
0x180: {  	[tilespmem:s0+$0x191B0] =	vst.add.f32.msk $0xffff, v27  }
0x181: {  	[tilespmem:s0+$0x191C0] =	vst.add.f32.msk $0xffff, v28  }
0x182: {  	[tilespmem:s0+$0x191D0] =	vst.add.f32.msk $0xffff, v29  }
0x183: {  	[tilespmem:s0+$0x191E0] =	vst.add.f32.msk $0xffff, v30;
	s0 =	sshra.s32 s2, $0x2;
	s2 =	sadd.s32 $0x800, s2  }
0x184: {  	v0 =	vld [tilespmem:s0+$0x65F0]  }
0x185: {  	v1 =	vld [tilespmem:s0+$0x6400]  }
0x186: {  	v2 =	vld [tilespmem:s0+$0x6410]  }
0x187: {  	v3 =	vld [tilespmem:s0+$0x6420]  }
0x188: {  	v4 =	vld [tilespmem:s0+$0x6430]  }
0x189: {  	v63 =	vld [tilespmem:s0+$0x6440]  }
0x18a: {  	v5 =	vld [tilespmem:s0+$0x6450]  }
0x18b: {  	v6 =	vld [tilespmem:s0+$0x6460]  }
0x18c: {  	v7 =	vld [tilespmem:s0+$0x6470]  }
0x18d: {  	v8 =	vld [tilespmem:s0+$0x6480]  }
0x18e: {  	v9 =	vld [tilespmem:s0+$0x6490]  }
0x18f: {  	v10 =	vld [tilespmem:s0+$0x64A0]  }
0x190: {  	v11 =	vld [tilespmem:s0+$0x64B0]  }
0x191: {  	v12 =	vld [tilespmem:s0+$0x64C0]  }
0x192: {  	v13 =	vld [tilespmem:s0+$0x64D0]  }
0x193: {  	v14 =	vld [tilespmem:s0+$0x64E0]  }
0x194: {  	v15 =	vld [tilespmem:s0+$0x64F0]  }
0x195: {  	v16 =	vld [tilespmem:s0+$0x6500]  }
0x196: {  	v17 =	vld [tilespmem:s0+$0x6510]  }
0x197: {  	v18 =	vld [tilespmem:s0+$0x6520]  }
0x198: {  	v19 =	vld [tilespmem:s0+$0x6530]  }
0x199: {  	v20 =	vld [tilespmem:s0+$0x6540]  }
0x19a: {  	v21 =	vld [tilespmem:s0+$0x6550]  }
0x19b: {  	v22 =	vld [tilespmem:s0+$0x6560]  }
0x19c: {  	v23 =	vld [tilespmem:s0+$0x6570]  }
0x19d: {  	v24 =	vld [tilespmem:s0+$0x6580]  }
0x19e: {  	v25 =	vld [tilespmem:s0+$0x6590]  }
0x19f: {  	v26 =	vld [tilespmem:s0+$0x65A0]  }
0x1a0: {  	v27 =	vld [tilespmem:s0+$0x65B0]  }
0x1a1: {  	v28 =	vld [tilespmem:s0+$0x65C0]  }
0x1a2: {  	v29 =	vld [tilespmem:s0+$0x65D0]  }
0x1a3: {  	v30 =	vld [tilespmem:s0+$0x65E0]  }
0x1a4: {  	[tilespmem:s0+$0x191F0] =	vst.add.f32.msk $0xffff, v0  }
0x1a5: {  	[tilespmem:s0+$0x19000] =	vst.add.f32.msk $0xffff, v1  }
0x1a6: {  	[tilespmem:s0+$0x19010] =	vst.add.f32.msk $0xffff, v2  }
0x1a7: {  	[tilespmem:s0+$0x19020] =	vst.add.f32.msk $0xffff, v3  }
0x1a8: {  	[tilespmem:s0+$0x19030] =	vst.add.f32.msk $0xffff, v4  }
0x1a9: {  	[tilespmem:s0+$0x19040] =	vst.add.f32.msk $0xffff, v63  }
0x1aa: {  	[tilespmem:s0+$0x19050] =	vst.add.f32.msk $0xffff, v5  }
0x1ab: {  	[tilespmem:s0+$0x19060] =	vst.add.f32.msk $0xffff, v6  }
0x1ac: {  	[tilespmem:s0+$0x19070] =	vst.add.f32.msk $0xffff, v7  }
0x1ad: {  	[tilespmem:s0+$0x19080] =	vst.add.f32.msk $0xffff, v8  }
0x1ae: {  	[tilespmem:s0+$0x19090] =	vst.add.f32.msk $0xffff, v9  }
0x1af: {  	[tilespmem:s0+$0x190A0] =	vst.add.f32.msk $0xffff, v10  }
0x1b0: {  	[tilespmem:s0+$0x190B0] =	vst.add.f32.msk $0xffff, v11  }
0x1b1: {  	[tilespmem:s0+$0x190C0] =	vst.add.f32.msk $0xffff, v12  }
0x1b2: {  	[tilespmem:s0+$0x190D0] =	vst.add.f32.msk $0xffff, v13  }
0x1b3: {  	[tilespmem:s0+$0x190E0] =	vst.add.f32.msk $0xffff, v14  }
0x1b4: {  	[tilespmem:s0+$0x190F0] =	vst.add.f32.msk $0xffff, v15  }
0x1b5: {  	[tilespmem:s0+$0x19100] =	vst.add.f32.msk $0xffff, v16  }
0x1b6: {  	[tilespmem:s0+$0x19110] =	vst.add.f32.msk $0xffff, v17  }
0x1b7: {  	[tilespmem:s0+$0x19120] =	vst.add.f32.msk $0xffff, v18  }
0x1b8: {  	[tilespmem:s0+$0x19130] =	vst.add.f32.msk $0xffff, v19  }
0x1b9: {  	[tilespmem:s0+$0x19140] =	vst.add.f32.msk $0xffff, v20  }
0x1ba: {  	[tilespmem:s0+$0x19150] =	vst.add.f32.msk $0xffff, v21  }
0x1bb: {  	[tilespmem:s0+$0x19160] =	vst.add.f32.msk $0xffff, v22  }
0x1bc: {  	[tilespmem:s0+$0x19170] =	vst.add.f32.msk $0xffff, v23  }
0x1bd: {  	[tilespmem:s0+$0x19180] =	vst.add.f32.msk $0xffff, v24  }
0x1be: {  	s31 =	sadd.s32 $0x1, s31;
	[tilespmem:s0+$0x19190] =	vst.add.f32.msk $0xffff, v25  }
0x1bf: {  	p0 =	sne.s32 s31, $0x2A;
	[tilespmem:s0+$0x191A0] =	vst.add.f32.msk $0xffff, v26  }
.Ltmp3:
0x1c0: {  	[tilespmem:s0+$0x191B0] =	vst.add.f32.msk $0xffff, v27;
	(pc) =	sbr.rel @p0 .LBB2_2-.Ltmp3, $4  }
0x1c1: {  	s2 =	sadd.s32 s6, s3;
	[tilespmem:s0+$0x191C0] =	vst.add.f32.msk $0xffff, v28  }
0x1c2: {  	s2 =	sshll.u32 s2, $0x4;
	[tilespmem:s0+$0x191D0] =	vst.add.f32.msk $0xffff, v29  }
0x1c3: {  	s26 =	sadd.s32 s4, s2;
	[tilespmem:s0+$0x191E0] =	vst.add.f32.msk $0xffff, v30  }
0x1c4: {  	[hbm4b:s26+s5] =	stream.linear.scatter [tilespmem:s20], [sflag:$0x6], $0x6400, $0x38;
	[tilespmem:$0x1F400] =	vst v63  }
0x1c5: {  	_ =	swait.ge [sflag:s25], $0x6400  }
0x1c6: {  	[sflag:s25] =	ssyncset.done $0x0  }
0x1c7: {  	s0 =	simm.s32 $0x6338;
	[sflag:s25] =	ssyncadd.s32 $0xFFFF9C00  }
0x1c8: {  	[tilespmem:s17], [sflag:$0x2] =	stream.indirect.gather [hbm4b:s1+s13], $0x80, s0, s13, $0xb8;
	[tilespmem:$0x1F400] =	vst v63  }
0x1c9: {  	_ = 	snop  }
0x1ca: {  	[tilespmem:s18], [sflag:$0x2] =	stream.indirect.gather [hbm4b:s1+s15], $0x80, s28, s15, $0xb8;
	[tilespmem:$0x1F400] =	vst v63  }
0x1cb: {  	_ =	swait.ge [sflag:s19], $0x4000  }
0x1cc: {  	[sflag:s19] =	ssyncset.done $0x0  }
0x1cd: {  	[sflag:s19] =	ssyncadd.s32 $0xFFFFC000  }
0x1ce: {  	_ =	swait.ge [sflag:s19], $0x2400  }
0x1cf: {  	[sflag:s19] =	ssyncset.done $0x0  }
0x1d0: {  	s2 =	simm.s32 $0x800;
	s0 =	simm.s32 $0x0;
	[sflag:s19] =	ssyncadd.s32 $0xFFFFDC00  }
.LBB2_10:
0x1d1: {  	p0 =	sne.s32 s2, $0x18800;
	v0 =	vld [tilespmem:s0+$0x65F0]  }
0x1d2: {  	v1 =	vld [tilespmem:s0+$0x6400]  }
0x1d3: {  	v2 =	vld [tilespmem:s0+$0x6410]  }
0x1d4: {  	v3 =	vld [tilespmem:s0+$0x6420]  }
0x1d5: {  	v4 =	vld [tilespmem:s0+$0x6430]  }
0x1d6: {  	[tilespmem:s0+$0xC9F0] =	vst.add.f32.msk $0xffff, v0  }
0x1d7: {  	v0 =	vld [tilespmem:s0+$0x6440]  }
0x1d8: {  	v5 =	vld [tilespmem:s0+$0x6450]  }
0x1d9: {  	v6 =	vld [tilespmem:s0+$0x6460]  }
0x1da: {  	v7 =	vld [tilespmem:s0+$0x6470]  }
0x1db: {  	v8 =	vld [tilespmem:s0+$0x6480]  }
0x1dc: {  	v9 =	vld [tilespmem:s0+$0x6490]  }
0x1dd: {  	v10 =	vld [tilespmem:s0+$0x64A0]  }
0x1de: {  	v11 =	vld [tilespmem:s0+$0x64B0]  }
0x1df: {  	v12 =	vld [tilespmem:s0+$0x64C0]  }
0x1e0: {  	v13 =	vld [tilespmem:s0+$0x64D0]  }
0x1e1: {  	v14 =	vld [tilespmem:s0+$0x64E0]  }
0x1e2: {  	v15 =	vld [tilespmem:s0+$0x64F0]  }
0x1e3: {  	v16 =	vld [tilespmem:s0+$0x6500]  }
0x1e4: {  	v17 =	vld [tilespmem:s0+$0x6510]  }
0x1e5: {  	v18 =	vld [tilespmem:s0+$0x6520]  }
0x1e6: {  	v19 =	vld [tilespmem:s0+$0x6530]  }
0x1e7: {  	v20 =	vld [tilespmem:s0+$0x6540]  }
0x1e8: {  	v21 =	vld [tilespmem:s0+$0x6550]  }
0x1e9: {  	v22 =	vld [tilespmem:s0+$0x6560]  }
0x1ea: {  	v23 =	vld [tilespmem:s0+$0x6570]  }
0x1eb: {  	v24 =	vld [tilespmem:s0+$0x6580]  }
0x1ec: {  	v25 =	vld [tilespmem:s0+$0x6590]  }
0x1ed: {  	v26 =	vld [tilespmem:s0+$0x65A0]  }
0x1ee: {  	v27 =	vld [tilespmem:s0+$0x65B0]  }
0x1ef: {  	v28 =	vld [tilespmem:s0+$0x65C0]  }
0x1f0: {  	v29 =	vld [tilespmem:s0+$0x65D0]  }
0x1f1: {  	v30 =	vld [tilespmem:s0+$0x65E0]  }
0x1f2: {  	[tilespmem:s0+$0xC800] =	vst.add.f32.msk $0xffff, v1  }
0x1f3: {  	[tilespmem:s0+$0xC810] =	vst.add.f32.msk $0xffff, v2  }
0x1f4: {  	[tilespmem:s0+$0xC820] =	vst.add.f32.msk $0xffff, v3  }
0x1f5: {  	[tilespmem:s0+$0xC830] =	vst.add.f32.msk $0xffff, v4  }
0x1f6: {  	[tilespmem:s0+$0xC840] =	vst.add.f32.msk $0xffff, v0  }
0x1f7: {  	[tilespmem:s0+$0xC850] =	vst.add.f32.msk $0xffff, v5  }
0x1f8: {  	[tilespmem:s0+$0xC860] =	vst.add.f32.msk $0xffff, v6  }
0x1f9: {  	[tilespmem:s0+$0xC870] =	vst.add.f32.msk $0xffff, v7  }
0x1fa: {  	[tilespmem:s0+$0xC880] =	vst.add.f32.msk $0xffff, v8  }
0x1fb: {  	[tilespmem:s0+$0xC890] =	vst.add.f32.msk $0xffff, v9  }
0x1fc: {  	[tilespmem:s0+$0xC8A0] =	vst.add.f32.msk $0xffff, v10  }
0x1fd: {  	[tilespmem:s0+$0xC8B0] =	vst.add.f32.msk $0xffff, v11  }
0x1fe: {  	[tilespmem:s0+$0xC8C0] =	vst.add.f32.msk $0xffff, v12  }
0x1ff: {  	[tilespmem:s0+$0xC8D0] =	vst.add.f32.msk $0xffff, v13  }
0x200: {  	[tilespmem:s0+$0xC8E0] =	vst.add.f32.msk $0xffff, v14  }
0x201: {  	[tilespmem:s0+$0xC8F0] =	vst.add.f32.msk $0xffff, v15  }
0x202: {  	[tilespmem:s0+$0xC900] =	vst.add.f32.msk $0xffff, v16  }
0x203: {  	[tilespmem:s0+$0xC910] =	vst.add.f32.msk $0xffff, v17  }
0x204: {  	[tilespmem:s0+$0xC920] =	vst.add.f32.msk $0xffff, v18  }
0x205: {  	[tilespmem:s0+$0xC930] =	vst.add.f32.msk $0xffff, v19  }
0x206: {  	[tilespmem:s0+$0xC940] =	vst.add.f32.msk $0xffff, v20  }
0x207: {  	[tilespmem:s0+$0xC950] =	vst.add.f32.msk $0xffff, v21  }
0x208: {  	[tilespmem:s0+$0xC960] =	vst.add.f32.msk $0xffff, v22  }
0x209: {  	[tilespmem:s0+$0xC970] =	vst.add.f32.msk $0xffff, v23  }
0x20a: {  	[tilespmem:s0+$0xC980] =	vst.add.f32.msk $0xffff, v24  }
0x20b: {  	[tilespmem:s0+$0xC990] =	vst.add.f32.msk $0xffff, v25  }
.Ltmp4:
0x20c: {  	[tilespmem:s0+$0xC9A0] =	vst.add.f32.msk $0xffff, v26;
	(pc) =	sbr.rel @p0 .LBB2_10-.Ltmp4, $4  }
0x20d: {  	[tilespmem:s0+$0xC9B0] =	vst.add.f32.msk $0xffff, v27  }
0x20e: {  	[tilespmem:s0+$0xC9C0] =	vst.add.f32.msk $0xffff, v28  }
0x20f: {  	[tilespmem:s0+$0xC9D0] =	vst.add.f32.msk $0xffff, v29  }
0x210: {  	[tilespmem:s0+$0xC9E0] =	vst.add.f32.msk $0xffff, v30;
	s0 =	sshra.s32 s2, $0x2;
	s2 =	sadd.s32 $0x800, s2  }
0x211: {  	v0 =	vld [tilespmem:s0+$0x65F0]  }
0x212: {  	v1 =	vld [tilespmem:s0+$0x6400]  }
0x213: {  	v2 =	vld [tilespmem:s0+$0x6410]  }
0x214: {  	v3 =	vld [tilespmem:s0+$0x6420]  }
0x215: {  	v4 =	vld [tilespmem:s0+$0x6430]  }
0x216: {  	v63 =	vld [tilespmem:s0+$0x6440]  }
0x217: {  	v5 =	vld [tilespmem:s0+$0x6450]  }
0x218: {  	v6 =	vld [tilespmem:s0+$0x6460]  }
0x219: {  	v7 =	vld [tilespmem:s0+$0x6470]  }
0x21a: {  	v8 =	vld [tilespmem:s0+$0x6480]  }
0x21b: {  	v9 =	vld [tilespmem:s0+$0x6490]  }
0x21c: {  	v10 =	vld [tilespmem:s0+$0x64A0]  }
0x21d: {  	v11 =	vld [tilespmem:s0+$0x64B0]  }
0x21e: {  	v12 =	vld [tilespmem:s0+$0x64C0]  }
0x21f: {  	v13 =	vld [tilespmem:s0+$0x64D0]  }
0x220: {  	v14 =	vld [tilespmem:s0+$0x64E0]  }
0x221: {  	v15 =	vld [tilespmem:s0+$0x64F0]  }
0x222: {  	v16 =	vld [tilespmem:s0+$0x6500]  }
0x223: {  	v17 =	vld [tilespmem:s0+$0x6510]  }
0x224: {  	v18 =	vld [tilespmem:s0+$0x6520]  }
0x225: {  	v19 =	vld [tilespmem:s0+$0x6530]  }
0x226: {  	v20 =	vld [tilespmem:s0+$0x6540]  }
0x227: {  	v21 =	vld [tilespmem:s0+$0x6550]  }
0x228: {  	v22 =	vld [tilespmem:s0+$0x6560]  }
0x229: {  	v23 =	vld [tilespmem:s0+$0x6570]  }
0x22a: {  	v24 =	vld [tilespmem:s0+$0x6580]  }
0x22b: {  	v25 =	vld [tilespmem:s0+$0x6590]  }
0x22c: {  	v26 =	vld [tilespmem:s0+$0x65A0]  }
0x22d: {  	v27 =	vld [tilespmem:s0+$0x65B0]  }
0x22e: {  	v28 =	vld [tilespmem:s0+$0x65C0]  }
0x22f: {  	v29 =	vld [tilespmem:s0+$0x65D0]  }
0x230: {  	v30 =	vld [tilespmem:s0+$0x65E0]  }
0x231: {  	[tilespmem:s0+$0xC9F0] =	vst.add.f32.msk $0xffff, v0  }
0x232: {  	[tilespmem:s0+$0xC800] =	vst.add.f32.msk $0xffff, v1  }
0x233: {  	[tilespmem:s0+$0xC810] =	vst.add.f32.msk $0xffff, v2  }
0x234: {  	[tilespmem:s0+$0xC820] =	vst.add.f32.msk $0xffff, v3  }
0x235: {  	[tilespmem:s0+$0xC830] =	vst.add.f32.msk $0xffff, v4  }
0x236: {  	[tilespmem:s0+$0xC840] =	vst.add.f32.msk $0xffff, v63  }
0x237: {  	[tilespmem:s0+$0xC850] =	vst.add.f32.msk $0xffff, v5  }
0x238: {  	[tilespmem:s0+$0xC860] =	vst.add.f32.msk $0xffff, v6  }
0x239: {  	[tilespmem:s0+$0xC870] =	vst.add.f32.msk $0xffff, v7  }
0x23a: {  	[tilespmem:s0+$0xC880] =	vst.add.f32.msk $0xffff, v8  }
0x23b: {  	[tilespmem:s0+$0xC890] =	vst.add.f32.msk $0xffff, v9  }
0x23c: {  	[tilespmem:s0+$0xC8A0] =	vst.add.f32.msk $0xffff, v10  }
0x23d: {  	[tilespmem:s0+$0xC8B0] =	vst.add.f32.msk $0xffff, v11  }
0x23e: {  	[tilespmem:s0+$0xC8C0] =	vst.add.f32.msk $0xffff, v12  }
0x23f: {  	[tilespmem:s0+$0xC8D0] =	vst.add.f32.msk $0xffff, v13  }
0x240: {  	[tilespmem:s0+$0xC8E0] =	vst.add.f32.msk $0xffff, v14  }
0x241: {  	[tilespmem:s0+$0xC8F0] =	vst.add.f32.msk $0xffff, v15  }
0x242: {  	[tilespmem:s0+$0xC900] =	vst.add.f32.msk $0xffff, v16  }
0x243: {  	[tilespmem:s0+$0xC910] =	vst.add.f32.msk $0xffff, v17  }
0x244: {  	[tilespmem:s0+$0xC920] =	vst.add.f32.msk $0xffff, v18  }
0x245: {  	[tilespmem:s0+$0xC930] =	vst.add.f32.msk $0xffff, v19  }
0x246: {  	[tilespmem:s0+$0xC940] =	vst.add.f32.msk $0xffff, v20  }
0x247: {  	[tilespmem:s0+$0xC950] =	vst.add.f32.msk $0xffff, v21  }
0x248: {  	[tilespmem:s0+$0xC960] =	vst.add.f32.msk $0xffff, v22  }
0x249: {  	[tilespmem:s0+$0xC970] =	vst.add.f32.msk $0xffff, v23  }
0x24a: {  	[tilespmem:s0+$0xC980] =	vst.add.f32.msk $0xffff, v24  }
0x24b: {  	[tilespmem:s0+$0xC990] =	vst.add.f32.msk $0xffff, v25  }
0x24c: {  	[tilespmem:s0+$0xC9A0] =	vst.add.f32.msk $0xffff, v26  }
0x24d: {  	[tilespmem:s0+$0xC9B0] =	vst.add.f32.msk $0xffff, v27  }
0x24e: {  	[tilespmem:s0+$0xC9C0] =	vst.add.f32.msk $0xffff, v28  }
0x24f: {  	[tilespmem:s0+$0xC9D0] =	vst.add.f32.msk $0xffff, v29  }
0x250: {  	s31 =	simm.s32 $0x0;
	[tilespmem:s0+$0xC9E0] =	vst.add.f32.msk $0xffff, v30  }
0x251: {  	[hbm4b:s8+s31] =	stream.linear.scatter [tilespmem:s14], [sflag:$0x4], $0x6400, $0x38;
	[tilespmem:$0x1F400] =	vst v63  }
0x252: {  	_ =	swait.ge [sflag:s22], $0x4000  }
0x253: {  	[sflag:s22] =	ssyncset.done $0x0  }
0x254: {  	[sflag:s22] =	ssyncadd.s32 $0xFFFFC000  }
0x255: {  	_ =	swait.ge [sflag:s22], $0x2400  }
0x256: {  	[sflag:s22] =	ssyncset.done $0x0  }
0x257: {  	s2 =	simm.s32 $0x800;
	s0 =	simm.s32 $0x0;
	[sflag:s22] =	ssyncadd.s32 $0xFFFFDC00  }
.LBB2_12:
0x258: {  	p0 =	sne.s32 s2, $0x18800;
	v0 =	vld [tilespmem:s0+$0x65F0]  }
0x259: {  	v1 =	vld [tilespmem:s0+$0x6400]  }
0x25a: {  	v2 =	vld [tilespmem:s0+$0x6410]  }
0x25b: {  	v3 =	vld [tilespmem:s0+$0x6420]  }
0x25c: {  	v4 =	vld [tilespmem:s0+$0x6430]  }
0x25d: {  	[tilespmem:s0+$0x12DF0] =	vst.add.f32.msk $0xffff, v0  }
0x25e: {  	v0 =	vld [tilespmem:s0+$0x6440]  }
0x25f: {  	v5 =	vld [tilespmem:s0+$0x6450]  }
0x260: {  	v6 =	vld [tilespmem:s0+$0x6460]  }
0x261: {  	v7 =	vld [tilespmem:s0+$0x6470]  }
0x262: {  	v8 =	vld [tilespmem:s0+$0x6480]  }
0x263: {  	v9 =	vld [tilespmem:s0+$0x6490]  }
0x264: {  	v10 =	vld [tilespmem:s0+$0x64A0]  }
0x265: {  	v11 =	vld [tilespmem:s0+$0x64B0]  }
0x266: {  	v12 =	vld [tilespmem:s0+$0x64C0]  }
0x267: {  	v13 =	vld [tilespmem:s0+$0x64D0]  }
0x268: {  	v14 =	vld [tilespmem:s0+$0x64E0]  }
0x269: {  	v15 =	vld [tilespmem:s0+$0x64F0]  }
0x26a: {  	v16 =	vld [tilespmem:s0+$0x6500]  }
0x26b: {  	v17 =	vld [tilespmem:s0+$0x6510]  }
0x26c: {  	v18 =	vld [tilespmem:s0+$0x6520]  }
0x26d: {  	v19 =	vld [tilespmem:s0+$0x6530]  }
0x26e: {  	v20 =	vld [tilespmem:s0+$0x6540]  }
0x26f: {  	v21 =	vld [tilespmem:s0+$0x6550]  }
0x270: {  	v22 =	vld [tilespmem:s0+$0x6560]  }
0x271: {  	v23 =	vld [tilespmem:s0+$0x6570]  }
0x272: {  	v24 =	vld [tilespmem:s0+$0x6580]  }
0x273: {  	v25 =	vld [tilespmem:s0+$0x6590]  }
0x274: {  	v26 =	vld [tilespmem:s0+$0x65A0]  }
0x275: {  	v27 =	vld [tilespmem:s0+$0x65B0]  }
0x276: {  	v28 =	vld [tilespmem:s0+$0x65C0]  }
0x277: {  	v29 =	vld [tilespmem:s0+$0x65D0]  }
0x278: {  	v30 =	vld [tilespmem:s0+$0x65E0]  }
0x279: {  	[tilespmem:s0+$0x12C00] =	vst.add.f32.msk $0xffff, v1  }
0x27a: {  	[tilespmem:s0+$0x12C10] =	vst.add.f32.msk $0xffff, v2  }
0x27b: {  	[tilespmem:s0+$0x12C20] =	vst.add.f32.msk $0xffff, v3  }
0x27c: {  	[tilespmem:s0+$0x12C30] =	vst.add.f32.msk $0xffff, v4  }
0x27d: {  	[tilespmem:s0+$0x12C40] =	vst.add.f32.msk $0xffff, v0  }
0x27e: {  	[tilespmem:s0+$0x12C50] =	vst.add.f32.msk $0xffff, v5  }
0x27f: {  	[tilespmem:s0+$0x12C60] =	vst.add.f32.msk $0xffff, v6  }
0x280: {  	[tilespmem:s0+$0x12C70] =	vst.add.f32.msk $0xffff, v7  }
0x281: {  	[tilespmem:s0+$0x12C80] =	vst.add.f32.msk $0xffff, v8  }
0x282: {  	[tilespmem:s0+$0x12C90] =	vst.add.f32.msk $0xffff, v9  }
0x283: {  	[tilespmem:s0+$0x12CA0] =	vst.add.f32.msk $0xffff, v10  }
0x284: {  	[tilespmem:s0+$0x12CB0] =	vst.add.f32.msk $0xffff, v11  }
0x285: {  	[tilespmem:s0+$0x12CC0] =	vst.add.f32.msk $0xffff, v12  }
0x286: {  	[tilespmem:s0+$0x12CD0] =	vst.add.f32.msk $0xffff, v13  }
0x287: {  	[tilespmem:s0+$0x12CE0] =	vst.add.f32.msk $0xffff, v14  }
0x288: {  	[tilespmem:s0+$0x12CF0] =	vst.add.f32.msk $0xffff, v15  }
0x289: {  	[tilespmem:s0+$0x12D00] =	vst.add.f32.msk $0xffff, v16  }
0x28a: {  	[tilespmem:s0+$0x12D10] =	vst.add.f32.msk $0xffff, v17  }
0x28b: {  	[tilespmem:s0+$0x12D20] =	vst.add.f32.msk $0xffff, v18  }
0x28c: {  	[tilespmem:s0+$0x12D30] =	vst.add.f32.msk $0xffff, v19  }
0x28d: {  	[tilespmem:s0+$0x12D40] =	vst.add.f32.msk $0xffff, v20  }
0x28e: {  	[tilespmem:s0+$0x12D50] =	vst.add.f32.msk $0xffff, v21  }
0x28f: {  	[tilespmem:s0+$0x12D60] =	vst.add.f32.msk $0xffff, v22  }
0x290: {  	[tilespmem:s0+$0x12D70] =	vst.add.f32.msk $0xffff, v23  }
0x291: {  	[tilespmem:s0+$0x12D80] =	vst.add.f32.msk $0xffff, v24  }
0x292: {  	[tilespmem:s0+$0x12D90] =	vst.add.f32.msk $0xffff, v25  }
.Ltmp5:
0x293: {  	[tilespmem:s0+$0x12DA0] =	vst.add.f32.msk $0xffff, v26;
	(pc) =	sbr.rel @p0 .LBB2_12-.Ltmp5, $4  }
0x294: {  	[tilespmem:s0+$0x12DB0] =	vst.add.f32.msk $0xffff, v27  }
0x295: {  	[tilespmem:s0+$0x12DC0] =	vst.add.f32.msk $0xffff, v28  }
0x296: {  	[tilespmem:s0+$0x12DD0] =	vst.add.f32.msk $0xffff, v29  }
0x297: {  	[tilespmem:s0+$0x12DE0] =	vst.add.f32.msk $0xffff, v30;
	s0 =	sshra.s32 s2, $0x2;
	s2 =	sadd.s32 $0x800, s2  }
0x298: {  	v0 =	vld [tilespmem:s0+$0x65F0]  }
0x299: {  	v1 =	vld [tilespmem:s0+$0x6400]  }
0x29a: {  	v2 =	vld [tilespmem:s0+$0x6410]  }
0x29b: {  	v3 =	vld [tilespmem:s0+$0x6420]  }
0x29c: {  	v4 =	vld [tilespmem:s0+$0x6430]  }
0x29d: {  	v63 =	vld [tilespmem:s0+$0x6440]  }
0x29e: {  	v5 =	vld [tilespmem:s0+$0x6450]  }
0x29f: {  	v6 =	vld [tilespmem:s0+$0x6460]  }
0x2a0: {  	v7 =	vld [tilespmem:s0+$0x6470]  }
0x2a1: {  	v8 =	vld [tilespmem:s0+$0x6480]  }
0x2a2: {  	v9 =	vld [tilespmem:s0+$0x6490]  }
0x2a3: {  	v10 =	vld [tilespmem:s0+$0x64A0]  }
0x2a4: {  	v11 =	vld [tilespmem:s0+$0x64B0]  }
0x2a5: {  	v12 =	vld [tilespmem:s0+$0x64C0]  }
0x2a6: {  	v13 =	vld [tilespmem:s0+$0x64D0]  }
0x2a7: {  	v14 =	vld [tilespmem:s0+$0x64E0]  }
0x2a8: {  	v15 =	vld [tilespmem:s0+$0x64F0]  }
0x2a9: {  	v16 =	vld [tilespmem:s0+$0x6500]  }
0x2aa: {  	v17 =	vld [tilespmem:s0+$0x6510]  }
0x2ab: {  	v18 =	vld [tilespmem:s0+$0x6520]  }
0x2ac: {  	v19 =	vld [tilespmem:s0+$0x6530]  }
0x2ad: {  	v20 =	vld [tilespmem:s0+$0x6540]  }
0x2ae: {  	v21 =	vld [tilespmem:s0+$0x6550]  }
0x2af: {  	v22 =	vld [tilespmem:s0+$0x6560]  }
0x2b0: {  	v23 =	vld [tilespmem:s0+$0x6570]  }
0x2b1: {  	v24 =	vld [tilespmem:s0+$0x6580]  }
0x2b2: {  	v25 =	vld [tilespmem:s0+$0x6590]  }
0x2b3: {  	v26 =	vld [tilespmem:s0+$0x65A0]  }
0x2b4: {  	v27 =	vld [tilespmem:s0+$0x65B0]  }
0x2b5: {  	v28 =	vld [tilespmem:s0+$0x65C0]  }
0x2b6: {  	v29 =	vld [tilespmem:s0+$0x65D0]  }
0x2b7: {  	v30 =	vld [tilespmem:s0+$0x65E0]  }
0x2b8: {  	[tilespmem:s0+$0x12DF0] =	vst.add.f32.msk $0xffff, v0  }
0x2b9: {  	[tilespmem:s0+$0x12C00] =	vst.add.f32.msk $0xffff, v1  }
0x2ba: {  	[tilespmem:s0+$0x12C10] =	vst.add.f32.msk $0xffff, v2  }
0x2bb: {  	[tilespmem:s0+$0x12C20] =	vst.add.f32.msk $0xffff, v3  }
0x2bc: {  	[tilespmem:s0+$0x12C30] =	vst.add.f32.msk $0xffff, v4  }
0x2bd: {  	[tilespmem:s0+$0x12C40] =	vst.add.f32.msk $0xffff, v63  }
0x2be: {  	[tilespmem:s0+$0x12C50] =	vst.add.f32.msk $0xffff, v5  }
0x2bf: {  	[tilespmem:s0+$0x12C60] =	vst.add.f32.msk $0xffff, v6  }
0x2c0: {  	[tilespmem:s0+$0x12C70] =	vst.add.f32.msk $0xffff, v7  }
0x2c1: {  	[tilespmem:s0+$0x12C80] =	vst.add.f32.msk $0xffff, v8  }
0x2c2: {  	[tilespmem:s0+$0x12C90] =	vst.add.f32.msk $0xffff, v9  }
0x2c3: {  	[tilespmem:s0+$0x12CA0] =	vst.add.f32.msk $0xffff, v10  }
0x2c4: {  	[tilespmem:s0+$0x12CB0] =	vst.add.f32.msk $0xffff, v11  }
0x2c5: {  	[tilespmem:s0+$0x12CC0] =	vst.add.f32.msk $0xffff, v12  }
0x2c6: {  	[tilespmem:s0+$0x12CD0] =	vst.add.f32.msk $0xffff, v13  }
0x2c7: {  	[tilespmem:s0+$0x12CE0] =	vst.add.f32.msk $0xffff, v14  }
0x2c8: {  	[tilespmem:s0+$0x12CF0] =	vst.add.f32.msk $0xffff, v15  }
0x2c9: {  	[tilespmem:s0+$0x12D00] =	vst.add.f32.msk $0xffff, v16  }
0x2ca: {  	[tilespmem:s0+$0x12D10] =	vst.add.f32.msk $0xffff, v17  }
0x2cb: {  	[tilespmem:s0+$0x12D20] =	vst.add.f32.msk $0xffff, v18  }
0x2cc: {  	[tilespmem:s0+$0x12D30] =	vst.add.f32.msk $0xffff, v19  }
0x2cd: {  	[tilespmem:s0+$0x12D40] =	vst.add.f32.msk $0xffff, v20  }
0x2ce: {  	[tilespmem:s0+$0x12D50] =	vst.add.f32.msk $0xffff, v21  }
0x2cf: {  	[tilespmem:s0+$0x12D60] =	vst.add.f32.msk $0xffff, v22  }
0x2d0: {  	[tilespmem:s0+$0x12D70] =	vst.add.f32.msk $0xffff, v23  }
0x2d1: {  	[tilespmem:s0+$0x12D80] =	vst.add.f32.msk $0xffff, v24  }
0x2d2: {  	[tilespmem:s0+$0x12D90] =	vst.add.f32.msk $0xffff, v25  }
0x2d3: {  	[tilespmem:s0+$0x12DA0] =	vst.add.f32.msk $0xffff, v26  }
0x2d4: {  	[tilespmem:s0+$0x12DB0] =	vst.add.f32.msk $0xffff, v27  }
0x2d5: {  	[tilespmem:s0+$0x12DC0] =	vst.add.f32.msk $0xffff, v28  }
0x2d6: {  	[tilespmem:s0+$0x12DD0] =	vst.add.f32.msk $0xffff, v29  }
0x2d7: {  	[tilespmem:s0+$0x12DE0] =	vst.add.f32.msk $0xffff, v30  }
0x2d8: {  	[hbm4b:s9+s5] =	stream.linear.scatter [tilespmem:s17], [sflag:$0x5], $0x6400, $0x38;
	[tilespmem:$0x1F400] =	vst v63  }
0x2d9: {  	_ =	swait.ge [sflag:s23], $0x6400  }
0x2da: {  	[sflag:s23] =	ssyncset.done $0x0  }
0x2db: {  	s30 =	sadd.s32 $0x1, s30;
	[sflag:s23] =	ssyncadd.s32 $0xFFFF9C00  }
0x2dc: {  	p0 =	sne.s32 s30, s10;
	_ =	swait.ge [sflag:s25], $0x6400  }
.Ltmp6:
0x2dd: {  	[sflag:s25] =	ssyncset.done $0x0;
	(pc) =	sbr.rel @p0 .LBB2_1-.Ltmp6, $4  }
0x2de: {  	[sflag:s25] =	ssyncadd.s32 $0xFFFF9C00  }
0x2df: {  	_ =	swait.ge [sflag:s29], $0x6400  }
0x2e0: {  	[sflag:s29] =	ssyncset.done $0x0  }
0x2e1: {  	[sflag:s29] =	ssyncadd.s32 $0xFFFF9C00  }
0x2e2: {  	_ =	sfence.sel $0x180000  }
0x2e3: {  	[bflag:$0x0] =	sbarrier.arrive $0xFFFF  }
0x2e4: {  	_ =	strace $0x90000047  }
0x2e5: {  	s0 =	stileid.u32;
	[bflag:$0x2] =	sbarrier.arrive $0xFFFF  }
0x2e6: {  	p0 =	sne.s32 s0, $0x0;
	s0 =	rddreg [dreg:$0x4]  }
0x2e7: {  	s0 =	sadd.s32 @!p0 $0x100000, s0  }
0x2e8: {  	[sflag:s0] =	ssyncadd.tile.s32 @!p0 $0x1;
	_ =	shalt  }
.Lfunc_end2:
_tile_overlayer_lowered:
.L_overlay_start_2:
0x2e9: {  	(tag) =	ssettag $0x2  }
0x2ea: {  	s0 =	rddreg [dreg:$0x0];
	s2 =	stileid.u32  }
0x2eb: {  	s1 =	rddreg [dreg:$0x1];
	p0 =	sne.s32 s2, $0x0  }
0x2ec: {  	s3 =	rddreg [dreg:$0x2];
	[bflag:$0x3] =	sbarrier.arrive $0xFFFF;
	s2 =	simm.s32 @!p0 $0x1C07  }
0x2ed: {  	[timem:s3], [sflag:s2] =	dma.local @!p0 [hbm:s0], s1  }
0x2ee: {  	s0 =	simm.s32 @!p0 $0x7  }
0x2ef: {  	_ =	swait.ge @!p0 [sflag:s0], s1  }
0x2f0: {  	s1 =	ssub.s32 @!p0 $0x0, s1;
	[sflag:s0] =	ssyncset.done @!p0 $0x0  }
0x2f1: {  	[sflag:s0] =	ssyncadd.s32 @!p0 s1  }
0x2f2: {  	[bflag:$0x3] =	sbarrier.arrive $0xFFFF  }
0x2f3: {  	_ =	shalt  }

</sc_bundles>
